<compile_context>
chip_gen: v7x
topology: tpu7x:2x2x1
jax: 0.10.2.dev20260603
libtpu: 0.0.44.dev20260713+nightly
codegen_flags: <defaults>
</compile_context>

<pallas_src>
import jax
import jax.numpy as jnp
import numpy as np
from jax import lax
from jax.experimental import pallas as pl
from jax.experimental.pallas import tpu as pltpu
from jax.experimental.pallas import tpu_sc as plsc

_PATCH = 14
_NC, _NS = 2, 16
_NW = _NC * _NS
_LANES = 16
_CHUNKS = 14

_TABLE_CACHE = {}


def _perm_tables(B, nh, nw):
    key_ = (B, nh, nw)
    p = _PATCH
    L = nh * nw
    rows = nh * p * nw

    def make():
        key = jax.random.key(42)
        keys = jax.random.split(key, B)
        return jnp.stack([jax.random.permutation(k, L) for k in keys])

    if key_ not in _TABLE_CACHE:
        try:
            with jax.default_device(jax.devices("cpu")[0]), \
                    jax.ensure_compile_time_eval():
                _TABLE_CACHE[key_] = np.asarray(make())
        except Exception:
            pass

    if key_ in _TABLE_CACHE:
        perms = _TABLE_CACHE[key_]
        xp = np
    else:
        perms = make()
        xp = jnp

    sh = (perms // nw).reshape(B, nh, nw)
    sw = (perms % nw).reshape(B, nh, nw)
    r = xp.arange(p, dtype=xp.int32)
    off_h = sh[:, :, None, :] * p + r[None, None, :, None]
    off_w = xp.broadcast_to(sw[:, :, None, :] * p, (B, nh, p, nw))
    return (off_h.reshape(B, rows).astype(xp.int32),
            off_w.reshape(B, rows).astype(xp.int32))


def kernel(x):
    B, C, H, W = x.shape
    p = _PATCH
    nh, nw = H // p, W // p
    rows = H * nw
    n_img = B * C
    assert n_img % _NW == 0
    imgs_per_w = n_img // _NW
    assert imgs_per_w % 2 == 0
    assert C % imgs_per_w == 0
    assert H % _CHUNKS == 0

    chunk_h = H // _CHUNKS
    blk_per_chunk = chunk_h

    off_h_np, off_w_np = _perm_tables(B, nh, nw)
    off_h = jnp.asarray(off_h_np)
    off_w = jnp.asarray(off_w_np)

    def body(x_ref, offh_ref, offw_ref, out_ref,
             in0, in1, st0, st1, offh_v, offw_v, si0, si1, ss0, ss1):
        cid = lax.axis_index("c")
        sid = lax.axis_index("s")
        wid = sid * _NC + cid
        first = wid * imgs_per_w
        b = first // C
        c0 = first - b * C
        pltpu.sync_copy(offh_ref.at[b], offh_v)
        pltpu.sync_copy(offw_ref.at[b], offw_v)

        iota = lax.iota(jnp.int32, _LANES)
        i14 = iota * jnp.full((_LANES,), p, jnp.int32)
        one = jnp.full((_LANES,), 1, jnp.int32)
        cvecs = [i14 + jnp.full((_LANES,), j, jnp.int32) for j in range(p)]

        ins = [in0, in1]
        isems = [si0, si1]
        stages = [st0, st1]
        ssems = [ss0, ss1]

        def shuffle_chunk(inbuf, stage, c):
            @plsc.parallel_loop(0, blk_per_chunk, unroll=1)
            def blk(tt):
                o0 = (c * chunk_h + tt) * nw
                hvec = offh_v[pl.ds(o0, _LANES)]
                wvec = offw_v[pl.ds(o0, _LANES)]
                rvec = jnp.full((_LANES,), tt, jnp.int32)
                for j in range(p):
                    v = plsc.load_gather(inbuf, [hvec, wvec])
                    plsc.store_scatter(stage, [rvec, cvecs[j]], v)
                    wvec = wvec + one

        pltpu.async_copy(x_ref.at[b, c0], in0, si0)
        pltpu.async_copy(x_ref.at[b, c0 + 1], in1, si1)

        def pair(k2, carry):
            for h in range(2):
                k = k2 * 2 + h
                cc = c0 + k
                pltpu.make_async_copy(
                    x_ref.at[b, cc], ins[h], isems[h]).wait()

                def chunk_pair(q, carry2):
                    for s in range(2):
                        c = q * 2 + s
                        st = stages[s]

                        @pl.when(q > 0)
                        def _():
                            pltpu.make_async_copy(
                                st,
                                out_ref.at[b, cc,
                                           pl.ds((c - 2) * chunk_h,
                                                 chunk_h)],
                                ssems[s]).wait()

                        shuffle_chunk(ins[h], st, c)
                        pltpu.async_copy(
                            st,
                            out_ref.at[b, cc, pl.ds(c * chunk_h, chunk_h)],
                            ssems[s])
                    return carry2

                lax.fori_loop(0, _CHUNKS // 2, chunk_pair, 0)
                @pl.when(k2 + 1 < imgs_per_w // 2)
                def _():
                    pltpu.async_copy(x_ref.at[b, cc + 2], ins[h], isems[h])
                for c in (_CHUNKS - 2, _CHUNKS - 1):
                    pltpu.make_async_copy(
                        stages[c % 2],
                        out_ref.at[b, cc, pl.ds(c * chunk_h, chunk_h)],
                        ssems[c % 2]).wait()
            return carry

        lax.fori_loop(0, imgs_per_w // 2, pair, 0)

    f = pl.kernel(
        body,
        out_type=jax.ShapeDtypeStruct((B, C, H, W), jnp.float32),
        mesh=plsc.VectorSubcoreMesh(
            core_axis_name="c", subcore_axis_name="s",
            num_cores=_NC, num_subcores=_NS),
        compiler_params=pltpu.CompilerParams(
            use_tc_tiling_on_sc=True, needs_layout_passes=False),
        scratch_types=[
            pltpu.VMEM((H, W), jnp.float32),
            pltpu.VMEM((H, W), jnp.float32),
            pltpu.VMEM((chunk_h, W), jnp.float32),
            pltpu.VMEM((chunk_h, W), jnp.float32),
            pltpu.VMEM((rows,), jnp.int32),
            pltpu.VMEM((rows,), jnp.int32),
            pltpu.SemaphoreType.DMA,
            pltpu.SemaphoreType.DMA,
            pltpu.SemaphoreType.DMA,
            pltpu.SemaphoreType.DMA,
        ],
    )
    return f(x, off_h, off_w)

# --- scband reference (transcript-rebuilt; emitter-appended) ---
"""Pipeline reference for scband-shuffle-patches-45878840656651 (READ-ONLY COPY).

The authoritative reference and input builder live on the scoring server;
editing this copy changes nothing except your own understanding.
"""

import jax, jax.numpy as jnp
import numpy as np

PATCH = 14

def setup_inputs(seed: int = 0) -> dict:
    key = jax.random.key(seed)
    x = jax.random.normal(key, (16, 96, 224, 224), dtype=jnp.float32)
    return {"x": x}

def reference(x):
    B, C, H, W = x.shape
    p = PATCH
    nh, nw = H // p, W // p
    L = nh * nw
    # unfold(x, kernel_size=p, stride=p): [B, C*p*p, L], channel order (c, kh, kw), blocks row-major
    patches = x.reshape(B, C, nh, p, nw, p).transpose(0, 1, 3, 5, 2, 4).reshape(B, C * p * p, L)
    # per-batch-element random permutation of patch positions (torch.randperm analogue)
    key = jax.random.key(42)
    keys = jax.random.split(key, B)
    perms = jnp.stack([jax.random.permutation(k, L) for k in keys])  # [B, L] int32
    permuted = jnp.take_along_axis(patches, perms[:, None, :], axis=2)
    # fold back to [B, C, H, W]
    folded = permuted.reshape(B, C, p, p, nh, nw).transpose(0, 1, 4, 2, 5, 3).reshape(B, C, H, W)
    return folded

if __name__ == "__main__":
    import jax
    _d = setup_inputs()
    print(jax.jit(kernel)(*tuple(_d.values())))

</pallas_src>

<mosaic_0001>
#map = affine_map<(d0, d1) -> (0, 0, 0, 0)>
#map1 = affine_map<(d0, d1) -> (0, 0)>
module attributes {stable_mosaic.version = 14 : i64} {
  func.func @body(%arg0: i32, %arg1: i32, %arg2: memref<16x96x224x224xf32, #tpu.memory_space<hbm>>, %arg3: memref<16x3584xi32, #tpu.memory_space<hbm>>, %arg4: memref<16x3584xi32, #tpu.memory_space<hbm>>, %arg5: memref<16x96x224x224xf32, #tpu.memory_space<hbm>>, %arg6: memref<224x224xf32, #tpu.memory_space<vmem>>, %arg7: memref<224x224xf32, #tpu.memory_space<vmem>>, %arg8: memref<16x224xf32, #tpu.memory_space<vmem>>, %arg9: memref<16x224xf32, #tpu.memory_space<vmem>>, %arg10: memref<3584xi32, #tpu.memory_space<vmem>>, %arg11: memref<3584xi32, #tpu.memory_space<vmem>>, %arg12: memref<!tpu.dma_semaphore, #tpu.memory_space<semaphore_mem>>, %arg13: memref<!tpu.dma_semaphore, #tpu.memory_space<semaphore_mem>>, %arg14: memref<!tpu.dma_semaphore, #tpu.memory_space<semaphore_mem>>, %arg15: memref<!tpu.dma_semaphore, #tpu.memory_space<semaphore_mem>>) attributes {dimension_semantics = [#tpu.dimension_semantics<core_parallel>, #tpu.dimension_semantics<subcore_parallel>], iteration_bounds = array<i64: 2, 16>, scalar_prefetch = 0 : i64, scratch_operands = 10 : i64, tpu.core_type = #tpu.core_type<sc_vector_subcore>, window_params = [{transform_indices = #map}, {transform_indices = #map1}, {transform_indices = #map1}, {transform_indices = #map}]} {
    %mul3A = arith.constant 2 : i32
    %mul3A_0 = arith.muli %arg1, %mul3A : i32
    %add3A = arith.addi %mul3A_0, %arg0 : i32
    %mul3A_1 = arith.constant 48 : i32
    %mul3A_2 = arith.muli %add3A, %mul3A_1 : i32
    %jit3A = arith.constant 96 : i32
    %div3A = arith.divsi %mul3A_2, %jit3A : i32
    %sign3A = arith.constant 0 : i32
    %sign3A_3 = arith.cmpi sgt, %mul3A_2, %sign3A : i32
    %sign3A_4 = arith.extui %sign3A_3 : i1 to i32
    %sign3A_5 = arith.constant 0 : i32
    %sign3A_6 = arith.cmpi slt, %mul3A_2, %sign3A_5 : i32
    %sign3A_7 = arith.extui %sign3A_6 : i1 to i32
    %sign3A_8 = arith.subi %sign3A_4, %sign3A_7 : i32
    %sign3A_9 = arith.constant 0 : i32
    %sign3A_10 = arith.cmpi sgt, %jit3A, %sign3A_9 : i32
    %sign3A_11 = arith.extui %sign3A_10 : i1 to i32
    %sign3A_12 = arith.constant 0 : i32
    %sign3A_13 = arith.cmpi slt, %jit3A, %sign3A_12 : i32
    %sign3A_14 = arith.extui %sign3A_13 : i1 to i32
    %sign3A_15 = arith.subi %sign3A_11, %sign3A_14 : i32
    %ne3A = arith.cmpi ne, %sign3A_8, %sign3A_15 : i32
    %rem3A = arith.remsi %mul3A_2, %jit3A : i32
    %ne3A_16 = arith.constant 0 : i32
    %ne3A_17 = arith.cmpi ne, %rem3A, %ne3A_16 : i32
    %and3A = arith.andi %ne3A, %ne3A_17 : i1
    %sub3A = arith.constant 1 : i32
    %sub3A_18 = arith.subi %div3A, %sub3A : i32
    %select_n3A = arith.select %and3A, %sub3A_18, %div3A : i32
    %mul3A_19 = arith.constant 96 : i32
    %mul3A_20 = arith.muli %select_n3A, %mul3A_19 : i32
    %sub3A_21 = arith.subi %mul3A_2, %mul3A_20 : i32
    "tpu.region"() ({
      %run_scoped3A = tpu.sem_alloc : memref<!tpu.dma_semaphore, #tpu.memory_space<semaphore_mem>>
      %dma_start3A_90 = arith.constant 0 : i32
      %dma_start3A_91 = tpu.memref_slice %arg3[%select_n3A, %dma_start3A_90] : memref<16x3584xi32, #tpu.memory_space<hbm>> -> memref<1x3584xi32, #tpu.memory_space<hbm>>
      %dma_start3A_92 = tpu.memref_squeeze %dma_start3A_91 : memref<1x3584xi32, #tpu.memory_space<hbm>> -> memref<3584xi32, #tpu.memory_space<hbm>>
      %dma_start3A_93 = arith.constant 0 : i32
      %dma_start3A_94 = tpu.memref_slice %arg3[%select_n3A, %dma_start3A_93] : memref<16x3584xi32, #tpu.memory_space<hbm>> -> memref<1x3584xi32, #tpu.memory_space<hbm>>
      %dma_start3A_95 = tpu.memref_squeeze %dma_start3A_94 : memref<1x3584xi32, #tpu.memory_space<hbm>> -> memref<3584xi32, #tpu.memory_space<hbm>>
      tpu.enqueue_dma source(%dma_start3A_95 : memref<3584xi32, #tpu.memory_space<hbm>>) target(%arg10 : memref<3584xi32, #tpu.memory_space<vmem>>) target_semaphore(%run_scoped3A : memref<!tpu.dma_semaphore, #tpu.memory_space<semaphore_mem>>)
      %dma_wait3A = arith.constant 0 : i32
      %dma_wait3A_96 = tpu.memref_slice %arg3[%select_n3A, %dma_wait3A] : memref<16x3584xi32, #tpu.memory_space<hbm>> -> memref<1x3584xi32, #tpu.memory_space<hbm>>
      %dma_wait3A_97 = tpu.memref_squeeze %dma_wait3A_96 : memref<1x3584xi32, #tpu.memory_space<hbm>> -> memref<3584xi32, #tpu.memory_space<hbm>>
      %dma_wait3A_98 = arith.constant 0 : i32
      %dma_wait3A_99 = tpu.memref_slice %arg3[%select_n3A, %dma_wait3A_98] : memref<16x3584xi32, #tpu.memory_space<hbm>> -> memref<1x3584xi32, #tpu.memory_space<hbm>>
      %dma_wait3A_100 = tpu.memref_squeeze %dma_wait3A_99 : memref<1x3584xi32, #tpu.memory_space<hbm>> -> memref<3584xi32, #tpu.memory_space<hbm>>
      tpu.wait_dma2 semaphore(%run_scoped3A : memref<!tpu.dma_semaphore, #tpu.memory_space<semaphore_mem>>) src(%dma_wait3A_100 : memref<3584xi32, #tpu.memory_space<hbm>>) dst(%arg10 : memref<3584xi32, #tpu.memory_space<vmem>>)
      tpu.yield
    }) : () -> ()
    "tpu.region"() ({
      %run_scoped3A = tpu.sem_alloc : memref<!tpu.dma_semaphore, #tpu.memory_space<semaphore_mem>>
      %dma_start3A_90 = arith.constant 0 : i32
      %dma_start3A_91 = tpu.memref_slice %arg4[%select_n3A, %dma_start3A_90] : memref<16x3584xi32, #tpu.memory_space<hbm>> -> memref<1x3584xi32, #tpu.memory_space<hbm>>
      %dma_start3A_92 = tpu.memref_squeeze %dma_start3A_91 : memref<1x3584xi32, #tpu.memory_space<hbm>> -> memref<3584xi32, #tpu.memory_space<hbm>>
      %dma_start3A_93 = arith.constant 0 : i32
      %dma_start3A_94 = tpu.memref_slice %arg4[%select_n3A, %dma_start3A_93] : memref<16x3584xi32, #tpu.memory_space<hbm>> -> memref<1x3584xi32, #tpu.memory_space<hbm>>
      %dma_start3A_95 = tpu.memref_squeeze %dma_start3A_94 : memref<1x3584xi32, #tpu.memory_space<hbm>> -> memref<3584xi32, #tpu.memory_space<hbm>>
      tpu.enqueue_dma source(%dma_start3A_95 : memref<3584xi32, #tpu.memory_space<hbm>>) target(%arg11 : memref<3584xi32, #tpu.memory_space<vmem>>) target_semaphore(%run_scoped3A : memref<!tpu.dma_semaphore, #tpu.memory_space<semaphore_mem>>)
      %dma_wait3A = arith.constant 0 : i32
      %dma_wait3A_96 = tpu.memref_slice %arg4[%select_n3A, %dma_wait3A] : memref<16x3584xi32, #tpu.memory_space<hbm>> -> memref<1x3584xi32, #tpu.memory_space<hbm>>
      %dma_wait3A_97 = tpu.memref_squeeze %dma_wait3A_96 : memref<1x3584xi32, #tpu.memory_space<hbm>> -> memref<3584xi32, #tpu.memory_space<hbm>>
      %dma_wait3A_98 = arith.constant 0 : i32
      %dma_wait3A_99 = tpu.memref_slice %arg4[%select_n3A, %dma_wait3A_98] : memref<16x3584xi32, #tpu.memory_space<hbm>> -> memref<1x3584xi32, #tpu.memory_space<hbm>>
      %dma_wait3A_100 = tpu.memref_squeeze %dma_wait3A_99 : memref<1x3584xi32, #tpu.memory_space<hbm>> -> memref<3584xi32, #tpu.memory_space<hbm>>
      tpu.wait_dma2 semaphore(%run_scoped3A : memref<!tpu.dma_semaphore, #tpu.memory_space<semaphore_mem>>) src(%dma_wait3A_100 : memref<3584xi32, #tpu.memory_space<hbm>>) dst(%arg11 : memref<3584xi32, #tpu.memory_space<vmem>>)
      tpu.yield
    }) : () -> ()
    %iota3A = tpu.iota {dimensions = array<i32: 0>} : vector<16xi32>
    %broadcast_in_dim3A = arith.constant 14 : i32
    %broadcast_in_dim3A_22 = vector.broadcast %broadcast_in_dim3A : i32 to vector<16xi32>
    %mul3A_23 = arith.muli %iota3A, %broadcast_in_dim3A_22 : vector<16xi32>
    %broadcast_in_dim3A_24 = arith.constant 1 : i32
    %broadcast_in_dim3A_25 = vector.broadcast %broadcast_in_dim3A_24 : i32 to vector<16xi32>
    %broadcast_in_dim3A_26 = arith.constant 0 : i32
    %broadcast_in_dim3A_27 = vector.broadcast %broadcast_in_dim3A_26 : i32 to vector<16xi32>
    %add3A_28 = arith.addi %mul3A_23, %broadcast_in_dim3A_27 : vector<16xi32>
    %broadcast_in_dim3A_29 = arith.constant 1 : i32
    %broadcast_in_dim3A_30 = vector.broadcast %broadcast_in_dim3A_29 : i32 to vector<16xi32>
    %add3A_31 = arith.addi %mul3A_23, %broadcast_in_dim3A_30 : vector<16xi32>
    %broadcast_in_dim3A_32 = arith.constant 2 : i32
    %broadcast_in_dim3A_33 = vector.broadcast %broadcast_in_dim3A_32 : i32 to vector<16xi32>
    %add3A_34 = arith.addi %mul3A_23, %broadcast_in_dim3A_33 : vector<16xi32>
    %broadcast_in_dim3A_35 = arith.constant 3 : i32
    %broadcast_in_dim3A_36 = vector.broadcast %broadcast_in_dim3A_35 : i32 to vector<16xi32>
    %add3A_37 = arith.addi %mul3A_23, %broadcast_in_dim3A_36 : vector<16xi32>
    %broadcast_in_dim3A_38 = arith.constant 4 : i32
    %broadcast_in_dim3A_39 = vector.broadcast %broadcast_in_dim3A_38 : i32 to vector<16xi32>
    %add3A_40 = arith.addi %mul3A_23, %broadcast_in_dim3A_39 : vector<16xi32>
    %broadcast_in_dim3A_41 = arith.constant 5 : i32
    %broadcast_in_dim3A_42 = vector.broadcast %broadcast_in_dim3A_41 : i32 to vector<16xi32>
    %add3A_43 = arith.addi %mul3A_23, %broadcast_in_dim3A_42 : vector<16xi32>
    %broadcast_in_dim3A_44 = arith.constant 6 : i32
    %broadcast_in_dim3A_45 = vector.broadcast %broadcast_in_dim3A_44 : i32 to vector<16xi32>
    %add3A_46 = arith.addi %mul3A_23, %broadcast_in_dim3A_45 : vector<16xi32>
    %broadcast_in_dim3A_47 = arith.constant 7 : i32
    %broadcast_in_dim3A_48 = vector.broadcast %broadcast_in_dim3A_47 : i32 to vector<16xi32>
    %add3A_49 = arith.addi %mul3A_23, %broadcast_in_dim3A_48 : vector<16xi32>
    %broadcast_in_dim3A_50 = arith.constant 8 : i32
    %broadcast_in_dim3A_51 = vector.broadcast %broadcast_in_dim3A_50 : i32 to vector<16xi32>
    %add3A_52 = arith.addi %mul3A_23, %broadcast_in_dim3A_51 : vector<16xi32>
    %broadcast_in_dim3A_53 = arith.constant 9 : i32
    %broadcast_in_dim3A_54 = vector.broadcast %broadcast_in_dim3A_53 : i32 to vector<16xi32>
    %add3A_55 = arith.addi %mul3A_23, %broadcast_in_dim3A_54 : vector<16xi32>
    %broadcast_in_dim3A_56 = arith.constant 10 : i32
    %broadcast_in_dim3A_57 = vector.broadcast %broadcast_in_dim3A_56 : i32 to vector<16xi32>
    %add3A_58 = arith.addi %mul3A_23, %broadcast_in_dim3A_57 : vector<16xi32>
    %broadcast_in_dim3A_59 = arith.constant 11 : i32
    %broadcast_in_dim3A_60 = vector.broadcast %broadcast_in_dim3A_59 : i32 to vector<16xi32>
    %add3A_61 = arith.addi %mul3A_23, %broadcast_in_dim3A_60 : vector<16xi32>
    %broadcast_in_dim3A_62 = arith.constant 12 : i32
    %broadcast_in_dim3A_63 = vector.broadcast %broadcast_in_dim3A_62 : i32 to vector<16xi32>
    %add3A_64 = arith.addi %mul3A_23, %broadcast_in_dim3A_63 : vector<16xi32>
    %broadcast_in_dim3A_65 = arith.constant 13 : i32
    %broadcast_in_dim3A_66 = vector.broadcast %broadcast_in_dim3A_65 : i32 to vector<16xi32>
    %add3A_67 = arith.addi %mul3A_23, %broadcast_in_dim3A_66 : vector<16xi32>
    %dma_start3A = arith.constant 0 : i32
    %dma_start3A_68 = arith.constant 0 : i32
    %dma_start3A_69 = tpu.memref_slice %arg2[%select_n3A, %sub3A_21, %dma_start3A, %dma_start3A_68] : memref<16x96x224x224xf32, #tpu.memory_space<hbm>> -> memref<1x1x224x224xf32, #tpu.memory_space<hbm>>
    %dma_start3A_70 = tpu.memref_squeeze %dma_start3A_69 : memref<1x1x224x224xf32, #tpu.memory_space<hbm>> -> memref<224x224xf32, #tpu.memory_space<hbm>>
    %dma_start3A_71 = arith.constant 0 : i32
    %dma_start3A_72 = arith.constant 0 : i32
    %dma_start3A_73 = tpu.memref_slice %arg2[%select_n3A, %sub3A_21, %dma_start3A_71, %dma_start3A_72] : memref<16x96x224x224xf32, #tpu.memory_space<hbm>> -> memref<1x1x224x224xf32, #tpu.memory_space<hbm>>
    %dma_start3A_74 = tpu.memref_squeeze %dma_start3A_73 : memref<1x1x224x224xf32, #tpu.memory_space<hbm>> -> memref<224x224xf32, #tpu.memory_space<hbm>>
    tpu.enqueue_dma source(%dma_start3A_74 : memref<224x224xf32, #tpu.memory_space<hbm>>) target(%arg6 : memref<224x224xf32, #tpu.memory_space<vmem>>) target_semaphore(%arg12 : memref<!tpu.dma_semaphore, #tpu.memory_space<semaphore_mem>>)
    %add3A_75 = arith.constant 1 : i32
    %add3A_76 = arith.addi %sub3A_21, %add3A_75 : i32
    %dma_start3A_77 = arith.constant 0 : i32
    %dma_start3A_78 = arith.constant 0 : i32
    %dma_start3A_79 = tpu.memref_slice %arg2[%select_n3A, %add3A_76, %dma_start3A_77, %dma_start3A_78] : memref<16x96x224x224xf32, #tpu.memory_space<hbm>> -> memref<1x1x224x224xf32, #tpu.memory_space<hbm>>
    %dma_start3A_80 = tpu.memref_squeeze %dma_start3A_79 : memref<1x1x224x224xf32, #tpu.memory_space<hbm>> -> memref<224x224xf32, #tpu.memory_space<hbm>>
    %dma_start3A_81 = arith.constant 0 : i32
    %dma_start3A_82 = arith.constant 0 : i32
    %dma_start3A_83 = tpu.memref_slice %arg2[%select_n3A, %add3A_76, %dma_start3A_81, %dma_start3A_82] : memref<16x96x224x224xf32, #tpu.memory_space<hbm>> -> memref<1x1x224x224xf32, #tpu.memory_space<hbm>>
    %dma_start3A_84 = tpu.memref_squeeze %dma_start3A_83 : memref<1x1x224x224xf32, #tpu.memory_space<hbm>> -> memref<224x224xf32, #tpu.memory_space<hbm>>
    tpu.enqueue_dma source(%dma_start3A_84 : memref<224x224xf32, #tpu.memory_space<hbm>>) target(%arg7 : memref<224x224xf32, #tpu.memory_space<vmem>>) target_semaphore(%arg13 : memref<!tpu.dma_semaphore, #tpu.memory_space<semaphore_mem>>)
    %scan3A = arith.constant 0 : i32
    %scan3A_85 = arith.constant 0 : i32
    %scan3A_86 = arith.constant 24 : i32
    %scan3A_87 = arith.addi %scan3A_85, %scan3A_86 : i32
    %scan3A_88 = arith.constant 1 : i32
    scf.for %scan3A_90 = %scan3A_85 to %scan3A_87 step %scan3A_88  : i32 {
      %mul3A_91 = arith.constant 2 : i32
      %mul3A_92 = arith.muli %scan3A_90, %mul3A_91 : i32
      %add3A_93 = arith.constant 0 : i32
      %add3A_94 = arith.addi %mul3A_92, %add3A_93 : i32
      %add3A_95 = arith.addi %sub3A_21, %add3A_94 : i32
      %dma_wait3A = arith.constant 0 : i32
      %dma_wait3A_96 = arith.constant 0 : i32
      %dma_wait3A_97 = tpu.memref_slice %arg2[%select_n3A, %add3A_95, %dma_wait3A, %dma_wait3A_96] : memref<16x96x224x224xf32, #tpu.memory_space<hbm>> -> memref<1x1x224x224xf32, #tpu.memory_space<hbm>>
      %dma_wait3A_98 = tpu.memref_squeeze %dma_wait3A_97 : memref<1x1x224x224xf32, #tpu.memory_space<hbm>> -> memref<224x224xf32, #tpu.memory_space<hbm>>
      %dma_wait3A_99 = arith.constant 0 : i32
      %dma_wait3A_100 = arith.constant 0 : i32
      %dma_wait3A_101 = tpu.memref_slice %arg2[%select_n3A, %add3A_95, %dma_wait3A_99, %dma_wait3A_100] : memref<16x96x224x224xf32, #tpu.memory_space<hbm>> -> memref<1x1x224x224xf32, #tpu.memory_space<hbm>>
      %dma_wait3A_102 = tpu.memref_squeeze %dma_wait3A_101 : memref<1x1x224x224xf32, #tpu.memory_space<hbm>> -> memref<224x224xf32, #tpu.memory_space<hbm>>
      tpu.wait_dma2 semaphore(%arg12 : memref<!tpu.dma_semaphore, #tpu.memory_space<semaphore_mem>>) src(%dma_wait3A_102 : memref<224x224xf32, #tpu.memory_space<hbm>>) dst(%arg6 : memref<224x224xf32, #tpu.memory_space<vmem>>)
      %scan3A_103 = arith.constant 0 : i32
      %scan3A_104 = arith.constant 0 : i32
      %scan3A_105 = arith.constant 7 : i32
      %scan3A_106 = arith.addi %scan3A_104, %scan3A_105 : i32
      %scan3A_107 = arith.constant 1 : i32
      scf.for %scan3A_171 = %scan3A_104 to %scan3A_106 step %scan3A_107  : i32 {
        %mul3A_172 = arith.constant 2 : i32
        %mul3A_173 = arith.muli %scan3A_171, %mul3A_172 : i32
        %add3A_174 = arith.constant 0 : i32
        %add3A_175 = arith.addi %mul3A_173, %add3A_174 : i32
        %gt3A = arith.constant 0 : i32
        %gt3A_176 = arith.cmpi sgt, %scan3A_171, %gt3A : i32
        %convert_element_type3A_177 = arith.extui %gt3A_176 : i1 to i32
        %cond3A_178 = arith.constant 0 : i32
        %cond3A_179 = arith.cmpi ne, %convert_element_type3A_177, %cond3A_178 : i32
        scf.if %cond3A_179 {
          %sub3A_210 = arith.constant 2 : i32
          %sub3A_211 = arith.subi %add3A_175, %sub3A_210 : i32
          %mul3A_212 = arith.constant 16 : i32
          %mul3A_213 = arith.muli %sub3A_211, %mul3A_212 : i32
          %dma_wait3A_214 = arith.constant 0 : i32
          %dma_wait3A_215 = tpu.memref_slice %arg5[%select_n3A, %add3A_95, %mul3A_213, %dma_wait3A_214] : memref<16x96x224x224xf32, #tpu.memory_space<hbm>> -> memref<1x1x16x224xf32, #tpu.memory_space<hbm>>
          %dma_wait3A_216 = tpu.memref_squeeze %dma_wait3A_215 : memref<1x1x16x224xf32, #tpu.memory_space<hbm>> -> memref<16x224xf32, #tpu.memory_space<hbm>>
          %dma_wait3A_217 = arith.constant 0 : i32
          %dma_wait3A_218 = tpu.memref_slice %arg5[%select_n3A, %add3A_95, %mul3A_213, %dma_wait3A_217] : memref<16x96x224x224xf32, #tpu.memory_space<hbm>> -> memref<1x1x16x224xf32, #tpu.memory_space<hbm>>
          %dma_wait3A_219 = tpu.memref_squeeze %dma_wait3A_218 : memref<1x1x16x224xf32, #tpu.memory_space<hbm>> -> memref<16x224xf32, #tpu.memory_space<hbm>>
          tpu.wait_dma2 semaphore(%arg14 : memref<!tpu.dma_semaphore, #tpu.memory_space<semaphore_mem>>) src(%arg8 : memref<16x224xf32, #tpu.memory_space<vmem>>) dst(%dma_wait3A_219 : memref<16x224xf32, #tpu.memory_space<hbm>>)
        } else {
        }
        %parallel_loop3A = arith.constant 0 : i32
        %parallel_loop3A_180 = arith.constant 16 : i32
        %parallel_loop3A_181 = arith.constant 1 : i32
        scf.for %parallel_loop3A_210 = %parallel_loop3A to %parallel_loop3A_180 step %parallel_loop3A_181  : i32 {
          %parallel_loop3A_211 = arith.constant 16 : i32
          %parallel_loop3A_212 = arith.muli %add3A_175, %parallel_loop3A_211 : i32
          %parallel_loop3A_213 = arith.addi %parallel_loop3A_212, %parallel_loop3A_210 : i32
          %parallel_loop3A_214 = arith.constant 16 : i32
          %parallel_loop3A_215 = arith.muli %parallel_loop3A_213, %parallel_loop3A_214 : i32
          %parallel_loop3A_216 = arith.index_cast %parallel_loop3A_215 : i32 to index
          %parallel_loop3A_217 = tpu.vector_load %arg10[%parallel_loop3A_216] {strides = array<i32>} : memref<3584xi32, #tpu.memory_space<vmem>>, vector<16xi32>,
          %parallel_loop3A_218 = arith.index_cast %parallel_loop3A_215 : i32 to index
          %parallel_loop3A_219 = tpu.vector_load %arg11[%parallel_loop3A_218] {strides = array<i32>} : memref<3584xi32, #tpu.memory_space<vmem>>, vector<16xi32>,
          %parallel_loop3A_220 = vector.broadcast %parallel_loop3A_210 : i32 to vector<16xi32>
          %parallel_loop3A_221 = tpu.vector_load_idx %arg6[%parallel_loop3A_217, %parallel_loop3A_219] : memref<224x224xf32, #tpu.memory_space<vmem>>[vector<16xi32>, vector<16xi32>], vector<16xf32>,
          tpu.vector_store_idx %arg8[%parallel_loop3A_220, %add3A_28], %parallel_loop3A_221 : memref<16x224xf32, #tpu.memory_space<vmem>>[vector<16xi32>, vector<16xi32>], vector<16xf32>,
          %parallel_loop3A_222 = arith.addi %parallel_loop3A_219, %broadcast_in_dim3A_25 : vector<16xi32>
          %parallel_loop3A_223 = tpu.vector_load_idx %arg6[%parallel_loop3A_217, %parallel_loop3A_222] : memref<224x224xf32, #tpu.memory_space<vmem>>[vector<16xi32>, vector<16xi32>], vector<16xf32>,
          tpu.vector_store_idx %arg8[%parallel_loop3A_220, %add3A_31], %parallel_loop3A_223 : memref<16x224xf32, #tpu.memory_space<vmem>>[vector<16xi32>, vector<16xi32>], vector<16xf32>,
          %parallel_loop3A_224 = arith.addi %parallel_loop3A_222, %broadcast_in_dim3A_25 : vector<16xi32>
          %parallel_loop3A_225 = tpu.vector_load_idx %arg6[%parallel_loop3A_217, %parallel_loop3A_224] : memref<224x224xf32, #tpu.memory_space<vmem>>[vector<16xi32>, vector<16xi32>], vector<16xf32>,
          tpu.vector_store_idx %arg8[%parallel_loop3A_220, %add3A_34], %parallel_loop3A_225 : memref<16x224xf32, #tpu.memory_space<vmem>>[vector<16xi32>, vector<16xi32>], vector<16xf32>,
          %parallel_loop3A_226 = arith.addi %parallel_loop3A_224, %broadcast_in_dim3A_25 : vector<16xi32>
          %parallel_loop3A_227 = tpu.vector_load_idx %arg6[%parallel_loop3A_217, %parallel_loop3A_226] : memref<224x224xf32, #tpu.memory_space<vmem>>[vector<16xi32>, vector<16xi32>], vector<16xf32>,
          tpu.vector_store_idx %arg8[%parallel_loop3A_220, %add3A_37], %parallel_loop3A_227 : memref<16x224xf32, #tpu.memory_space<vmem>>[vector<16xi32>, vector<16xi32>], vector<16xf32>,
          %parallel_loop3A_228 = arith.addi %parallel_loop3A_226, %broadcast_in_dim3A_25 : vector<16xi32>
          %parallel_loop3A_229 = tpu.vector_load_idx %arg6[%parallel_loop3A_217, %parallel_loop3A_228] : memref<224x224xf32, #tpu.memory_space<vmem>>[vector<16xi32>, vector<16xi32>], vector<16xf32>,
          tpu.vector_store_idx %arg8[%parallel_loop3A_220, %add3A_40], %parallel_loop3A_229 : memref<16x224xf32, #tpu.memory_space<vmem>>[vector<16xi32>, vector<16xi32>], vector<16xf32>,
          %parallel_loop3A_230 = arith.addi %parallel_loop3A_228, %broadcast_in_dim3A_25 : vector<16xi32>
          %parallel_loop3A_231 = tpu.vector_load_idx %arg6[%parallel_loop3A_217, %parallel_loop3A_230] : memref<224x224xf32, #tpu.memory_space<vmem>>[vector<16xi32>, vector<16xi32>], vector<16xf32>,
          tpu.vector_store_idx %arg8[%parallel_loop3A_220, %add3A_43], %parallel_loop3A_231 : memref<16x224xf32, #tpu.memory_space<vmem>>[vector<16xi32>, vector<16xi32>], vector<16xf32>,
          %parallel_loop3A_232 = arith.addi %parallel_loop3A_230, %broadcast_in_dim3A_25 : vector<16xi32>
          %parallel_loop3A_233 = tpu.vector_load_idx %arg6[%parallel_loop3A_217, %parallel_loop3A_232] : memref<224x224xf32, #tpu.memory_space<vmem>>[vector<16xi32>, vector<16xi32>], vector<16xf32>,
          tpu.vector_store_idx %arg8[%parallel_loop3A_220, %add3A_46], %parallel_loop3A_233 : memref<16x224xf32, #tpu.memory_space<vmem>>[vector<16xi32>, vector<16xi32>], vector<16xf32>,
          %parallel_loop3A_234 = arith.addi %parallel_loop3A_232, %broadcast_in_dim3A_25 : vector<16xi32>
          %parallel_loop3A_235 = tpu.vector_load_idx %arg6[%parallel_loop3A_217, %parallel_loop3A_234] : memref<224x224xf32, #tpu.memory_space<vmem>>[vector<16xi32>, vector<16xi32>], vector<16xf32>,
          tpu.vector_store_idx %arg8[%parallel_loop3A_220, %add3A_49], %parallel_loop3A_235 : memref<16x224xf32, #tpu.memory_space<vmem>>[vector<16xi32>, vector<16xi32>], vector<16xf32>,
          %parallel_loop3A_236 = arith.addi %parallel_loop3A_234, %broadcast_in_dim3A_25 : vector<16xi32>
          %parallel_loop3A_237 = tpu.vector_load_idx %arg6[%parallel_loop3A_217, %parallel_loop3A_236] : memref<224x224xf32, #tpu.memory_space<vmem>>[vector<16xi32>, vector<16xi32>], vector<16xf32>,
          tpu.vector_store_idx %arg8[%parallel_loop3A_220, %add3A_52], %parallel_loop3A_237 : memref<16x224xf32, #tpu.memory_space<vmem>>[vector<16xi32>, vector<16xi32>], vector<16xf32>,
          %parallel_loop3A_238 = arith.addi %parallel_loop3A_236, %broadcast_in_dim3A_25 : vector<16xi32>
          %parallel_loop3A_239 = tpu.vector_load_idx %arg6[%parallel_loop3A_217, %parallel_loop3A_238] : memref<224x224xf32, #tpu.memory_space<vmem>>[vector<16xi32>, vector<16xi32>], vector<16xf32>,
          tpu.vector_store_idx %arg8[%parallel_loop3A_220, %add3A_55], %parallel_loop3A_239 : memref<16x224xf32, #tpu.memory_space<vmem>>[vector<16xi32>, vector<16xi32>], vector<16xf32>,
          %parallel_loop3A_240 = arith.addi %parallel_loop3A_238, %broadcast_in_dim3A_25 : vector<16xi32>
          %parallel_loop3A_241 = tpu.vector_load_idx %arg6[%parallel_loop3A_217, %parallel_loop3A_240] : memref<224x224xf32, #tpu.memory_space<vmem>>[vector<16xi32>, vector<16xi32>], vector<16xf32>,
          tpu.vector_store_idx %arg8[%parallel_loop3A_220, %add3A_58], %parallel_loop3A_241 : memref<16x224xf32, #tpu.memory_space<vmem>>[vector<16xi32>, vector<16xi32>], vector<16xf32>,
          %parallel_loop3A_242 = arith.addi %parallel_loop3A_240, %broadcast_in_dim3A_25 : vector<16xi32>
          %parallel_loop3A_243 = tpu.vector_load_idx %arg6[%parallel_loop3A_217, %parallel_loop3A_242] : memref<224x224xf32, #tpu.memory_space<vmem>>[vector<16xi32>, vector<16xi32>], vector<16xf32>,
          tpu.vector_store_idx %arg8[%parallel_loop3A_220, %add3A_61], %parallel_loop3A_243 : memref<16x224xf32, #tpu.memory_space<vmem>>[vector<16xi32>, vector<16xi32>], vector<16xf32>,
          %parallel_loop3A_244 = arith.addi %parallel_loop3A_242, %broadcast_in_dim3A_25 : vector<16xi32>
          %parallel_loop3A_245 = tpu.vector_load_idx %arg6[%parallel_loop3A_217, %parallel_loop3A_244] : memref<224x224xf32, #tpu.memory_space<vmem>>[vector<16xi32>, vector<16xi32>], vector<16xf32>,
          tpu.vector_store_idx %arg8[%parallel_loop3A_220, %add3A_64], %parallel_loop3A_245 : memref<16x224xf32, #tpu.memory_space<vmem>>[vector<16xi32>, vector<16xi32>], vector<16xf32>,
          %parallel_loop3A_246 = arith.addi %parallel_loop3A_244, %broadcast_in_dim3A_25 : vector<16xi32>
          %parallel_loop3A_247 = tpu.vector_load_idx %arg6[%parallel_loop3A_217, %parallel_loop3A_246] : memref<224x224xf32, #tpu.memory_space<vmem>>[vector<16xi32>, vector<16xi32>], vector<16xf32>,
          tpu.vector_store_idx %arg8[%parallel_loop3A_220, %add3A_67], %parallel_loop3A_247 : memref<16x224xf32, #tpu.memory_space<vmem>>[vector<16xi32>, vector<16xi32>], vector<16xf32>,
          %parallel_loop3A_248 = arith.addi %parallel_loop3A_246, %broadcast_in_dim3A_25 : vector<16xi32>
        } {sc.loop_unroll_factor = 1 : i64, sc.parallel_access}
        %mul3A_182 = arith.constant 16 : i32
        %mul3A_183 = arith.muli %add3A_175, %mul3A_182 : i32
        %dma_start3A_184 = arith.constant 0 : i32
        %dma_start3A_185 = tpu.memref_slice %arg5[%select_n3A, %add3A_95, %mul3A_183, %dma_start3A_184] : memref<16x96x224x224xf32, #tpu.memory_space<hbm>> -> memref<1x1x16x224xf32, #tpu.memory_space<hbm>>
        %dma_start3A_186 = tpu.memref_squeeze %dma_start3A_185 : memref<1x1x16x224xf32, #tpu.memory_space<hbm>> -> memref<16x224xf32, #tpu.memory_space<hbm>>
        %dma_start3A_187 = arith.constant 0 : i32
        %dma_start3A_188 = tpu.memref_slice %arg5[%select_n3A, %add3A_95, %mul3A_183, %dma_start3A_187] : memref<16x96x224x224xf32, #tpu.memory_space<hbm>> -> memref<1x1x16x224xf32, #tpu.memory_space<hbm>>
        %dma_start3A_189 = tpu.memref_squeeze %dma_start3A_188 : memref<1x1x16x224xf32, #tpu.memory_space<hbm>> -> memref<16x224xf32, #tpu.memory_space<hbm>>
        tpu.enqueue_dma source(%arg8 : memref<16x224xf32, #tpu.memory_space<vmem>>) target(%dma_start3A_189 : memref<16x224xf32, #tpu.memory_space<hbm>>) target_semaphore(%arg14 : memref<!tpu.dma_semaphore, #tpu.memory_space<semaphore_mem>>)
        %mul3A_190 = arith.constant 2 : i32
        %mul3A_191 = arith.muli %scan3A_171, %mul3A_190 : i32
        %add3A_192 = arith.constant 1 : i32
        %add3A_193 = arith.addi %mul3A_191, %add3A_192 : i32
        %gt3A_194 = arith.constant 0 : i32
        %gt3A_195 = arith.cmpi sgt, %scan3A_171, %gt3A_194 : i32
        %convert_element_type3A_196 = arith.extui %gt3A_195 : i1 to i32
        %cond3A_197 = arith.constant 0 : i32
        %cond3A_198 = arith.cmpi ne, %convert_element_type3A_196, %cond3A_197 : i32
        scf.if %cond3A_198 {
          %sub3A_210 = arith.constant 2 : i32
          %sub3A_211 = arith.subi %add3A_193, %sub3A_210 : i32
          %mul3A_212 = arith.constant 16 : i32
          %mul3A_213 = arith.muli %sub3A_211, %mul3A_212 : i32
          %dma_wait3A_214 = arith.constant 0 : i32
          %dma_wait3A_215 = tpu.memref_slice %arg5[%select_n3A, %add3A_95, %mul3A_213, %dma_wait3A_214] : memref<16x96x224x224xf32, #tpu.memory_space<hbm>> -> memref<1x1x16x224xf32, #tpu.memory_space<hbm>>
          %dma_wait3A_216 = tpu.memref_squeeze %dma_wait3A_215 : memref<1x1x16x224xf32, #tpu.memory_space<hbm>> -> memref<16x224xf32, #tpu.memory_space<hbm>>
          %dma_wait3A_217 = arith.constant 0 : i32
          %dma_wait3A_218 = tpu.memref_slice %arg5[%select_n3A, %add3A_95, %mul3A_213, %dma_wait3A_217] : memref<16x96x224x224xf32, #tpu.memory_space<hbm>> -> memref<1x1x16x224xf32, #tpu.memory_space<hbm>>
          %dma_wait3A_219 = tpu.memref_squeeze %dma_wait3A_218 : memref<1x1x16x224xf32, #tpu.memory_space<hbm>> -> memref<16x224xf32, #tpu.memory_space<hbm>>
          tpu.wait_dma2 semaphore(%arg15 : memref<!tpu.dma_semaphore, #tpu.memory_space<semaphore_mem>>) src(%arg9 : memref<16x224xf32, #tpu.memory_space<vmem>>) dst(%dma_wait3A_219 : memref<16x224xf32, #tpu.memory_space<hbm>>)
        } else {
        }
        %parallel_loop3A_199 = arith.constant 0 : i32
        %parallel_loop3A_200 = arith.constant 16 : i32
        %parallel_loop3A_201 = arith.constant 1 : i32
        scf.for %parallel_loop3A_210 = %parallel_loop3A_199 to %parallel_loop3A_200 step %parallel_loop3A_201  : i32 {
          %parallel_loop3A_211 = arith.constant 16 : i32
          %parallel_loop3A_212 = arith.muli %add3A_193, %parallel_loop3A_211 : i32
          %parallel_loop3A_213 = arith.addi %parallel_loop3A_212, %parallel_loop3A_210 : i32
          %parallel_loop3A_214 = arith.constant 16 : i32
          %parallel_loop3A_215 = arith.muli %parallel_loop3A_213, %parallel_loop3A_214 : i32
          %parallel_loop3A_216 = arith.index_cast %parallel_loop3A_215 : i32 to index
          %parallel_loop3A_217 = tpu.vector_load %arg10[%parallel_loop3A_216] {strides = array<i32>} : memref<3584xi32, #tpu.memory_space<vmem>>, vector<16xi32>,
          %parallel_loop3A_218 = arith.index_cast %parallel_loop3A_215 : i32 to index
          %parallel_loop3A_219 = tpu.vector_load %arg11[%parallel_loop3A_218] {strides = array<i32>} : memref<3584xi32, #tpu.memory_space<vmem>>, vector<16xi32>,
          %parallel_loop3A_220 = vector.broadcast %parallel_loop3A_210 : i32 to vector<16xi32>
          %parallel_loop3A_221 = tpu.vector_load_idx %arg6[%parallel_loop3A_217, %parallel_loop3A_219] : memref<224x224xf32, #tpu.memory_space<vmem>>[vector<16xi32>, vector<16xi32>], vector<16xf32>,
          tpu.vector_store_idx %arg9[%parallel_loop3A_220, %add3A_28], %parallel_loop3A_221 : memref<16x224xf32, #tpu.memory_space<vmem>>[vector<16xi32>, vector<16xi32>], vector<16xf32>,
          %parallel_loop3A_222 = arith.addi %parallel_loop3A_219, %broadcast_in_dim3A_25 : vector<16xi32>
          %parallel_loop3A_223 = tpu.vector_load_idx %arg6[%parallel_loop3A_217, %parallel_loop3A_222] : memref<224x224xf32, #tpu.memory_space<vmem>>[vector<16xi32>, vector<16xi32>], vector<16xf32>,
          tpu.vector_store_idx %arg9[%parallel_loop3A_220, %add3A_31], %parallel_loop3A_223 : memref<16x224xf32, #tpu.memory_space<vmem>>[vector<16xi32>, vector<16xi32>], vector<16xf32>,
          %parallel_loop3A_224 = arith.addi %parallel_loop3A_222, %broadcast_in_dim3A_25 : vector<16xi32>
          %parallel_loop3A_225 = tpu.vector_load_idx %arg6[%parallel_loop3A_217, %parallel_loop3A_224] : memref<224x224xf32, #tpu.memory_space<vmem>>[vector<16xi32>, vector<16xi32>], vector<16xf32>,
          tpu.vector_store_idx %arg9[%parallel_loop3A_220, %add3A_34], %parallel_loop3A_225 : memref<16x224xf32, #tpu.memory_space<vmem>>[vector<16xi32>, vector<16xi32>], vector<16xf32>,
          %parallel_loop3A_226 = arith.addi %parallel_loop3A_224, %broadcast_in_dim3A_25 : vector<16xi32>
          %parallel_loop3A_227 = tpu.vector_load_idx %arg6[%parallel_loop3A_217, %parallel_loop3A_226] : memref<224x224xf32, #tpu.memory_space<vmem>>[vector<16xi32>, vector<16xi32>], vector<16xf32>,
          tpu.vector_store_idx %arg9[%parallel_loop3A_220, %add3A_37], %parallel_loop3A_227 : memref<16x224xf32, #tpu.memory_space<vmem>>[vector<16xi32>, vector<16xi32>], vector<16xf32>,
          %parallel_loop3A_228 = arith.addi %parallel_loop3A_226, %broadcast_in_dim3A_25 : vector<16xi32>
          %parallel_loop3A_229 = tpu.vector_load_idx %arg6[%parallel_loop3A_217, %parallel_loop3A_228] : memref<224x224xf32, #tpu.memory_space<vmem>>[vector<16xi32>, vector<16xi32>], vector<16xf32>,
          tpu.vector_store_idx %arg9[%parallel_loop3A_220, %add3A_40], %parallel_loop3A_229 : memref<16x224xf32, #tpu.memory_space<vmem>>[vector<16xi32>, vector<16xi32>], vector<16xf32>,
          %parallel_loop3A_230 = arith.addi %parallel_loop3A_228, %broadcast_in_dim3A_25 : vector<16xi32>
          %parallel_loop3A_231 = tpu.vector_load_idx %arg6[%parallel_loop3A_217, %parallel_loop3A_230] : memref<224x224xf32, #tpu.memory_space<vmem>>[vector<16xi32>, vector<16xi32>], vector<16xf32>,
          tpu.vector_store_idx %arg9[%parallel_loop3A_220, %add3A_43], %parallel_loop3A_231 : memref<16x224xf32, #tpu.memory_space<vmem>>[vector<16xi32>, vector<16xi32>], vector<16xf32>,
          %parallel_loop3A_232 = arith.addi %parallel_loop3A_230, %broadcast_in_dim3A_25 : vector<16xi32>
          %parallel_loop3A_233 = tpu.vector_load_idx %arg6[%parallel_loop3A_217, %parallel_loop3A_232] : memref<224x224xf32, #tpu.memory_space<vmem>>[vector<16xi32>, vector<16xi32>], vector<16xf32>,
          tpu.vector_store_idx %arg9[%parallel_loop3A_220, %add3A_46], %parallel_loop3A_233 : memref<16x224xf32, #tpu.memory_space<vmem>>[vector<16xi32>, vector<16xi32>], vector<16xf32>,
          %parallel_loop3A_234 = arith.addi %parallel_loop3A_232, %broadcast_in_dim3A_25 : vector<16xi32>
          %parallel_loop3A_235 = tpu.vector_load_idx %arg6[%parallel_loop3A_217, %parallel_loop3A_234] : memref<224x224xf32, #tpu.memory_space<vmem>>[vector<16xi32>, vector<16xi32>], vector<16xf32>,
          tpu.vector_store_idx %arg9[%parallel_loop3A_220, %add3A_49], %parallel_loop3A_235 : memref<16x224xf32, #tpu.memory_space<vmem>>[vector<16xi32>, vector<16xi32>], vector<16xf32>,
          %parallel_loop3A_236 = arith.addi %parallel_loop3A_234, %broadcast_in_dim3A_25 : vector<16xi32>
          %parallel_loop3A_237 = tpu.vector_load_idx %arg6[%parallel_loop3A_217, %parallel_loop3A_236] : memref<224x224xf32, #tpu.memory_space<vmem>>[vector<16xi32>, vector<16xi32>], vector<16xf32>,
          tpu.vector_store_idx %arg9[%parallel_loop3A_220, %add3A_52], %parallel_loop3A_237 : memref<16x224xf32, #tpu.memory_space<vmem>>[vector<16xi32>, vector<16xi32>], vector<16xf32>,
          %parallel_loop3A_238 = arith.addi %parallel_loop3A_236, %broadcast_in_dim3A_25 : vector<16xi32>
          %parallel_loop3A_239 = tpu.vector_load_idx %arg6[%parallel_loop3A_217, %parallel_loop3A_238] : memref<224x224xf32, #tpu.memory_space<vmem>>[vector<16xi32>, vector<16xi32>], vector<16xf32>,
          tpu.vector_store_idx %arg9[%parallel_loop3A_220, %add3A_55], %parallel_loop3A_239 : memref<16x224xf32, #tpu.memory_space<vmem>>[vector<16xi32>, vector<16xi32>], vector<16xf32>,
          %parallel_loop3A_240 = arith.addi %parallel_loop3A_238, %broadcast_in_dim3A_25 : vector<16xi32>
          %parallel_loop3A_241 = tpu.vector_load_idx %arg6[%parallel_loop3A_217, %parallel_loop3A_240] : memref<224x224xf32, #tpu.memory_space<vmem>>[vector<16xi32>, vector<16xi32>], vector<16xf32>,
          tpu.vector_store_idx %arg9[%parallel_loop3A_220, %add3A_58], %parallel_loop3A_241 : memref<16x224xf32, #tpu.memory_space<vmem>>[vector<16xi32>, vector<16xi32>], vector<16xf32>,
          %parallel_loop3A_242 = arith.addi %parallel_loop3A_240, %broadcast_in_dim3A_25 : vector<16xi32>
          %parallel_loop3A_243 = tpu.vector_load_idx %arg6[%parallel_loop3A_217, %parallel_loop3A_242] : memref<224x224xf32, #tpu.memory_space<vmem>>[vector<16xi32>, vector<16xi32>], vector<16xf32>,
          tpu.vector_store_idx %arg9[%parallel_loop3A_220, %add3A_61], %parallel_loop3A_243 : memref<16x224xf32, #tpu.memory_space<vmem>>[vector<16xi32>, vector<16xi32>], vector<16xf32>,
          %parallel_loop3A_244 = arith.addi %parallel_loop3A_242, %broadcast_in_dim3A_25 : vector<16xi32>
          %parallel_loop3A_245 = tpu.vector_load_idx %arg6[%parallel_loop3A_217, %parallel_loop3A_244] : memref<224x224xf32, #tpu.memory_space<vmem>>[vector<16xi32>, vector<16xi32>], vector<16xf32>,
          tpu.vector_store_idx %arg9[%parallel_loop3A_220, %add3A_64], %parallel_loop3A_245 : memref<16x224xf32, #tpu.memory_space<vmem>>[vector<16xi32>, vector<16xi32>], vector<16xf32>,
          %parallel_loop3A_246 = arith.addi %parallel_loop3A_244, %broadcast_in_dim3A_25 : vector<16xi32>
          %parallel_loop3A_247 = tpu.vector_load_idx %arg6[%parallel_loop3A_217, %parallel_loop3A_246] : memref<224x224xf32, #tpu.memory_space<vmem>>[vector<16xi32>, vector<16xi32>], vector<16xf32>,
          tpu.vector_store_idx %arg9[%parallel_loop3A_220, %add3A_67], %parallel_loop3A_247 : memref<16x224xf32, #tpu.memory_space<vmem>>[vector<16xi32>, vector<16xi32>], vector<16xf32>,
          %parallel_loop3A_248 = arith.addi %parallel_loop3A_246, %broadcast_in_dim3A_25 : vector<16xi32>
        } {sc.loop_unroll_factor = 1 : i64, sc.parallel_access}
        %mul3A_202 = arith.constant 16 : i32
        %mul3A_203 = arith.muli %add3A_193, %mul3A_202 : i32
        %dma_start3A_204 = arith.constant 0 : i32
        %dma_start3A_205 = tpu.memref_slice %arg5[%select_n3A, %add3A_95, %mul3A_203, %dma_start3A_204] : memref<16x96x224x224xf32, #tpu.memory_space<hbm>> -> memref<1x1x16x224xf32, #tpu.memory_space<hbm>>
        %dma_start3A_206 = tpu.memref_squeeze %dma_start3A_205 : memref<1x1x16x224xf32, #tpu.memory_space<hbm>> -> memref<16x224xf32, #tpu.memory_space<hbm>>
        %dma_start3A_207 = arith.constant 0 : i32
        %dma_start3A_208 = tpu.memref_slice %arg5[%select_n3A, %add3A_95, %mul3A_203, %dma_start3A_207] : memref<16x96x224x224xf32, #tpu.memory_space<hbm>> -> memref<1x1x16x224xf32, #tpu.memory_space<hbm>>
        %dma_start3A_209 = tpu.memref_squeeze %dma_start3A_208 : memref<1x1x16x224xf32, #tpu.memory_space<hbm>> -> memref<16x224xf32, #tpu.memory_space<hbm>>
        tpu.enqueue_dma source(%arg9 : memref<16x224xf32, #tpu.memory_space<vmem>>) target(%dma_start3A_209 : memref<16x224xf32, #tpu.memory_space<hbm>>) target_semaphore(%arg15 : memref<!tpu.dma_semaphore, #tpu.memory_space<semaphore_mem>>)
      }
      %scan3A_108 = arith.constant 7 : i32
      %add3A_109 = arith.constant 1 : i32
      %add3A_110 = arith.addi %scan3A_90, %add3A_109 : i32
      %lt3A = arith.constant 24 : i32
      %lt3A_111 = arith.cmpi slt, %add3A_110, %lt3A : i32
      %convert_element_type3A = arith.extui %lt3A_111 : i1 to i32
      %cond3A = arith.constant 0 : i32
      %cond3A_112 = arith.cmpi ne, %convert_element_type3A, %cond3A : i32
      scf.if %cond3A_112 {
        %add3A_171 = arith.constant 2 : i32
        %add3A_172 = arith.addi %add3A_95, %add3A_171 : i32
        %dma_start3A_173 = arith.constant 0 : i32
        %dma_start3A_174 = arith.constant 0 : i32
        %dma_start3A_175 = tpu.memref_slice %arg2[%select_n3A, %add3A_172, %dma_start3A_173, %dma_start3A_174] : memref<16x96x224x224xf32, #tpu.memory_space<hbm>> -> memref<1x1x224x224xf32, #tpu.memory_space<hbm>>
        %dma_start3A_176 = tpu.memref_squeeze %dma_start3A_175 : memref<1x1x224x224xf32, #tpu.memory_space<hbm>> -> memref<224x224xf32, #tpu.memory_space<hbm>>
        %dma_start3A_177 = arith.constant 0 : i32
        %dma_start3A_178 = arith.constant 0 : i32
        %dma_start3A_179 = tpu.memref_slice %arg2[%select_n3A, %add3A_172, %dma_start3A_177, %dma_start3A_178] : memref<16x96x224x224xf32, #tpu.memory_space<hbm>> -> memref<1x1x224x224xf32, #tpu.memory_space<hbm>>
        %dma_start3A_180 = tpu.memref_squeeze %dma_start3A_179 : memref<1x1x224x224xf32, #tpu.memory_space<hbm>> -> memref<224x224xf32, #tpu.memory_space<hbm>>
        tpu.enqueue_dma source(%dma_start3A_180 : memref<224x224xf32, #tpu.memory_space<hbm>>) target(%arg6 : memref<224x224xf32, #tpu.memory_space<vmem>>) target_semaphore(%arg12 : memref<!tpu.dma_semaphore, #tpu.memory_space<semaphore_mem>>)
      } else {
      }
      %dma_wait3A_113 = arith.constant 192 : i32
      %dma_wait3A_114 = arith.constant 0 : i32
      %dma_wait3A_115 = tpu.memref_slice %arg5[%select_n3A, %add3A_95, %dma_wait3A_113, %dma_wait3A_114] : memref<16x96x224x224xf32, #tpu.memory_space<hbm>> -> memref<1x1x16x224xf32, #tpu.memory_space<hbm>>
      %dma_wait3A_116 = tpu.memref_squeeze %dma_wait3A_115 : memref<1x1x16x224xf32, #tpu.memory_space<hbm>> -> memref<16x224xf32, #tpu.memory_space<hbm>>
      %dma_wait3A_117 = arith.constant 192 : i32
      %dma_wait3A_118 = arith.constant 0 : i32
      %dma_wait3A_119 = tpu.memref_slice %arg5[%select_n3A, %add3A_95, %dma_wait3A_117, %dma_wait3A_118] : memref<16x96x224x224xf32, #tpu.memory_space<hbm>> -> memref<1x1x16x224xf32, #tpu.memory_space<hbm>>
      %dma_wait3A_120 = tpu.memref_squeeze %dma_wait3A_119 : memref<1x1x16x224xf32, #tpu.memory_space<hbm>> -> memref<16x224xf32, #tpu.memory_space<hbm>>
      tpu.wait_dma2 semaphore(%arg14 : memref<!tpu.dma_semaphore, #tpu.memory_space<semaphore_mem>>) src(%arg8 : memref<16x224xf32, #tpu.memory_space<vmem>>) dst(%dma_wait3A_120 : memref<16x224xf32, #tpu.memory_space<hbm>>)
      %dma_wait3A_121 = arith.constant 208 : i32
      %dma_wait3A_122 = arith.constant 0 : i32
      %dma_wait3A_123 = tpu.memref_slice %arg5[%select_n3A, %add3A_95, %dma_wait3A_121, %dma_wait3A_122] : memref<16x96x224x224xf32, #tpu.memory_space<hbm>> -> memref<1x1x16x224xf32, #tpu.memory_space<hbm>>
      %dma_wait3A_124 = tpu.memref_squeeze %dma_wait3A_123 : memref<1x1x16x224xf32, #tpu.memory_space<hbm>> -> memref<16x224xf32, #tpu.memory_space<hbm>>
      %dma_wait3A_125 = arith.constant 208 : i32
      %dma_wait3A_126 = arith.constant 0 : i32
      %dma_wait3A_127 = tpu.memref_slice %arg5[%select_n3A, %add3A_95, %dma_wait3A_125, %dma_wait3A_126] : memref<16x96x224x224xf32, #tpu.memory_space<hbm>> -> memref<1x1x16x224xf32, #tpu.memory_space<hbm>>
      %dma_wait3A_128 = tpu.memref_squeeze %dma_wait3A_127 : memref<1x1x16x224xf32, #tpu.memory_space<hbm>> -> memref<16x224xf32, #tpu.memory_space<hbm>>
      tpu.wait_dma2 semaphore(%arg15 : memref<!tpu.dma_semaphore, #tpu.memory_space<semaphore_mem>>) src(%arg9 : memref<16x224xf32, #tpu.memory_space<vmem>>) dst(%dma_wait3A_128 : memref<16x224xf32, #tpu.memory_space<hbm>>)
      %mul3A_129 = arith.constant 2 : i32
      %mul3A_130 = arith.muli %scan3A_90, %mul3A_129 : i32
      %add3A_131 = arith.constant 1 : i32
      %add3A_132 = arith.addi %mul3A_130, %add3A_131 : i32
      %add3A_133 = arith.addi %sub3A_21, %add3A_132 : i32
      %dma_wait3A_134 = arith.constant 0 : i32
      %dma_wait3A_135 = arith.constant 0 : i32
      %dma_wait3A_136 = tpu.memref_slice %arg2[%select_n3A, %add3A_133, %dma_wait3A_134, %dma_wait3A_135] : memref<16x96x224x224xf32, #tpu.memory_space<hbm>> -> memref<1x1x224x224xf32, #tpu.memory_space<hbm>>
      %dma_wait3A_137 = tpu.memref_squeeze %dma_wait3A_136 : memref<1x1x224x224xf32, #tpu.memory_space<hbm>> -> memref<224x224xf32, #tpu.memory_space<hbm>>
      %dma_wait3A_138 = arith.constant 0 : i32
      %dma_wait3A_139 = arith.constant 0 : i32
      %dma_wait3A_140 = tpu.memref_slice %arg2[%select_n3A, %add3A_133, %dma_wait3A_138, %dma_wait3A_139] : memref<16x96x224x224xf32, #tpu.memory_space<hbm>> -> memref<1x1x224x224xf32, #tpu.memory_space<hbm>>
      %dma_wait3A_141 = tpu.memref_squeeze %dma_wait3A_140 : memref<1x1x224x224xf32, #tpu.memory_space<hbm>> -> memref<224x224xf32, #tpu.memory_space<hbm>>
      tpu.wait_dma2 semaphore(%arg13 : memref<!tpu.dma_semaphore, #tpu.memory_space<semaphore_mem>>) src(%dma_wait3A_141 : memref<224x224xf32, #tpu.memory_space<hbm>>) dst(%arg7 : memref<224x224xf32, #tpu.memory_space<vmem>>)
      %scan3A_142 = arith.constant 0 : i32
      %scan3A_143 = arith.constant 0 : i32
      %scan3A_144 = arith.constant 7 : i32
      %scan3A_145 = arith.addi %scan3A_143, %scan3A_144 : i32
      %scan3A_146 = arith.constant 1 : i32
      scf.for %scan3A_171 = %scan3A_143 to %scan3A_145 step %scan3A_146  : i32 {
        %mul3A_172 = arith.constant 2 : i32
        %mul3A_173 = arith.muli %scan3A_171, %mul3A_172 : i32
        %add3A_174 = arith.constant 0 : i32
        %add3A_175 = arith.addi %mul3A_173, %add3A_174 : i32
        %gt3A = arith.constant 0 : i32
        %gt3A_176 = arith.cmpi sgt, %scan3A_171, %gt3A : i32
        %convert_element_type3A_177 = arith.extui %gt3A_176 : i1 to i32
        %cond3A_178 = arith.constant 0 : i32
        %cond3A_179 = arith.cmpi ne, %convert_element_type3A_177, %cond3A_178 : i32
        scf.if %cond3A_179 {
          %sub3A_210 = arith.constant 2 : i32
          %sub3A_211 = arith.subi %add3A_175, %sub3A_210 : i32
          %mul3A_212 = arith.constant 16 : i32
          %mul3A_213 = arith.muli %sub3A_211, %mul3A_212 : i32
          %dma_wait3A_214 = arith.constant 0 : i32
          %dma_wait3A_215 = tpu.memref_slice %arg5[%select_n3A, %add3A_133, %mul3A_213, %dma_wait3A_214] : memref<16x96x224x224xf32, #tpu.memory_space<hbm>> -> memref<1x1x16x224xf32, #tpu.memory_space<hbm>>
          %dma_wait3A_216 = tpu.memref_squeeze %dma_wait3A_215 : memref<1x1x16x224xf32, #tpu.memory_space<hbm>> -> memref<16x224xf32, #tpu.memory_space<hbm>>
          %dma_wait3A_217 = arith.constant 0 : i32
          %dma_wait3A_218 = tpu.memref_slice %arg5[%select_n3A, %add3A_133, %mul3A_213, %dma_wait3A_217] : memref<16x96x224x224xf32, #tpu.memory_space<hbm>> -> memref<1x1x16x224xf32, #tpu.memory_space<hbm>>
          %dma_wait3A_219 = tpu.memref_squeeze %dma_wait3A_218 : memref<1x1x16x224xf32, #tpu.memory_space<hbm>> -> memref<16x224xf32, #tpu.memory_space<hbm>>
          tpu.wait_dma2 semaphore(%arg14 : memref<!tpu.dma_semaphore, #tpu.memory_space<semaphore_mem>>) src(%arg8 : memref<16x224xf32, #tpu.memory_space<vmem>>) dst(%dma_wait3A_219 : memref<16x224xf32, #tpu.memory_space<hbm>>)
        } else {
        }
        %parallel_loop3A = arith.constant 0 : i32
        %parallel_loop3A_180 = arith.constant 16 : i32
        %parallel_loop3A_181 = arith.constant 1 : i32
        scf.for %parallel_loop3A_210 = %parallel_loop3A to %parallel_loop3A_180 step %parallel_loop3A_181  : i32 {
          %parallel_loop3A_211 = arith.constant 16 : i32
          %parallel_loop3A_212 = arith.muli %add3A_175, %parallel_loop3A_211 : i32
          %parallel_loop3A_213 = arith.addi %parallel_loop3A_212, %parallel_loop3A_210 : i32
          %parallel_loop3A_214 = arith.constant 16 : i32
          %parallel_loop3A_215 = arith.muli %parallel_loop3A_213, %parallel_loop3A_214 : i32
          %parallel_loop3A_216 = arith.index_cast %parallel_loop3A_215 : i32 to index
          %parallel_loop3A_217 = tpu.vector_load %arg10[%parallel_loop3A_216] {strides = array<i32>} : memref<3584xi32, #tpu.memory_space<vmem>>, vector<16xi32>,
          %parallel_loop3A_218 = arith.index_cast %parallel_loop3A_215 : i32 to index
          %parallel_loop3A_219 = tpu.vector_load %arg11[%parallel_loop3A_218] {strides = array<i32>} : memref<3584xi32, #tpu.memory_space<vmem>>, vector<16xi32>,
          %parallel_loop3A_220 = vector.broadcast %parallel_loop3A_210 : i32 to vector<16xi32>
          %parallel_loop3A_221 = tpu.vector_load_idx %arg7[%parallel_loop3A_217, %parallel_loop3A_219] : memref<224x224xf32, #tpu.memory_space<vmem>>[vector<16xi32>, vector<16xi32>], vector<16xf32>,
          tpu.vector_store_idx %arg8[%parallel_loop3A_220, %add3A_28], %parallel_loop3A_221 : memref<16x224xf32, #tpu.memory_space<vmem>>[vector<16xi32>, vector<16xi32>], vector<16xf32>,
          %parallel_loop3A_222 = arith.addi %parallel_loop3A_219, %broadcast_in_dim3A_25 : vector<16xi32>
          %parallel_loop3A_223 = tpu.vector_load_idx %arg7[%parallel_loop3A_217, %parallel_loop3A_222] : memref<224x224xf32, #tpu.memory_space<vmem>>[vector<16xi32>, vector<16xi32>], vector<16xf32>,
          tpu.vector_store_idx %arg8[%parallel_loop3A_220, %add3A_31], %parallel_loop3A_223 : memref<16x224xf32, #tpu.memory_space<vmem>>[vector<16xi32>, vector<16xi32>], vector<16xf32>,
          %parallel_loop3A_224 = arith.addi %parallel_loop3A_222, %broadcast_in_dim3A_25 : vector<16xi32>
          %parallel_loop3A_225 = tpu.vector_load_idx %arg7[%parallel_loop3A_217, %parallel_loop3A_224] : memref<224x224xf32, #tpu.memory_space<vmem>>[vector<16xi32>, vector<16xi32>], vector<16xf32>,
          tpu.vector_store_idx %arg8[%parallel_loop3A_220, %add3A_34], %parallel_loop3A_225 : memref<16x224xf32, #tpu.memory_space<vmem>>[vector<16xi32>, vector<16xi32>], vector<16xf32>,
          %parallel_loop3A_226 = arith.addi %parallel_loop3A_224, %broadcast_in_dim3A_25 : vector<16xi32>
          %parallel_loop3A_227 = tpu.vector_load_idx %arg7[%parallel_loop3A_217, %parallel_loop3A_226] : memref<224x224xf32, #tpu.memory_space<vmem>>[vector<16xi32>, vector<16xi32>], vector<16xf32>,
          tpu.vector_store_idx %arg8[%parallel_loop3A_220, %add3A_37], %parallel_loop3A_227 : memref<16x224xf32, #tpu.memory_space<vmem>>[vector<16xi32>, vector<16xi32>], vector<16xf32>,
          %parallel_loop3A_228 = arith.addi %parallel_loop3A_226, %broadcast_in_dim3A_25 : vector<16xi32>
          %parallel_loop3A_229 = tpu.vector_load_idx %arg7[%parallel_loop3A_217, %parallel_loop3A_228] : memref<224x224xf32, #tpu.memory_space<vmem>>[vector<16xi32>, vector<16xi32>], vector<16xf32>,
          tpu.vector_store_idx %arg8[%parallel_loop3A_220, %add3A_40], %parallel_loop3A_229 : memref<16x224xf32, #tpu.memory_space<vmem>>[vector<16xi32>, vector<16xi32>], vector<16xf32>,
          %parallel_loop3A_230 = arith.addi %parallel_loop3A_228, %broadcast_in_dim3A_25 : vector<16xi32>
          %parallel_loop3A_231 = tpu.vector_load_idx %arg7[%parallel_loop3A_217, %parallel_loop3A_230] : memref<224x224xf32, #tpu.memory_space<vmem>>[vector<16xi32>, vector<16xi32>], vector<16xf32>,
          tpu.vector_store_idx %arg8[%parallel_loop3A_220, %add3A_43], %parallel_loop3A_231 : memref<16x224xf32, #tpu.memory_space<vmem>>[vector<16xi32>, vector<16xi32>], vector<16xf32>,
          %parallel_loop3A_232 = arith.addi %parallel_loop3A_230, %broadcast_in_dim3A_25 : vector<16xi32>
          %parallel_loop3A_233 = tpu.vector_load_idx %arg7[%parallel_loop3A_217, %parallel_loop3A_232] : memref<224x224xf32, #tpu.memory_space<vmem>>[vector<16xi32>, vector<16xi32>], vector<16xf32>,
          tpu.vector_store_idx %arg8[%parallel_loop3A_220, %add3A_46], %parallel_loop3A_233 : memref<16x224xf32, #tpu.memory_space<vmem>>[vector<16xi32>, vector<16xi32>], vector<16xf32>,
          %parallel_loop3A_234 = arith.addi %parallel_loop3A_232, %broadcast_in_dim3A_25 : vector<16xi32>
          %parallel_loop3A_235 = tpu.vector_load_idx %arg7[%parallel_loop3A_217, %parallel_loop3A_234] : memref<224x224xf32, #tpu.memory_space<vmem>>[vector<16xi32>, vector<16xi32>], vector<16xf32>,
          tpu.vector_store_idx %arg8[%parallel_loop3A_220, %add3A_49], %parallel_loop3A_235 : memref<16x224xf32, #tpu.memory_space<vmem>>[vector<16xi32>, vector<16xi32>], vector<16xf32>,
          %parallel_loop3A_236 = arith.addi %parallel_loop3A_234, %broadcast_in_dim3A_25 : vector<16xi32>
          %parallel_loop3A_237 = tpu.vector_load_idx %arg7[%parallel_loop3A_217, %parallel_loop3A_236] : memref<224x224xf32, #tpu.memory_space<vmem>>[vector<16xi32>, vector<16xi32>], vector<16xf32>,
          tpu.vector_store_idx %arg8[%parallel_loop3A_220, %add3A_52], %parallel_loop3A_237 : memref<16x224xf32, #tpu.memory_space<vmem>>[vector<16xi32>, vector<16xi32>], vector<16xf32>,
          %parallel_loop3A_238 = arith.addi %parallel_loop3A_236, %broadcast_in_dim3A_25 : vector<16xi32>
          %parallel_loop3A_239 = tpu.vector_load_idx %arg7[%parallel_loop3A_217, %parallel_loop3A_238] : memref<224x224xf32, #tpu.memory_space<vmem>>[vector<16xi32>, vector<16xi32>], vector<16xf32>,
          tpu.vector_store_idx %arg8[%parallel_loop3A_220, %add3A_55], %parallel_loop3A_239 : memref<16x224xf32, #tpu.memory_space<vmem>>[vector<16xi32>, vector<16xi32>], vector<16xf32>,
          %parallel_loop3A_240 = arith.addi %parallel_loop3A_238, %broadcast_in_dim3A_25 : vector<16xi32>
          %parallel_loop3A_241 = tpu.vector_load_idx %arg7[%parallel_loop3A_217, %parallel_loop3A_240] : memref<224x224xf32, #tpu.memory_space<vmem>>[vector<16xi32>, vector<16xi32>], vector<16xf32>,
          tpu.vector_store_idx %arg8[%parallel_loop3A_220, %add3A_58], %parallel_loop3A_241 : memref<16x224xf32, #tpu.memory_space<vmem>>[vector<16xi32>, vector<16xi32>], vector<16xf32>,
          %parallel_loop3A_242 = arith.addi %parallel_loop3A_240, %broadcast_in_dim3A_25 : vector<16xi32>
          %parallel_loop3A_243 = tpu.vector_load_idx %arg7[%parallel_loop3A_217, %parallel_loop3A_242] : memref<224x224xf32, #tpu.memory_space<vmem>>[vector<16xi32>, vector<16xi32>], vector<16xf32>,
          tpu.vector_store_idx %arg8[%parallel_loop3A_220, %add3A_61], %parallel_loop3A_243 : memref<16x224xf32, #tpu.memory_space<vmem>>[vector<16xi32>, vector<16xi32>], vector<16xf32>,
          %parallel_loop3A_244 = arith.addi %parallel_loop3A_242, %broadcast_in_dim3A_25 : vector<16xi32>
          %parallel_loop3A_245 = tpu.vector_load_idx %arg7[%parallel_loop3A_217, %parallel_loop3A_244] : memref<224x224xf32, #tpu.memory_space<vmem>>[vector<16xi32>, vector<16xi32>], vector<16xf32>,
          tpu.vector_store_idx %arg8[%parallel_loop3A_220, %add3A_64], %parallel_loop3A_245 : memref<16x224xf32, #tpu.memory_space<vmem>>[vector<16xi32>, vector<16xi32>], vector<16xf32>,
          %parallel_loop3A_246 = arith.addi %parallel_loop3A_244, %broadcast_in_dim3A_25 : vector<16xi32>
          %parallel_loop3A_247 = tpu.vector_load_idx %arg7[%parallel_loop3A_217, %parallel_loop3A_246] : memref<224x224xf32, #tpu.memory_space<vmem>>[vector<16xi32>, vector<16xi32>], vector<16xf32>,
          tpu.vector_store_idx %arg8[%parallel_loop3A_220, %add3A_67], %parallel_loop3A_247 : memref<16x224xf32, #tpu.memory_space<vmem>>[vector<16xi32>, vector<16xi32>], vector<16xf32>,
          %parallel_loop3A_248 = arith.addi %parallel_loop3A_246, %broadcast_in_dim3A_25 : vector<16xi32>
        } {sc.loop_unroll_factor = 1 : i64, sc.parallel_access}
        %mul3A_182 = arith.constant 16 : i32
        %mul3A_183 = arith.muli %add3A_175, %mul3A_182 : i32
        %dma_start3A_184 = arith.constant 0 : i32
        %dma_start3A_185 = tpu.memref_slice %arg5[%select_n3A, %add3A_133, %mul3A_183, %dma_start3A_184] : memref<16x96x224x224xf32, #tpu.memory_space<hbm>> -> memref<1x1x16x224xf32, #tpu.memory_space<hbm>>
        %dma_start3A_186 = tpu.memref_squeeze %dma_start3A_185 : memref<1x1x16x224xf32, #tpu.memory_space<hbm>> -> memref<16x224xf32, #tpu.memory_space<hbm>>
        %dma_start3A_187 = arith.constant 0 : i32
        %dma_start3A_188 = tpu.memref_slice %arg5[%select_n3A, %add3A_133, %mul3A_183, %dma_start3A_187] : memref<16x96x224x224xf32, #tpu.memory_space<hbm>> -> memref<1x1x16x224xf32, #tpu.memory_space<hbm>>
        %dma_start3A_189 = tpu.memref_squeeze %dma_start3A_188 : memref<1x1x16x224xf32, #tpu.memory_space<hbm>> -> memref<16x224xf32, #tpu.memory_space<hbm>>
        tpu.enqueue_dma source(%arg8 : memref<16x224xf32, #tpu.memory_space<vmem>>) target(%dma_start3A_189 : memref<16x224xf32, #tpu.memory_space<hbm>>) target_semaphore(%arg14 : memref<!tpu.dma_semaphore, #tpu.memory_space<semaphore_mem>>)
        %mul3A_190 = arith.constant 2 : i32
        %mul3A_191 = arith.muli %scan3A_171, %mul3A_190 : i32
        %add3A_192 = arith.constant 1 : i32
        %add3A_193 = arith.addi %mul3A_191, %add3A_192 : i32
        %gt3A_194 = arith.constant 0 : i32
        %gt3A_195 = arith.cmpi sgt, %scan3A_171, %gt3A_194 : i32
        %convert_element_type3A_196 = arith.extui %gt3A_195 : i1 to i32
        %cond3A_197 = arith.constant 0 : i32
        %cond3A_198 = arith.cmpi ne, %convert_element_type3A_196, %cond3A_197 : i32
        scf.if %cond3A_198 {
          %sub3A_210 = arith.constant 2 : i32
          %sub3A_211 = arith.subi %add3A_193, %sub3A_210 : i32
          %mul3A_212 = arith.constant 16 : i32
          %mul3A_213 = arith.muli %sub3A_211, %mul3A_212 : i32
          %dma_wait3A_214 = arith.constant 0 : i32
          %dma_wait3A_215 = tpu.memref_slice %arg5[%select_n3A, %add3A_133, %mul3A_213, %dma_wait3A_214] : memref<16x96x224x224xf32, #tpu.memory_space<hbm>> -> memref<1x1x16x224xf32, #tpu.memory_space<hbm>>
          %dma_wait3A_216 = tpu.memref_squeeze %dma_wait3A_215 : memref<1x1x16x224xf32, #tpu.memory_space<hbm>> -> memref<16x224xf32, #tpu.memory_space<hbm>>
          %dma_wait3A_217 = arith.constant 0 : i32
          %dma_wait3A_218 = tpu.memref_slice %arg5[%select_n3A, %add3A_133, %mul3A_213, %dma_wait3A_217] : memref<16x96x224x224xf32, #tpu.memory_space<hbm>> -> memref<1x1x16x224xf32, #tpu.memory_space<hbm>>
          %dma_wait3A_219 = tpu.memref_squeeze %dma_wait3A_218 : memref<1x1x16x224xf32, #tpu.memory_space<hbm>> -> memref<16x224xf32, #tpu.memory_space<hbm>>
          tpu.wait_dma2 semaphore(%arg15 : memref<!tpu.dma_semaphore, #tpu.memory_space<semaphore_mem>>) src(%arg9 : memref<16x224xf32, #tpu.memory_space<vmem>>) dst(%dma_wait3A_219 : memref<16x224xf32, #tpu.memory_space<hbm>>)
        } else {
        }
        %parallel_loop3A_199 = arith.constant 0 : i32
        %parallel_loop3A_200 = arith.constant 16 : i32
        %parallel_loop3A_201 = arith.constant 1 : i32
        scf.for %parallel_loop3A_210 = %parallel_loop3A_199 to %parallel_loop3A_200 step %parallel_loop3A_201  : i32 {
          %parallel_loop3A_211 = arith.constant 16 : i32
          %parallel_loop3A_212 = arith.muli %add3A_193, %parallel_loop3A_211 : i32
          %parallel_loop3A_213 = arith.addi %parallel_loop3A_212, %parallel_loop3A_210 : i32
          %parallel_loop3A_214 = arith.constant 16 : i32
          %parallel_loop3A_215 = arith.muli %parallel_loop3A_213, %parallel_loop3A_214 : i32
          %parallel_loop3A_216 = arith.index_cast %parallel_loop3A_215 : i32 to index
          %parallel_loop3A_217 = tpu.vector_load %arg10[%parallel_loop3A_216] {strides = array<i32>} : memref<3584xi32, #tpu.memory_space<vmem>>, vector<16xi32>,
          %parallel_loop3A_218 = arith.index_cast %parallel_loop3A_215 : i32 to index
          %parallel_loop3A_219 = tpu.vector_load %arg11[%parallel_loop3A_218] {strides = array<i32>} : memref<3584xi32, #tpu.memory_space<vmem>>, vector<16xi32>,
          %parallel_loop3A_220 = vector.broadcast %parallel_loop3A_210 : i32 to vector<16xi32>
          %parallel_loop3A_221 = tpu.vector_load_idx %arg7[%parallel_loop3A_217, %parallel_loop3A_219] : memref<224x224xf32, #tpu.memory_space<vmem>>[vector<16xi32>, vector<16xi32>], vector<16xf32>,
          tpu.vector_store_idx %arg9[%parallel_loop3A_220, %add3A_28], %parallel_loop3A_221 : memref<16x224xf32, #tpu.memory_space<vmem>>[vector<16xi32>, vector<16xi32>], vector<16xf32>,
          %parallel_loop3A_222 = arith.addi %parallel_loop3A_219, %broadcast_in_dim3A_25 : vector<16xi32>
          %parallel_loop3A_223 = tpu.vector_load_idx %arg7[%parallel_loop3A_217, %parallel_loop3A_222] : memref<224x224xf32, #tpu.memory_space<vmem>>[vector<16xi32>, vector<16xi32>], vector<16xf32>,
          tpu.vector_store_idx %arg9[%parallel_loop3A_220, %add3A_31], %parallel_loop3A_223 : memref<16x224xf32, #tpu.memory_space<vmem>>[vector<16xi32>, vector<16xi32>], vector<16xf32>,
          %parallel_loop3A_224 = arith.addi %parallel_loop3A_222, %broadcast_in_dim3A_25 : vector<16xi32>
          %parallel_loop3A_225 = tpu.vector_load_idx %arg7[%parallel_loop3A_217, %parallel_loop3A_224] : memref<224x224xf32, #tpu.memory_space<vmem>>[vector<16xi32>, vector<16xi32>], vector<16xf32>,
          tpu.vector_store_idx %arg9[%parallel_loop3A_220, %add3A_34], %parallel_loop3A_225 : memref<16x224xf32, #tpu.memory_space<vmem>>[vector<16xi32>, vector<16xi32>], vector<16xf32>,
          %parallel_loop3A_226 = arith.addi %parallel_loop3A_224, %broadcast_in_dim3A_25 : vector<16xi32>
          %parallel_loop3A_227 = tpu.vector_load_idx %arg7[%parallel_loop3A_217, %parallel_loop3A_226] : memref<224x224xf32, #tpu.memory_space<vmem>>[vector<16xi32>, vector<16xi32>], vector<16xf32>,
          tpu.vector_store_idx %arg9[%parallel_loop3A_220, %add3A_37], %parallel_loop3A_227 : memref<16x224xf32, #tpu.memory_space<vmem>>[vector<16xi32>, vector<16xi32>], vector<16xf32>,
          %parallel_loop3A_228 = arith.addi %parallel_loop3A_226, %broadcast_in_dim3A_25 : vector<16xi32>
          %parallel_loop3A_229 = tpu.vector_load_idx %arg7[%parallel_loop3A_217, %parallel_loop3A_228] : memref<224x224xf32, #tpu.memory_space<vmem>>[vector<16xi32>, vector<16xi32>], vector<16xf32>,
          tpu.vector_store_idx %arg9[%parallel_loop3A_220, %add3A_40], %parallel_loop3A_229 : memref<16x224xf32, #tpu.memory_space<vmem>>[vector<16xi32>, vector<16xi32>], vector<16xf32>,
          %parallel_loop3A_230 = arith.addi %parallel_loop3A_228, %broadcast_in_dim3A_25 : vector<16xi32>
          %parallel_loop3A_231 = tpu.vector_load_idx %arg7[%parallel_loop3A_217, %parallel_loop3A_230] : memref<224x224xf32, #tpu.memory_space<vmem>>[vector<16xi32>, vector<16xi32>], vector<16xf32>,
          tpu.vector_store_idx %arg9[%parallel_loop3A_220, %add3A_43], %parallel_loop3A_231 : memref<16x224xf32, #tpu.memory_space<vmem>>[vector<16xi32>, vector<16xi32>], vector<16xf32>,
          %parallel_loop3A_232 = arith.addi %parallel_loop3A_230, %broadcast_in_dim3A_25 : vector<16xi32>
          %parallel_loop3A_233 = tpu.vector_load_idx %arg7[%parallel_loop3A_217, %parallel_loop3A_232] : memref<224x224xf32, #tpu.memory_space<vmem>>[vector<16xi32>, vector<16xi32>], vector<16xf32>,
          tpu.vector_store_idx %arg9[%parallel_loop3A_220, %add3A_46], %parallel_loop3A_233 : memref<16x224xf32, #tpu.memory_space<vmem>>[vector<16xi32>, vector<16xi32>], vector<16xf32>,
          %parallel_loop3A_234 = arith.addi %parallel_loop3A_232, %broadcast_in_dim3A_25 : vector<16xi32>
          %parallel_loop3A_235 = tpu.vector_load_idx %arg7[%parallel_loop3A_217, %parallel_loop3A_234] : memref<224x224xf32, #tpu.memory_space<vmem>>[vector<16xi32>, vector<16xi32>], vector<16xf32>,
          tpu.vector_store_idx %arg9[%parallel_loop3A_220, %add3A_49], %parallel_loop3A_235 : memref<16x224xf32, #tpu.memory_space<vmem>>[vector<16xi32>, vector<16xi32>], vector<16xf32>,
          %parallel_loop3A_236 = arith.addi %parallel_loop3A_234, %broadcast_in_dim3A_25 : vector<16xi32>
          %parallel_loop3A_237 = tpu.vector_load_idx %arg7[%parallel_loop3A_217, %parallel_loop3A_236] : memref<224x224xf32, #tpu.memory_space<vmem>>[vector<16xi32>, vector<16xi32>], vector<16xf32>,
          tpu.vector_store_idx %arg9[%parallel_loop3A_220, %add3A_52], %parallel_loop3A_237 : memref<16x224xf32, #tpu.memory_space<vmem>>[vector<16xi32>, vector<16xi32>], vector<16xf32>,
          %parallel_loop3A_238 = arith.addi %parallel_loop3A_236, %broadcast_in_dim3A_25 : vector<16xi32>
          %parallel_loop3A_239 = tpu.vector_load_idx %arg7[%parallel_loop3A_217, %parallel_loop3A_238] : memref<224x224xf32, #tpu.memory_space<vmem>>[vector<16xi32>, vector<16xi32>], vector<16xf32>,
          tpu.vector_store_idx %arg9[%parallel_loop3A_220, %add3A_55], %parallel_loop3A_239 : memref<16x224xf32, #tpu.memory_space<vmem>>[vector<16xi32>, vector<16xi32>], vector<16xf32>,
          %parallel_loop3A_240 = arith.addi %parallel_loop3A_238, %broadcast_in_dim3A_25 : vector<16xi32>
          %parallel_loop3A_241 = tpu.vector_load_idx %arg7[%parallel_loop3A_217, %parallel_loop3A_240] : memref<224x224xf32, #tpu.memory_space<vmem>>[vector<16xi32>, vector<16xi32>], vector<16xf32>,
          tpu.vector_store_idx %arg9[%parallel_loop3A_220, %add3A_58], %parallel_loop3A_241 : memref<16x224xf32, #tpu.memory_space<vmem>>[vector<16xi32>, vector<16xi32>], vector<16xf32>,
          %parallel_loop3A_242 = arith.addi %parallel_loop3A_240, %broadcast_in_dim3A_25 : vector<16xi32>
          %parallel_loop3A_243 = tpu.vector_load_idx %arg7[%parallel_loop3A_217, %parallel_loop3A_242] : memref<224x224xf32, #tpu.memory_space<vmem>>[vector<16xi32>, vector<16xi32>], vector<16xf32>,
          tpu.vector_store_idx %arg9[%parallel_loop3A_220, %add3A_61], %parallel_loop3A_243 : memref<16x224xf32, #tpu.memory_space<vmem>>[vector<16xi32>, vector<16xi32>], vector<16xf32>,
          %parallel_loop3A_244 = arith.addi %parallel_loop3A_242, %broadcast_in_dim3A_25 : vector<16xi32>
          %parallel_loop3A_245 = tpu.vector_load_idx %arg7[%parallel_loop3A_217, %parallel_loop3A_244] : memref<224x224xf32, #tpu.memory_space<vmem>>[vector<16xi32>, vector<16xi32>], vector<16xf32>,
          tpu.vector_store_idx %arg9[%parallel_loop3A_220, %add3A_64], %parallel_loop3A_245 : memref<16x224xf32, #tpu.memory_space<vmem>>[vector<16xi32>, vector<16xi32>], vector<16xf32>,
          %parallel_loop3A_246 = arith.addi %parallel_loop3A_244, %broadcast_in_dim3A_25 : vector<16xi32>
          %parallel_loop3A_247 = tpu.vector_load_idx %arg7[%parallel_loop3A_217, %parallel_loop3A_246] : memref<224x224xf32, #tpu.memory_space<vmem>>[vector<16xi32>, vector<16xi32>], vector<16xf32>,
          tpu.vector_store_idx %arg9[%parallel_loop3A_220, %add3A_67], %parallel_loop3A_247 : memref<16x224xf32, #tpu.memory_space<vmem>>[vector<16xi32>, vector<16xi32>], vector<16xf32>,
          %parallel_loop3A_248 = arith.addi %parallel_loop3A_246, %broadcast_in_dim3A_25 : vector<16xi32>
        } {sc.loop_unroll_factor = 1 : i64, sc.parallel_access}
        %mul3A_202 = arith.constant 16 : i32
        %mul3A_203 = arith.muli %add3A_193, %mul3A_202 : i32
        %dma_start3A_204 = arith.constant 0 : i32
        %dma_start3A_205 = tpu.memref_slice %arg5[%select_n3A, %add3A_133, %mul3A_203, %dma_start3A_204] : memref<16x96x224x224xf32, #tpu.memory_space<hbm>> -> memref<1x1x16x224xf32, #tpu.memory_space<hbm>>
        %dma_start3A_206 = tpu.memref_squeeze %dma_start3A_205 : memref<1x1x16x224xf32, #tpu.memory_space<hbm>> -> memref<16x224xf32, #tpu.memory_space<hbm>>
        %dma_start3A_207 = arith.constant 0 : i32
        %dma_start3A_208 = tpu.memref_slice %arg5[%select_n3A, %add3A_133, %mul3A_203, %dma_start3A_207] : memref<16x96x224x224xf32, #tpu.memory_space<hbm>> -> memref<1x1x16x224xf32, #tpu.memory_space<hbm>>
        %dma_start3A_209 = tpu.memref_squeeze %dma_start3A_208 : memref<1x1x16x224xf32, #tpu.memory_space<hbm>> -> memref<16x224xf32, #tpu.memory_space<hbm>>
        tpu.enqueue_dma source(%arg9 : memref<16x224xf32, #tpu.memory_space<vmem>>) target(%dma_start3A_209 : memref<16x224xf32, #tpu.memory_space<hbm>>) target_semaphore(%arg15 : memref<!tpu.dma_semaphore, #tpu.memory_space<semaphore_mem>>)
      }
      %scan3A_147 = arith.constant 7 : i32
      %add3A_148 = arith.constant 1 : i32
      %add3A_149 = arith.addi %scan3A_90, %add3A_148 : i32
      %lt3A_150 = arith.constant 24 : i32
      %lt3A_151 = arith.cmpi slt, %add3A_149, %lt3A_150 : i32
      %convert_element_type3A_152 = arith.extui %lt3A_151 : i1 to i32
      %cond3A_153 = arith.constant 0 : i32
      %cond3A_154 = arith.cmpi ne, %convert_element_type3A_152, %cond3A_153 : i32
      scf.if %cond3A_154 {
        %add3A_171 = arith.constant 2 : i32
        %add3A_172 = arith.addi %add3A_133, %add3A_171 : i32
        %dma_start3A_173 = arith.constant 0 : i32
        %dma_start3A_174 = arith.constant 0 : i32
        %dma_start3A_175 = tpu.memref_slice %arg2[%select_n3A, %add3A_172, %dma_start3A_173, %dma_start3A_174] : memref<16x96x224x224xf32, #tpu.memory_space<hbm>> -> memref<1x1x224x224xf32, #tpu.memory_space<hbm>>
        %dma_start3A_176 = tpu.memref_squeeze %dma_start3A_175 : memref<1x1x224x224xf32, #tpu.memory_space<hbm>> -> memref<224x224xf32, #tpu.memory_space<hbm>>
        %dma_start3A_177 = arith.constant 0 : i32
        %dma_start3A_178 = arith.constant 0 : i32
        %dma_start3A_179 = tpu.memref_slice %arg2[%select_n3A, %add3A_172, %dma_start3A_177, %dma_start3A_178] : memref<16x96x224x224xf32, #tpu.memory_space<hbm>> -> memref<1x1x224x224xf32, #tpu.memory_space<hbm>>
        %dma_start3A_180 = tpu.memref_squeeze %dma_start3A_179 : memref<1x1x224x224xf32, #tpu.memory_space<hbm>> -> memref<224x224xf32, #tpu.memory_space<hbm>>
        tpu.enqueue_dma source(%dma_start3A_180 : memref<224x224xf32, #tpu.memory_space<hbm>>) target(%arg7 : memref<224x224xf32, #tpu.memory_space<vmem>>) target_semaphore(%arg13 : memref<!tpu.dma_semaphore, #tpu.memory_space<semaphore_mem>>)
      } else {
      }
      %dma_wait3A_155 = arith.constant 192 : i32
      %dma_wait3A_156 = arith.constant 0 : i32
      %dma_wait3A_157 = tpu.memref_slice %arg5[%select_n3A, %add3A_133, %dma_wait3A_155, %dma_wait3A_156] : memref<16x96x224x224xf32, #tpu.memory_space<hbm>> -> memref<1x1x16x224xf32, #tpu.memory_space<hbm>>
      %dma_wait3A_158 = tpu.memref_squeeze %dma_wait3A_157 : memref<1x1x16x224xf32, #tpu.memory_space<hbm>> -> memref<16x224xf32, #tpu.memory_space<hbm>>
      %dma_wait3A_159 = arith.constant 192 : i32
      %dma_wait3A_160 = arith.constant 0 : i32
      %dma_wait3A_161 = tpu.memref_slice %arg5[%select_n3A, %add3A_133, %dma_wait3A_159, %dma_wait3A_160] : memref<16x96x224x224xf32, #tpu.memory_space<hbm>> -> memref<1x1x16x224xf32, #tpu.memory_space<hbm>>
      %dma_wait3A_162 = tpu.memref_squeeze %dma_wait3A_161 : memref<1x1x16x224xf32, #tpu.memory_space<hbm>> -> memref<16x224xf32, #tpu.memory_space<hbm>>
      tpu.wait_dma2 semaphore(%arg14 : memref<!tpu.dma_semaphore, #tpu.memory_space<semaphore_mem>>) src(%arg8 : memref<16x224xf32, #tpu.memory_space<vmem>>) dst(%dma_wait3A_162 : memref<16x224xf32, #tpu.memory_space<hbm>>)
      %dma_wait3A_163 = arith.constant 208 : i32
      %dma_wait3A_164 = arith.constant 0 : i32
      %dma_wait3A_165 = tpu.memref_slice %arg5[%select_n3A, %add3A_133, %dma_wait3A_163, %dma_wait3A_164] : memref<16x96x224x224xf32, #tpu.memory_space<hbm>> -> memref<1x1x16x224xf32, #tpu.memory_space<hbm>>
      %dma_wait3A_166 = tpu.memref_squeeze %dma_wait3A_165 : memref<1x1x16x224xf32, #tpu.memory_space<hbm>> -> memref<16x224xf32, #tpu.memory_space<hbm>>
      %dma_wait3A_167 = arith.constant 208 : i32
      %dma_wait3A_168 = arith.constant 0 : i32
      %dma_wait3A_169 = tpu.memref_slice %arg5[%select_n3A, %add3A_133, %dma_wait3A_167, %dma_wait3A_168] : memref<16x96x224x224xf32, #tpu.memory_space<hbm>> -> memref<1x1x16x224xf32, #tpu.memory_space<hbm>>
      %dma_wait3A_170 = tpu.memref_squeeze %dma_wait3A_169 : memref<1x1x16x224xf32, #tpu.memory_space<hbm>> -> memref<16x224xf32, #tpu.memory_space<hbm>>
      tpu.wait_dma2 semaphore(%arg15 : memref<!tpu.dma_semaphore, #tpu.memory_space<semaphore_mem>>) src(%arg9 : memref<16x224xf32, #tpu.memory_space<vmem>>) dst(%dma_wait3A_170 : memref<16x224xf32, #tpu.memory_space<hbm>>)
    }
    %scan3A_89 = arith.constant 24 : i32
    return
  }
}

</mosaic_0001>

<sc_bundles>
// kernel: kernel.3.cloned.1.call-start
scs
__scs_entry_jumppad:
0x0: {  	(pc) =	sbr.rel $0x88, $3  }
0x1: {  	(tag) =	ssettag $0x0;
	lr =	simm.s32 $0x1  }
0x2: {  	[smem:$0x3FA0] =	sst lr;
	_ =	strace $0xD0000000  }
0x3: {  	_ = 	snop  }
0x4: {  	_ = 	snop  }
0x5: {  	_ = 	snop  }
0x6: {  	_ = 	snop  }
0x7: {  	_ = 	snop  }
__scs_overlays_trampoline_lowered:
0x8: {  	[smem:$0x3FAF] =	sst s0  }
0x9: {  	[smem:$0x3FB0] =	sst s1  }
0xa: {  	[smem:$0x3FB1] =	sst s2  }
0xb: {  	[smem:$0x3FB2] =	sst s3  }
0xc: {  	[smem:$0x3FB3] =	sst s4  }
0xd: {  	[smem:$0x3FB4] =	sst s5  }
0xe: {  	[smem:$0x3FB5] =	sst s6  }
0xf: {  	[smem:$0x3FB6] =	sst s7  }
0x10: {  	[smem:$0x3FB7] =	sst s8  }
0x11: {  	[smem:$0x3FB8] =	sst s9;
	s0 =	simm.s32 @!p0 $0x0  }
0x12: {  	s1 =	sld [smem:$0x3F9E];
	s0 =	simm.s32 @p0 $0x1  }
0x13: {  	[smem:$0x3FB9] =	sst s0;
	s0 =	simm.s32 @!p1 $0x0  }
0x14: {  	s2 =	sld [smem:$0x3F9D];
	s0 =	simm.s32 @p1 $0x1  }
0x15: {  	[smem:$0x3FBA] =	sst s0;
	s0 =	simm.s32 @!p2 $0x0  }
0x16: {  	s3 =	sld [smem:$0x3FDB];
	s0 =	simm.s32 @p2 $0x1  }
0x17: {  	s4 =	simm.s32 $0x1BF5;
	[smem:$0x3FBC] =	sst s0  }
0x18: {  	s0 =	sld [smem:$0x3F9F];
	_ =	swait.ge [sflag:s4], $0x0  }
0x19: {  	s7 =	sld [smem:$0x3FA0]  }
0x1a: {  	s8 =	sadd.s32 $0xFFFFE003, lr  }
0x1b: {  	s9 =	sadd.s32 $0xFFFFFEF7, lr;
	s5 =	simm.s32 $0xFFFFFFFF;
	p2 =	slt.u32 s8, $0xFFFFF086  }
0x1c: {  	p1 =	slt.u32 s9, $0xF7A;
	s5 =	simm.s32 @!p2 $0x0  }
0x1d: {  	s5 =	simm.s32 @p1 $0x1;
	p0 =	seq.s32 s7, s2  }
0x1e: {  	s7 =	smul.u32 @!p0 $0xF7A, s2;
	p2 =	seq.s32 @!p0 s5, $0x0  }
0x1f: {  	s9 =	smul.u32 $0xF7A, s1;
	s8 =	simm.s32 @!p0 $0x1BF5;
	p2 =	por !p2, p0  }
0x20: {  	[sflag:s8] =	ssyncset.s32 @!p0 $0xFFFFF086;
	s6 =	sadd.s32 @!p0 s3, s7;
	s7 =	simm.s32 @!p0 $0x108  }
0x21: {  	s3 =	sadd.s32 s3, s9;
	s6 =	sadd.s32 @!p0 $0x88, s6;
	s7 =	simm.s32 @p2 $0x1082  }
0x22: {  	[simem:s7], [sflag:s8] =	dma.local @!p0 [hbm:s6], $0xF7A  }
0x23: {  	s9 =	sor.u32 $0xD0000000, s2;
	s6 =	simm.s32 $0x108;
	_ =	swait.ge @!p0 [sflag:s8], $0x0  }
0x24: {  	s3 =	sadd.s32 $0x88, s3;
	s6 =	simm.s32 @!p1 $0x1082;
	[sflag:s4] =	ssyncset.s32 $0xFFFFF086  }
0x25: {  	[simem:s6], [sflag:s4] =	dma.local [hbm:s3], $0xF7A  }
0x26: {  	[smem:$0x3FA0] =	sst s1;
	(tag) =	ssettag s2;
	_ =	strace s9  }
0x27: {  	s1 =	sld [smem:$0x3FB0]  }
0x28: {  	s2 =	sld [smem:$0x3FB1]  }
0x29: {  	s4 =	sld [smem:$0x3FB3]  }
0x2a: {  	p0 =	seq.s32 s5, $0x0;
	s5 =	sld [smem:$0x3FB4]  }
0x2b: {  	s6 =	sld [smem:$0x3FB5]  }
0x2c: {  	s7 =	sld [smem:$0x3FB6]  }
0x2d: {  	s3 =	simm.s32 $0x108;
	s8 =	sld [smem:$0x3FB7]  }
0x2e: {  	s3 =	simm.s32 @!p0 $0x1082;
	s9 =	sld [smem:$0x3FB8]  }
0x2f: {  	lr =	sadd.s32 s0, s3;
	s0 =	sld [smem:$0x3FAF]  }
0x30: {  	s3 =	sld [smem:$0x3FB2]  }
0x31: {  	[smem:$0x3FBB] =	sst s10  }
0x32: {  	s10 =	sld [smem:$0x3FB9];
	_ =	sdelay $0x3  }
0x33: {  	p0 =	seq.s32 s10, $0x1;
	s10 =	sld [smem:$0x3FBB];
	_ =	sdelay $0x3  }
0x34: {  	[smem:$0x3FBB] =	sst s10  }
0x35: {  	s10 =	sld [smem:$0x3FBA];
	_ =	sdelay $0x3  }
0x36: {  	p1 =	seq.s32 s10, $0x1;
	s10 =	sld [smem:$0x3FBB];
	_ =	sdelay $0x3  }
0x37: {  	[smem:$0x3FBB] =	sst s10  }
0x38: {  	s10 =	sld [smem:$0x3FBC]  }
0x39: {  	_ = 	snop;
	(pc) =	sbr.ind lr, $3  }
0x3a: {  	_ = 	snop  }
0x3b: {  	_ = 	snop  }
0x3c: {  	p2 =	seq.s32 s10, $0x1;
	s10 =	sld [smem:$0x3FBB]  }
0x3d: {  	_ =	shalt  }
0x3e: {  	_ =	shalt  }
0x3f: {  	_ =	shalt  }
0x40: {  	_ =	shalt  }
0x41: {  	_ =	shalt  }
0x42: {  	_ =	shalt  }
0x43: {  	_ =	shalt  }
0x44: {  	_ =	shalt  }
0x45: {  	_ =	shalt  }
0x46: {  	_ =	shalt  }
0x47: {  	_ =	shalt  }
0x48: {  	_ =	shalt  }
0x49: {  	_ =	shalt  }
0x4a: {  	_ =	shalt  }
0x4b: {  	_ =	shalt  }
0x4c: {  	_ =	shalt  }
0x4d: {  	_ =	shalt  }
0x4e: {  	_ =	shalt  }
0x4f: {  	_ =	shalt  }
0x50: {  	_ =	shalt  }
0x51: {  	_ =	shalt  }
0x52: {  	_ =	shalt  }
0x53: {  	_ =	shalt  }
0x54: {  	_ =	shalt  }
0x55: {  	_ =	shalt  }
0x56: {  	_ =	shalt  }
0x57: {  	_ =	shalt  }
0x58: {  	_ =	shalt  }
0x59: {  	_ =	shalt  }
0x5a: {  	_ =	shalt  }
0x5b: {  	_ =	shalt  }
0x5c: {  	_ =	shalt  }
0x5d: {  	_ =	shalt  }
0x5e: {  	_ =	shalt  }
0x5f: {  	_ =	shalt  }
0x60: {  	_ =	shalt  }
0x61: {  	_ =	shalt  }
0x62: {  	_ =	shalt  }
0x63: {  	_ =	shalt  }
0x64: {  	_ =	shalt  }
0x65: {  	_ =	shalt  }
0x66: {  	_ =	shalt  }
0x67: {  	_ =	shalt  }
0x68: {  	_ =	shalt  }
0x69: {  	_ =	shalt  }
0x6a: {  	_ =	shalt  }
0x6b: {  	_ =	shalt  }
0x6c: {  	_ =	shalt  }
0x6d: {  	_ =	shalt  }
0x6e: {  	_ =	shalt  }
0x6f: {  	_ =	shalt  }
0x70: {  	_ =	shalt  }
0x71: {  	_ =	shalt  }
0x72: {  	_ =	shalt  }
0x73: {  	_ =	shalt  }
0x74: {  	_ =	shalt  }
0x75: {  	_ =	shalt  }
0x76: {  	_ =	shalt  }
0x77: {  	_ =	shalt  }
0x78: {  	_ =	shalt  }
0x79: {  	_ =	shalt  }
0x7a: {  	_ =	shalt  }
0x7b: {  	_ =	shalt  }
0x7c: {  	_ =	shalt  }
0x7d: {  	_ =	shalt  }
0x7e: {  	_ =	shalt  }
0x7f: {  	_ =	shalt  }
0x80: {  	_ =	shalt  }
0x81: {  	_ =	shalt  }
0x82: {  	_ =	shalt  }
0x83: {  	_ =	shalt  }
0x84: {  	_ =	shalt  }
0x85: {  	_ =	shalt  }
0x86: {  	_ =	shalt  }
0x87: {  	_ =	shalt  }
.Lfunc_end0:
.L_simem_size_0:
called_computation_lowered:
.L_overlay_start_0:
0x88: {  	s2 =	sld [smem:$0x3FD9]  }
0x89: {  	s3 =	sld [smem:$0x3FFE];
	_ =	sdelay $0x1  }
0x8a: {  	s1 =	srdreg.scid  }
0x8b: {  	s0 =	sand.u32 $0x1, s1  }
0x8c: {  	s17 =	sshll.u32 s0, $0xA;
	s2 =	sadd.s32 s3, s2  }
0x8d: {  	s2 =	sadd.s32 s2, s17  }
0x8e: {  	[smem:$0x3FC7] =	sst s2  }
0x8f: {  	_ = 	snop  }
0x90: {  	s2 =	sld [smem:$0x3FC9]  }
0x91: {  	s18 =	sld [smem:$0x3FD0];
	(tm) =	ssettm $0x1  }
0x92: {  	s4 =	sld [smem:$0x3FFB];
	_ =	sdelay $0x3  }
0x93: {  	_ =	strace s4  }
0x94: {  	s4 =	sld [smem:$0x3FFC];
	_ =	sdelay $0x3  }
0x95: {  	_ =	strace s4  }
0x96: {  	s4 =	sld [smem:$0x3FFD];
	_ =	sdelay $0x3  }
0x97: {  	_ =	strace s4  }
0x98: {  	_ =	strace $0x8FFFFFFF  }
0x99: {  	s19 =	sld [smem:$0x3FDB];
	_ =	sdelay $0x1  }
0x9a: {  	s5 =	simm.s32 $_scs_section_size  }
0x9b: {  	s6 =	simm.s32 $_size__tile_overlayer_lowered;
	s7 =	simm.s32 $_tile_overlayer_lowered  }
0x9c: {  	s22 =	simm.s32 $0x1BFF;
	s21 =	sshll.u32 s7, $0x1;
	s4 =	sadd.s32 s5, s19  }
0x9d: {  	s8 =	simm.s32 $0x0;
	s20 =	sshll.u32 s6, $0x1;
	s6 =	sadd.s32 s21, s4  }
0x9e: {  	[timem:s8], [sflag:s22] =	dma.local [hbm:s6], s20  }
0x9f: {  	_ =	swait.ge [sflag:s22], s20  }
0xa0: {  	s5 =	ssub.s32 $0x0, s20;
	[sflag:s22] =	ssyncset.done $0x0  }
0xa1: {  	[sflag:s22] =	ssyncadd.s32 s5;
	_ =	sdelay $0x1  }
0xa2: {  	s23 =	simm.s32 $0x1B8B  }
0xa3: {  	_ =	swait.ge [sflag:s23], $0x1  }
0xa4: {  	[sflag:s23] =	ssyncset.done $0x0  }
0xa5: {  	s25 =	simm.s32 $0x1B8E;
	s24 =	sld [smem:$0x3FFE];
	[sflag:s23] =	ssyncadd.s32 $0xFFFFFFFF  }
0xa6: {  	s26 =	simm.s32 $execute0_lowered;
	[smem:$0x3FD2] =	sst s25  }
0xa7: {  	s6 =	sshll.u32 s26, $0x1;
	_ =	strace $0x80000046;
	[dreg:$0x1] =	wrdreg $0xFFFFFFFF  }
0xa8: {  	s28 =	simm.s32 $_size_execute0_lowered;
	s4 =	sadd.s32 s4, s6;
	[dreg:$0x0] =	wrdreg $0x0  }
0xa9: {  	s6 =	sshll.u32 s28, $0x1;
	[dreg:$0x2] =	wrdreg s4  }
0xaa: {  	[dreg:$0x3] =	wrdreg s6  }
0xab: {  	[dreg:$0x4] =	wrdreg $0xC0  }
0xac: {  	_ =	task [dreg:s8], $0x5FFFF  }
0xad: {  	[dreg:$0x1] =	wrdreg $0xFFFFFFFF  }
0xae: {  	[dreg:$0x0] =	wrdreg $0x60  }
0xaf: {  	[dreg:$0x2] =	wrdreg s2  }
0xb0: {  	[dreg:$0x3] =	wrdreg s24  }
0xb1: {  	[dreg:$0x4] =	wrdreg s18  }
0xb2: {  	[dreg:$0x5] =	wrdreg $0x9  }
0xb3: {  	_ =	task.clear_ibuf [dreg:s8], $0x6FFFF;
	_ =	strace $0x90000046  }
0xb4: {  	s29 =	simm.s32 $0x9;
	_ =	strace $0x80000048  }
0xb5: {  	_ =	swait.ge [sflag:s29], $0x1  }
0xb6: {  	[sflag:s29] =	ssyncadd.s32 $0xFFFFFFFF  }
0xb7: {  	_ =	strace $0x90000048  }
0xb8: {  	_ =	sfence  }
0xb9: {  	s30 =	sld [smem:$0x0];
	_ =	sdelay $0x2  }
0xba: {  	s31 =	sshll.u32 s1, $0xD;
	s1 =	sshrl.u32 s1, $0x2  }
0xbb: {  	s3 =	sand.u32 $0x4000, s31;
	s1 =	sadd.s32 s1, s30  }
0xbc: {  	s0 =	sor.u32 s3, s0;
	s1 =	sshll.u32 s1, $0x11  }
0xbd: {  	s0 =	sor.u32 s1, s0  }
0xbe: {  	s0 =	sadd.s32 $0x8F2B, s0  }
0xbf: {  	[sflag:s0] =	ssyncadd.remote.s32 $0x1  }
0xc0: {  	_ =	sfence.sel $0xFFFF  }
0xc1: {  	[dreg:$0x0] =	wrdreg $0xFFFFFFFF;
	(pc) =	sbr.abs _section_cstart, $3  }
0xc2: {  	[dreg:$0x1] =	wrdreg $0xFFFFFFFF  }
0xc3: {  	_ =	task.clear_ibuf [dreg:s8], $0x2FFFF;
	_ =	strace $0x9FFFFFFF  }
0xc4: {  	(tm) =	ssettm $0x7FFFFFFF  }
0xc5: {  	_ =	shalt  }
tec
execute0_lowered:
.L_overlay_start_1:
0x0: {  	(tag) =	ssettag $0x1  }
0x1: {  	v0 =	vimm.s32 $0x2A1C0E00;
	v1 =	vimm.s32 $0x62544638  }
0x2: {  	vm6 =	vcmask $0xF00;
	vm5 =	vcmask $0x1F10;
	v2 =	vimm.s32 $0x7E70  }
0x3: {  	vm0 =	vcmask $0x2720;
	v3 =	vimm.s32 $0x63554739;
	vm4 =	vcmask $0x2B28  }
0x4: {  	vm3 =	vcmask $0x2F2C;
	vm2 =	vcmask $0x3330;
	vm1 =	vcmask $0x3734  }
0x5: {  	vm15 =	vcmask $0x3B38;
	v4 =	vimm.s32 $0x2D1F1103;
	v5 =	vimm.s32 $0x6557493B  }
0x6: {  	vm8 =	vcmask $0x2320;
	vm7 =	vcmask $0x2724;
	v6 =	vimm.s32 $0x67594B3D  }
0x7: {  	v7 =	vimm.s32 $0x30221406;
	v8 =	vimm.s32 $0x685A4C3E;
	v9 =	vimm.s32 $0x6A5C4E40  }
0x8: {  	v10 =	vimm.s32 $0x33251709;
	v11 =	vimm.s32 $0x6B5D4F41;
	v12 =	vimm.s32 $0x3527190B  }
0x9: {  	v13 =	vimm.s32 $0x6D5F5143;
	v14 =	vimm.s32 $0x6F615345;
	v0 =	vunpack.c.0.s8.s32 v0  }
0xa: {  	v1 =	vunpack.c.0.s8.s32 v1;
	v4 =	vunpack.c.0.s8.s32 v4;
	v6 =	vunpack.c.0.s8.s32 v6  }
0xb: {  	v7 =	vunpack.c.0.s8.s32 v7;
	v9 =	vunpack.c.0.s8.s32 v9;
	v10 =	vunpack.c.0.s8.s32 v10  }
0xc: {  	v12 =	vunpack.c.0.s8.s32 v12;
	v13 =	vunpack.c.0.s8.s32 v13;
	v0 =	vnsel vm6, $0x452, v0  }
0xd: {  	v0 =	vsel vm5, v1, v0;
	v1 =	vunpack.c.0.s8.s32 v2;
	v2 =	vimm.s32 $0x2B1D0F01  }
0xe: {  	v14 =	vunpack.c.0.s8.s32 v14;
	v4 =	vnsel vm6, $0x455, v4;
	v2 =	vunpack.c.0.s8.s32 v2  }
0xf: {  	v0 =	vsel vm0, v1, v0;
	v1 =	vunpack.c.0.s8.s32 v3;
	v3 =	vimm.s32 $0x7F71  }
0x10: {  	v7 =	vnsel vm6, $0x458, v7;
	v2 =	vnsel vm6, $0x453, v2;
	v3 =	vunpack.c.0.s8.s32 v3  }
0x11: {  	v10 =	vnsel vm6, $0x45B, v10;
	v0 =	vsel vm4, $0x40C, v0;
	v1 =	vsel vm5, v1, v2  }
0x12: {  	v0 =	vsel vm3, $0x41A, v0;
	v2 =	vimm.s32 $0x2C1E1002;
	v1 =	vsel vm0, v3, v1  }
0x13: {  	v0 =	vsel vm2, $0x428, v0;
	v2 =	vunpack.c.0.s8.s32 v2;
	v3 =	vimm.s32 $0x6456483A  }
0x14: {  	v1 =	vsel vm4, $0x40D, v1;
	v0 =	vsel vm1, $0x436, v0;
	v3 =	vunpack.c.0.s8.s32 v3  }
0x15: {  	v1 =	vsel vm3, $0x41B, v1;
	v0 =	vsel vm15, $0x444, v0;
	v2 =	vnsel vm6, $0x454, v2  }
0x16: {  	v1 =	vsel vm2, $0x429, v1;
	v2 =	vsel vm5, v3, v2;
	v3 =	vunpack.c.0.s8.s32 v5  }
0x17: {  	v5 =	vimm.s32 $0x66584A3C;
	v1 =	vsel vm1, $0x437, v1;
	v2 =	vsel vm8, $0x72, v2  }
0x18: {  	v5 =	vunpack.c.0.s8.s32 v5;
	v3 =	vsel vm5, v3, v4;
	v4 =	vimm.s32 $0x2E201204  }
0x19: {  	v2 =	vsel vm7, $0x400, v2;
	v3 =	vsel vm8, $0x73, v3;
	v4 =	vunpack.c.0.s8.s32 v4  }
0x1a: {  	v1 =	vsel vm15, $0x445, v1;
	v2 =	vsel vm4, $0x40E, v2;
	v3 =	vsel vm7, $0x401, v3  }
0x1b: {  	v2 =	vsel vm3, $0x41C, v2;
	v3 =	vsel vm4, $0x40F, v3;
	v4 =	vnsel vm6, $0x456, v4  }
0x1c: {  	v2 =	vsel vm2, $0x42A, v2;
	v3 =	vsel vm3, $0x41D, v3;
	v4 =	vsel vm5, v5, v4  }
0x1d: {  	v2 =	vsel vm1, $0x438, v2;
	v5 =	vimm.s32 $0x2F211305;
	v4 =	vsel vm8, $0x74, v4  }
0x1e: {  	v3 =	vsel vm2, $0x42B, v3;
	v5 =	vunpack.c.0.s8.s32 v5;
	v4 =	vsel vm7, $0x402, v4  }
0x1f: {  	v2 =	vsel vm15, $0x446, v2;
	v3 =	vsel vm1, $0x439, v3;
	v4 =	vsel vm4, $0x410, v4  }
0x20: {  	v3 =	vsel vm15, $0x447, v3;
	v5 =	vnsel vm6, $0x457, v5;
	v4 =	vsel vm3, $0x41E, v4  }
0x21: {  	v5 =	vsel vm5, v6, v5;
	v6 =	vunpack.c.0.s8.s32 v8;
	v8 =	vimm.s32 $0x695B4D3F  }
0x22: {  	v4 =	vsel vm2, $0x42C, v4;
	v5 =	vsel vm8, $0x75, v5;
	v8 =	vunpack.c.0.s8.s32 v8  }
0x23: {  	v4 =	vsel vm1, $0x43A, v4;
	v6 =	vsel vm5, v6, v7;
	v7 =	vimm.s32 $0x31231507  }
0x24: {  	v5 =	vsel vm7, $0x403, v5;
	v6 =	vsel vm8, $0x76, v6;
	v7 =	vunpack.c.0.s8.s32 v7  }
0x25: {  	v4 =	vsel vm15, $0x448, v4;
	v5 =	vsel vm4, $0x411, v5;
	v6 =	vsel vm7, $0x404, v6  }
0x26: {  	v5 =	vsel vm3, $0x41F, v5;
	v6 =	vsel vm4, $0x412, v6;
	v7 =	vnsel vm6, $0x459, v7  }
0x27: {  	v5 =	vsel vm2, $0x42D, v5;
	v6 =	vsel vm3, $0x420, v6;
	v7 =	vsel vm5, v8, v7  }
0x28: {  	v5 =	vsel vm1, $0x43B, v5;
	v8 =	vimm.s32 $0x32241608;
	v7 =	vsel vm8, $0x77, v7  }
0x29: {  	v6 =	vsel vm2, $0x42E, v6;
	v8 =	vunpack.c.0.s8.s32 v8;
	v7 =	vsel vm7, $0x405, v7  }
0x2a: {  	v5 =	vsel vm15, $0x449, v5;
	v6 =	vsel vm1, $0x43C, v6;
	v7 =	vsel vm4, $0x413, v7  }
0x2b: {  	v6 =	vsel vm15, $0x44A, v6;
	v8 =	vnsel vm6, $0x45A, v8;
	v7 =	vsel vm3, $0x421, v7  }
0x2c: {  	v8 =	vsel vm5, v9, v8;
	v9 =	vunpack.c.0.s8.s32 v11;
	v11 =	vimm.s32 $0x6C5E5042  }
0x2d: {  	v7 =	vsel vm2, $0x42F, v7;
	v8 =	vsel vm8, $0x78, v8;
	v11 =	vunpack.c.0.s8.s32 v11  }
0x2e: {  	v8 =	vsel vm7, $0x406, v8;
	v9 =	vsel vm5, v9, v10;
	v10 =	vimm.s32 $0x3426180A  }
0x2f: {  	v7 =	vsel vm1, $0x43D, v7;
	v10 =	vunpack.c.0.s8.s32 v10;
	v8 =	vsel vm4, $0x414, v8  }
0x30: {  	v7 =	vsel vm15, $0x44B, v7;
	v9 =	vsel vm8, $0x79, v9;
	v8 =	vsel vm3, $0x422, v8  }
0x31: {  	s10 =	stileid.u32;
	s1 =	rddreg [dreg:$0x0];
	v9 =	vsel vm7, $0x407, v9;
	v10 =	vnsel vm6, $0x45C, v10;
	v8 =	vsel vm2, $0x430, v8  }
0x32: {  	s0 =	srdreg.scid;
	s4 =	rddreg [dreg:$0x1];
	s16 =	simm.s32 $0x5;
	v10 =	vsel vm5, v11, v10;
	v11 =	vnsel vm6, $0x45D, v12;
	v12 =	vimm.s32 $0x36281A0C  }
0x33: {  	s18 =	simm.s32 $0xE000;
	s19 =	simm.s32 $0x1;
	s20 =	simm.s32 $0x1C000;
	v11 =	vsel vm5, v13, v11;
	v12 =	vunpack.c.0.s8.s32 v12;
	v13 =	vimm.s32 $0x6E605244  }
0x34: {  	s21 =	simm.s32 $0x1D000;
	s31 =	simm.s32 $0x0;
	s0 =	sand.u32 $0x1, s0;
	v9 =	vsel vm4, $0x415, v9;
	v8 =	vsel vm1, $0x43E, v8;
	v13 =	vunpack.c.0.s8.s32 v13  }
0x35: {  	s2 =	sshll.u32 s10, $0x1;
	s6 =	sshrl.u32 s10, $0x3;
	s7 =	smul.u32 $0xFFFFFFA0, s10;
	v9 =	vsel vm3, $0x423, v9;
	v10 =	vsel vm8, $0x7A, v10;
	v12 =	vnsel vm6, $0x45E, v12  }
0x36: {  	s9 =	sshll.u32 s10, $0x7;
	s3 =	sor.u32 s0, s2;
	s8 =	smul.u32 $0x7000, s6;
	v9 =	vsel vm2, $0x431, v9;
	v12 =	vsel vm5, v13, v12;
	v13 =	vimm.s32 $0x37291B0D  }
0x37: {  	s2 =	rddreg [dreg:$0x2];
	s6 =	smul.u32 $0x540000, s10;
	s0 =	ssub.s32 $0x2, s0;
	v8 =	vsel vm15, $0x44C, v8;
	v10 =	vsel vm7, $0x408, v10;
	v13 =	vunpack.c.0.s8.s32 v13  }
0x38: {  	s5 =	smul.u32 $0x30, s3;
	s3 =	simm.s32 $0x0;
	s24 =	sshrl.u32 s0, $0x1;
	v9 =	vsel vm1, $0x43F, v9;
	v11 =	vsel vm8, $0x7B, v11;
	v10 =	vsel vm4, $0x416, v10  }
0x39: {  	s22 =	sand.u32 $0x380, s9;
	[smem:$0x7FF] =	sst s3;
	s0 =	ssub.s32 s0, s24;
	v9 =	vsel vm15, $0x44D, v9;
	v11 =	vsel vm7, $0x409, v11;
	v13 =	vnsel vm6, $0x45F, v13  }
0x3a: {  	s11 =	sor.u32 $0x1C000, s6;
	s5 =	sadd.s32 s7, s5;
	s7 =	sor.u32 s22, s8;
	v10 =	vsel vm3, $0x424, v10;
	v11 =	vsel vm4, $0x417, v11;
	v13 =	vsel vm5, v14, v13  }
0x3b: {  	s24 =	simm.s32 $0x2;
	s23 =	smul.u32 $0xE000, s5;
	s7 =	sshrl.u32 s7, $0x3;
	v10 =	vsel vm2, $0x432, v10;
	v12 =	vsel vm8, $0x7C, v12;
	v13 =	vsel vm8, $0x7D, v13  }
0x3c: {  	_ =	strace $0x80000047;
	s12 =	smax.u32 s0, $0x1;
	s4 =	sadd.s32 s7, s4;
	v11 =	vsel vm3, $0x425, v11;
	v12 =	vsel vm7, $0x40A, v12;
	v13 =	vsel vm7, $0x40B, v13  }
0x3d: {  	s9 =	sadd.s32 s6, s23;
	s26 =	sadd.s32 $0x2000, s4;
	s4 =	sadd.s32 $0x400, s4;
	v10 =	vsel vm1, $0x440, v10;
	v12 =	vsel vm4, $0x418, v12;
	v13 =	vsel vm4, $0x419, v13  }
0x3e: {  	s25 =	sor.u32 $0xE000, s9;
	[dreg:$0x4] =	wrdreg s26;
	s28 =	sshrl.u32 s9, $0x3;
	v11 =	vsel vm2, $0x433, v11;
	v12 =	vsel vm3, $0x426, v12;
	v13 =	vsel vm3, $0x427, v13  }
0x3f: {  	[dreg:$0x5] =	wrdreg s4;
	s7 =	sshrl.u32 s25, $0x3;
	s29 =	sadd.s32 s1, s28;
	v10 =	vsel vm15, $0x44E, v10;
	v12 =	vsel vm2, $0x434, v12;
	v13 =	vsel vm2, $0x435, v13  }
0x40: {  	s22 =	simm.s32 $0x3;
	[dreg:$0x6] =	wrdreg s29;
	s30 =	sadd.s32 s1, s7;
	v11 =	vsel vm1, $0x441, v11;
	v12 =	vsel vm1, $0x442, v12;
	v13 =	vsel vm1, $0x443, v13  }
0x41: {  	s23 =	simm.s32 $0x4;
	s25 =	simm.s32 $0x0;
	[dreg:$0x7] =	wrdreg s30;
	v11 =	vsel vm15, $0x44F, v11;
	v12 =	vsel vm15, $0x450, v12;
	v13 =	vsel vm15, $0x451, v13  }
.LBB2_1:
0x42: {  	s0 =	rddreg [dreg:$0x4]  }
0x43: {  	s4 =	simm.s32 $0x80;
	s7 =	simm.s32 $0x400;
	s8 =	simm.s32 $0x1E000  }
0x44: {  	[tilespmem:s8], [sflag:$0x5] =	stream.strided.gather [hbm4b:s0+s4], $0xE00, s7, s4, $0x38;
	[tilespmem:$0x1FC00] =	vst v63  }
0x45: {  	_ =	swait.ge [sflag:s16], $0xE00  }
0x46: {  	[sflag:s16] =	ssyncset.done $0x0  }
0x47: {  	s28 =	simm.s32 $0x1EE00;
	s26 =	rddreg [dreg:$0x5];
	[sflag:s16] =	ssyncadd.s32 $0xFFFFF200  }
0x48: {  	[tilespmem:s28], [sflag:$0x5] =	stream.strided.gather [hbm4b:s26+s4], $0xE00, s7, s4, $0x38;
	[tilespmem:$0x1FC00] =	vst v63  }
0x49: {  	_ =	swait.ge [sflag:s16], $0xE00  }
0x4a: {  	[sflag:s16] =	ssyncset.done $0x0  }
0x4b: {  	s29 =	rddreg [dreg:$0x6];
	[sflag:s16] =	ssyncadd.s32 $0xFFFFF200  }
0x4c: {  	[tilespmem:s3], [sflag:$0x1] =	stream.linear.gather [hbm4b:s29+s3], $0xE000, $0x38;
	[tilespmem:$0x1FC00] =	vst v63  }
0x4d: {  	s26 =	simm.s32 $0x0;
	s30 =	rddreg [dreg:$0x7]  }
0x4e: {  	[tilespmem:s18], [sflag:$0x2] =	stream.linear.gather [hbm4b:s30+s3], $0xE000, $0x38;
	[tilespmem:$0x1FC00] =	vst v63  }
.LBB2_2:
0x4f: {  	s28 =	sshll.u32 s26, $0x1  }
0x50: {  	_ =	swait.ge [sflag:s19], $0xE000;
	s0 =	sadd.s32 s5, s28  }
0x51: {  	s4 =	simm.s32 $0x1E000;
	s15 =	simm.s32 $0x1E100;
	s29 =	smul.u32 $0xE000, s0  }
0x52: {  	s17 =	simm.s32 $0x1EF00;
	s13 =	simm.s32 $0x0;
	[sflag:s19] =	ssyncset.done $0x0  }
0x53: {  	[sflag:s19] =	ssyncadd.s32 $0xFFFF2000;
	s0 =	simm.s32 $0x1EE00;
	s30 =	sadd.s32 s6, s29  }
.LBB2_3:
0x54: {  	p0 =	seq.s32 s13, $0x0  }
0x55: {  	s7 =	simm.s32 @!p0 $0x3  }
0x56: {  	_ =	swait.ge @!p0 [sflag:s7], $0x1000  }
0x57: {  	[sflag:s7] =	ssyncset.done @!p0 $0x0  }
0x58: {  	[sflag:s7] =	ssyncadd.s32 @!p0 $0xFFFFF000  }
0x59: {  	v14 =	vld [tilespmem:s0+$0x0]  }
0x5a: {  	v15 =	vld [tilespmem:s4+$0x0];
	_ =	sdelay $0x2  }
0x5b: {  	s9 =	simm.s32 $0x1  }
0x5c: {  	v52 =	vmov s9;
	v16 =	vshll.u32 v14, $0x3;
	v17 =	vadd.s32 $0x1, v14  }
0x5d: {  	v18 =	vadd.s32 $0x4, v14;
	v20 =	vand.u32 $0x7F, v14;
	v21 =	vshll.u32 v15, $0x8  }
0x5e: {  	v15 =	vshll.u32 v15, $0x7;
	v32 =	vadd.s32 $0xA, v14;
	v16 =	vand.u32 $0xFFFFFC00, v16  }
0x5f: {  	v19 =	vshll.u32 v17, $0x3;
	v17 =	vand.u32 $0x7F, v17;
	v23 =	vand.u32 $0xFFFFF800, v21  }
0x60: {  	v28 =	vand.u32 $0x380, v15;
	v21 =	vadd.s32 $0x3, v14;
	v22 =	vshll.u32 v18, $0x3  }
0x61: {  	v18 =	vand.u32 $0x7F, v18;
	v33 =	vshll.u32 v32, $0x3;
	v19 =	vand.u32 $0xFFFFFC00, v19  }
0x62: {  	v15 =	vadd.s32 v23, v16;
	v16 =	vadd.s32 v23, v19;
	v19 =	vadd.s32 $0x2, v14  }
0x63: {  	v32 =	vand.u32 $0x7F, v32;
	v15 =	vor.u32 v20, v15;
	v20 =	vshll.u32 v19, $0x3  }
0x64: {  	v15 =	vor.u32 v28, v15;
	v16 =	vor.u32 v17, v16;
	v17 =	vshll.u32 v21, $0x3  }
0x65: {  	v19 =	vand.u32 $0x7F, v19;
	v21 =	vand.u32 $0x7F, v21;
	v20 =	vand.u32 $0xFFFFFC00, v20  }
0x66: {  	v16 =	vor.u32 v28, v16;
	v17 =	vand.u32 $0xFFFFFC00, v17;
	v20 =	vadd.s32 v23, v20  }
0x67: {  	v17 =	vadd.s32 v23, v17;
	v19 =	vor.u32 v19, v20;
	v20 =	vand.u32 $0xFFFFFC00, v22  }
0x68: {  	v22 =	vadd.s32 $0x5, v14;
	v17 =	vor.u32 v21, v17;
	v21 =	vadd.s32 $0x6, v14  }
0x69: {  	v24 =	vor.u32 v28, v19;
	v19 =	vshll.u32 v22, $0x3;
	v17 =	vor.u32 v28, v17  }
0x6a: {  	v25 =	vshll.u32 v21, $0x3;
	v20 =	vadd.s32 v23, v20;
	v22 =	vand.u32 $0x7F, v22  }
0x6b: {  	v19 =	vand.u32 $0xFFFFFC00, v19;
	v18 =	vor.u32 v18, v20;
	v20 =	vand.u32 $0x7F, v21  }
0x6c: {  	v21 =	vand.u32 $0xFFFFFC00, v25;
	v25 =	vmov s31;
	v26 =	vor.u32 v28, v18  }
0x6d: {  	v18 =	vadd.s32 v23, v19;
	v19 =	vshll.u32 v25, $0x8;
	v25 =	vshll.u32 v25, $0x7  }
0x6e: {  	v21 =	vadd.s32 v23, v21;
	v18 =	vor.u32 v22, v18;
	v19 =	vand.u32 $0x800, v19  }
0x6f: {  	v22 =	vand.u32 $0x380, v25;
	v20 =	vor.u32 v20, v21;
	v21 =	vadd.s32 $0x9, v14  }
0x70: {  	v36 =	vor.u32 v28, v18;
	v27 =	vor.u32 v19, v22;
	v19 =	vadd.s32 $0x7, v14  }
0x71: {  	v22 =	vadd.s32 $0x8, v14;
	v20 =	vor.u32 v28, v20;
	v25 =	vor.u32 v0, v27  }
0x72: {  	v34 =	vor.u32 v2, v27;
	v18 =	vor.u32 v6, v27;
	v30 =	vshll.u32 v19, $0x3  }
0x73: {  	v31 =	vshll.u32 v22, $0x3;
	v29 =	vor.u32 v12, v27;
	v22 =	vand.u32 $0x7F, v22  }
0x74: {  	v15 =	vld.idx.msk [tilespmem:v15+s3+$0x0], $0xffff;
	v19 =	vand.u32 $0x7F, v19;
	v37 =	vor.u32 v1, v27;
	v30 =	vand.u32 $0xFFFFFC00, v30  }
0x75: {  	v63 =	vor.u32 v4, v27;
	v31 =	vand.u32 $0xFFFFFC00, v31;
	v30 =	vadd.s32 v23, v30  }
0x76: {  	v46 =	vor.u32 v5, v27;
	v31 =	vadd.s32 v23, v31;
	v19 =	vor.u32 v19, v30  }
0x77: {  	v30 =	vshll.u32 v21, $0x3;
	v21 =	vand.u32 $0x7F, v21;
	v22 =	vor.u32 v22, v31  }
0x78: {  	v19 =	vor.u32 v28, v19;
	v30 =	vand.u32 $0xFFFFFC00, v30;
	v31 =	vor.u32 v28, v22  }
0x79: {  	s8 =	sadd.s32 $0x10, s0;
	v22 =	vadd.s32 $0xB, v14;
	[tilespmem:v25+s20+$0x0] =	vst.idx.msk $0xffff, v15;
	v15 =	vand.u32 $0xFFFFFC00, v33;
	v30 =	vadd.s32 v23, v30  }
0x7a: {  	v57 =	vshll.u32 v22, $0x3;
	v25 =	vld [tilespmem:s8+$0x0];
	v33 =	vadd.s32 $0xC, v14;
	v22 =	vand.u32 $0x7F, v22  }
0x7b: {  	v16 =	vld.idx.msk [tilespmem:v16+s3+$0x0], $0xffff;
	v21 =	vor.u32 v21, v30;
	v35 =	vand.u32 $0xFFFFFC00, v57;
	v15 =	vadd.s32 v23, v15  }
0x7c: {  	v30 =	vor.u32 v28, v21;
	v39 =	vor.u32 v32, v15;
	v15 =	vadd.s32 v23, v35  }
0x7d: {  	v32 =	vshll.u32 v33, $0x3;
	v35 =	vadd.s32 $0xD, v14;
	v33 =	vand.u32 $0x7F, v33  }
0x7e: {  	s14 =	sadd.s32 $0x10, s4;
	v40 =	vor.u32 v22, v15;
	v22 =	vor.u32 v3, v27;
	v39 =	vor.u32 v28, v39  }
0x7f: {  	v21 =	vld [tilespmem:s14+$0x0];
	v14 =	vshll.u32 v25, $0x3;
	v15 =	vadd.s32 $0x1, v25;
	v38 =	vand.u32 $0x7F, v25  }
0x80: {  	v59 =	vadd.s32 $0x2, v25;
	v61 =	vadd.s32 $0x3, v25;
	v48 =	vadd.s32 $0x5, v25;
	[tilespmem:v37+s20+$0x0] =	vst.idx.msk $0xffff, v16  }
0x81: {  	v50 =	vadd.s32 $0x6, v25;
	v53 =	vadd.s32 $0x8, v25;
	v16 =	vadd.s32 $0x4, v25;
	v24 =	vld.idx.msk [tilespmem:v24+s3+$0x0], $0xffff  }
0x82: {  	v58 =	vand.u32 $0xFFFFFC00, v14;
	v14 =	vshll.u32 v15, $0x3;
	v42 =	vand.u32 $0x7F, v15  }
0x83: {  	v60 =	vshll.u32 v59, $0x3;
	v37 =	vand.u32 $0x7F, v59;
	v49 =	vshll.u32 v48, $0x3  }
0x84: {  	v51 =	vand.u32 $0x7F, v48;
	v41 =	vshll.u32 v21, $0x8;
	v21 =	vshll.u32 v21, $0x7  }
0x85: {  	v43 =	vand.u32 $0xFFFFFC00, v14;
	v47 =	vshll.u32 v16, $0x3;
	v15 =	vand.u32 $0xFFFFF800, v41  }
0x86: {  	v16 =	vand.u32 $0x7F, v16;
	v14 =	vand.u32 $0x380, v21;
	v21 =	vadd.s32 v15, v58;
	[tilespmem:v34+s20+$0x0] =	vst.idx.msk $0xffff, v24  }
0x87: {  	v41 =	vadd.s32 v15, v43;
	v43 =	vand.u32 $0x7F, v61;
	v58 =	vor.u32 v7, v27;
	v17 =	vld.idx.msk [tilespmem:v17+s3+$0x0], $0xffff  }
0x88: {  	v21 =	vor.u32 v38, v21;
	v38 =	vand.u32 $0xFFFFFC00, v60;
	v62 =	vor.u32 v42, v41  }
0x89: {  	v21 =	vor.u32 v14, v21;
	v38 =	vadd.s32 v15, v38;
	v24 =	vshll.u32 v61, $0x3  }
0x8a: {  	v42 =	vor.u32 v14, v62;
	v37 =	vor.u32 v37, v38;
	v24 =	vand.u32 $0xFFFFFC00, v24  }
0x8b: {  	v44 =	vor.u32 v14, v37;
	v37 =	vshll.u32 v52, $0x7;
	v24 =	vadd.s32 v15, v24  }
0x8c: {  	v34 =	vand.u32 $0xFFFFFC00, v47;
	v37 =	vand.u32 $0x380, v37;
	v24 =	vor.u32 v43, v24;
	[tilespmem:v22+s20+$0x0] =	vst.idx.msk $0xffff, v17  }
0x8d: {  	v45 =	vor.u32 v14, v24;
	v17 =	vand.u32 $0xFFFFFC00, v49;
	v22 =	vshll.u32 v50, $0x3;
	v24 =	vld.idx.msk [tilespmem:v26+s3+$0x0], $0xffff  }
0x8e: {  	v49 =	vshll.u32 v53, $0x3;
	v26 =	vadd.s32 v15, v34;
	v22 =	vand.u32 $0xFFFFFC00, v22  }
0x8f: {  	v49 =	vand.u32 $0xFFFFFC00, v49;
	v16 =	vor.u32 v16, v26;
	v26 =	vand.u32 $0x7F, v50  }
0x90: {  	v50 =	vand.u32 $0x7F, v53;
	v22 =	vadd.s32 v15, v22;
	v53 =	vor.u32 v11, v27  }
0x91: {  	v43 =	vor.u32 v14, v16;
	v16 =	vadd.s32 v15, v17;
	v17 =	vshll.u32 v52, $0x8  }
0x92: {  	v22 =	vor.u32 v26, v22;
	v16 =	vor.u32 v51, v16;
	v17 =	vand.u32 $0x800, v17;
	[tilespmem:v63+s20+$0x0] =	vst.idx.msk $0xffff, v24  }
0x93: {  	v26 =	vadd.s32 $0x9, v25;
	v34 =	vor.u32 v14, v16;
	v16 =	vor.u32 v17, v37;
	v48 =	vld.idx.msk [tilespmem:v36+s3+$0x0], $0xffff  }
0x94: {  	v51 =	vadd.s32 $0xB, v25;
	v24 =	vadd.s32 $0x7, v25;
	v54 =	vor.u32 v0, v16  }
0x95: {  	v21 =	vld.idx.msk [tilespmem:v21+s3+$0x0], $0xffff;
	v47 =	vor.u32 v2, v16;
	v37 =	vor.u32 v6, v16;
	v55 =	vshll.u32 v24, $0x3  }
0x96: {  	s10 =	sadd.s32 $0x10, s14;
	v17 =	vor.u32 v12, v16;
	v56 =	vor.u32 v1, v16;
	v36 =	vand.u32 $0xFFFFFC00, v55  }
0x97: {  	v63 =	vld [tilespmem:s10+$0x0];
	v52 =	vor.u32 v3, v16;
	v24 =	vand.u32 $0x7F, v24;
	v36 =	vadd.s32 v15, v36  }
0x98: {  	v60 =	vand.u32 $0x7F, v51;
	v24 =	vor.u32 v24, v36;
	v36 =	vor.u32 v14, v22;
	[tilespmem:v46+s20+$0x0] =	vst.idx.msk $0xffff, v48  }
0x99: {  	v22 =	vshll.u32 v26, $0x3;
	v26 =	vand.u32 $0x7F, v26;
	v38 =	vor.u32 v14, v24;
	v46 =	vld.idx.msk [tilespmem:v20+s3+$0x0], $0xffff  }
0x9a: {  	v22 =	vand.u32 $0xFFFFFC00, v22;
	v24 =	vadd.s32 v15, v49;
	[tilespmem:v54+s20+$0x0] =	vst.idx.msk $0xffff, v21;
	v54 =	vor.u32 v9, v27  }
0x9b: {  	v24 =	vor.u32 v50, v24;
	v22 =	vadd.s32 v15, v22;
	v20 =	vadd.s32 $0xA, v25  }
0x9c: {  	s9 =	sadd.s32 $0x10, s8;
	v41 =	vld.idx.msk [tilespmem:v42+s3+$0x0], $0xffff;
	v42 =	vor.u32 v10, v27;
	v48 =	vshll.u32 v63, $0x7;
	v57 =	vshll.u32 v20, $0x3  }
0x9d: {  	v21 =	vand.u32 $0x7F, v20;
	v20 =	vshll.u32 v51, $0x3;
	v51 =	vor.u32 v28, v40;
	v40 =	vld [tilespmem:s9+$0x0]  }
0x9e: {  	v24 =	vor.u32 v14, v24;
	v22 =	vor.u32 v26, v22;
	v49 =	vand.u32 $0xFFFFFC00, v57;
	[tilespmem:v18+s20+$0x0] =	vst.idx.msk $0xffff, v46  }
0x9f: {  	v59 =	vand.u32 $0xFFFFFC00, v20;
	v20 =	vadd.s32 $0xC, v25;
	v26 =	vadd.s32 v15, v49;
	v61 =	vld.idx.msk [tilespmem:v19+s3+$0x0], $0xffff  }
0xa0: {  	v22 =	vor.u32 v14, v22;
	v21 =	vor.u32 v21, v26;
	v26 =	vshll.u32 v20, $0x3  }
0xa1: {  	v18 =	vadd.s32 $0xD, v25;
	v46 =	vor.u32 v8, v27;
	v19 =	vadd.s32 v15, v59  }
0xa2: {  	[tilespmem:v56+s20+$0x0] =	vst.idx.msk $0xffff, v41;
	v56 =	vshll.u32 v40, $0x3;
	v57 =	vadd.s32 $0x1, v40;
	v49 =	vadd.s32 $0x4, v40  }
0xa3: {  	v44 =	vld.idx.msk [tilespmem:v44+s3+$0x0], $0xffff;
	v25 =	vor.u32 v60, v19;
	v19 =	vshll.u32 v35, $0x3;
	v35 =	vand.u32 $0x7F, v35  }
0xa4: {  	v62 =	vand.u32 $0xFFFFFC00, v19;
	v19 =	vor.u32 v13, v27;
	v27 =	vand.u32 $0xFFFFFC00, v32;
	[tilespmem:v58+s20+$0x0] =	vst.idx.msk $0xffff, v61  }
0xa5: {  	v41 =	vadd.s32 v23, v62;
	v23 =	vadd.s32 v23, v27;
	v27 =	vshll.u32 v57, $0x3;
	v31 =	vld.idx.msk [tilespmem:v31+s3+$0x0], $0xffff  }
0xa6: {  	v32 =	vor.u32 v35, v41;
	v35 =	vand.u32 $0xFFFFFC00, v56;
	v33 =	vor.u32 v33, v23  }
0xa7: {  	v23 =	vshll.u32 v63, $0x8;
	v41 =	vand.u32 $0x7F, v57;
	v59 =	vand.u32 $0xFFFFFC00, v27  }
0xa8: {  	[tilespmem:v47+s20+$0x0] =	vst.idx.msk $0xffff, v44;
	v63 =	vadd.s32 $0x3, v40;
	v57 =	vor.u32 v4, v16;
	v58 =	vand.u32 $0x7F, v40  }
0xa9: {  	v27 =	vand.u32 $0xFFFFF800, v23;
	v23 =	vand.u32 $0x380, v48;
	v45 =	vld.idx.msk [tilespmem:v45+s3+$0x0], $0xffff;
	v61 =	vadd.s32 $0x2, v40  }
0xaa: {  	v47 =	vor.u32 v28, v33;
	v60 =	vadd.s32 v27, v35;
	v62 =	vshll.u32 v61, $0x3;
	[tilespmem:v46+s20+$0x0] =	vst.idx.msk $0xffff, v31  }
0xab: {  	v35 =	vand.u32 $0x7F, v61;
	v33 =	vor.u32 v58, v60;
	v55 =	vand.u32 $0xFFFFFC00, v62;
	v30 =	vld.idx.msk [tilespmem:v30+s3+$0x0], $0xffff  }
0xac: {  	v58 =	vshll.u32 v49, $0x3;
	v48 =	vor.u32 v23, v33;
	v33 =	vadd.s32 v27, v55  }
0xad: {  	v56 =	vshll.u32 v63, $0x3;
	v44 =	vand.u32 $0xFFFFFC00, v58;
	v33 =	vor.u32 v35, v33  }
0xae: {  	v61 =	vand.u32 $0x7F, v49;
	[tilespmem:v52+s20+$0x0] =	vst.idx.msk $0xffff, v45;
	v52 =	vor.u32 v28, v32;
	v28 =	vadd.s32 v27, v44  }
0xaf: {  	v31 =	vadd.s32 v27, v59;
	v59 =	vand.u32 $0x7F, v63;
	v43 =	vld.idx.msk [tilespmem:v43+s3+$0x0], $0xffff;
	v46 =	vor.u32 v23, v33  }
0xb0: {  	v63 =	vadd.s32 $0x6, v40;
	v28 =	vor.u32 v61, v28;
	v31 =	vor.u32 v41, v31;
	[tilespmem:v54+s20+$0x0] =	vst.idx.msk $0xffff, v30  }
0xb1: {  	v50 =	vor.u32 v23, v31;
	v31 =	vand.u32 $0xFFFFFC00, v56;
	v56 =	vshll.u32 v63, $0x3;
	v60 =	vld.idx.msk [tilespmem:v39+s3+$0x0], $0xffff  }
0xb2: {  	s14 =	simm.s32 $0x2;
	v41 =	vadd.s32 $0xC, v40;
	v31 =	vadd.s32 v27, v31;
	v45 =	vand.u32 $0xFFFFFC00, v56  }
0xb3: {  	v31 =	vor.u32 v59, v31;
	v59 =	vmov s14;
	v30 =	vadd.s32 $0x5, v40  }
0xb4: {  	v35 =	vor.u32 v23, v31;
	[tilespmem:v57+s20+$0x0] =	vst.idx.msk $0xffff, v43;
	v57 =	vor.u32 v5, v16;
	v62 =	vshll.u32 v30, $0x3  }
0xb5: {  	v43 =	vand.u32 $0x7F, v63;
	v32 =	vshll.u32 v59, $0x7;
	v58 =	vld.idx.msk [tilespmem:v34+s3+$0x0], $0xffff;
	v31 =	vand.u32 $0xFFFFFC00, v62  }
0xb6: {  	v34 =	vor.u32 v23, v28;
	v30 =	vand.u32 $0x7F, v30;
	v28 =	vadd.s32 v27, v31;
	[tilespmem:v42+s20+$0x0] =	vst.idx.msk $0xffff, v60  }
0xb7: {  	v31 =	vshll.u32 v59, $0x8;
	v59 =	vadd.s32 v27, v45;
	v28 =	vor.u32 v30, v28;
	v42 =	vld.idx.msk [tilespmem:v51+s3+$0x0], $0xffff  }
0xb8: {  	v30 =	vand.u32 $0x800, v31;
	v31 =	vand.u32 $0x380, v32;
	v43 =	vor.u32 v43, v59  }
0xb9: {  	v48 =	vld.idx.msk [tilespmem:v48+s3+$0x0], $0xffff;
	v32 =	vor.u32 v23, v28;
	v33 =	vor.u32 v30, v31;
	v31 =	vadd.s32 $0x7, v40  }
0xba: {  	[tilespmem:v57+s20+$0x0] =	vst.idx.msk $0xffff, v58;
	v60 =	vadd.s32 $0x8, v40;
	v61 =	vor.u32 v0, v33;
	v39 =	vor.u32 v2, v33  }
0xbb: {  	v30 =	vor.u32 v6, v33;
	v62 =	vshll.u32 v31, $0x3;
	v57 =	vld.idx.msk [tilespmem:v36+s3+$0x0], $0xffff;
	v28 =	vor.u32 v12, v33  }
0xbc: {  	v31 =	vand.u32 $0x7F, v31;
	v63 =	vshll.u32 v60, $0x3;
	v55 =	vand.u32 $0xFFFFFC00, v62;
	[tilespmem:v53+s20+$0x0] =	vst.idx.msk $0xffff, v42  }
0xbd: {  	v56 =	vand.u32 $0x7F, v60;
	v60 =	vadd.s32 $0x9, v40;
	v36 =	vadd.s32 v27, v55;
	v45 =	vld.idx.msk [tilespmem:v47+s3+$0x0], $0xffff  }
0xbe: {  	v58 =	vand.u32 $0xFFFFFC00, v63;
	v44 =	vand.u32 $0x7F, v60;
	v31 =	vor.u32 v31, v36  }
0xbf: {  	v63 =	vadd.s32 $0xA, v40;
	v36 =	vor.u32 v23, v43;
	v31 =	vor.u32 v23, v31;
	[tilespmem:v61+s20+$0x0] =	vst.idx.msk $0xffff, v48  }
0xc0: {  	v59 =	vshll.u32 v63, $0x3;
	v61 =	vshll.u32 v60, $0x3;
	[tilespmem:v37+s20+$0x0] =	vst.idx.msk $0xffff, v57;
	v47 =	vld.idx.msk [tilespmem:v50+s3+$0x0], $0xffff;
	v50 =	vor.u32 v1, v33  }
0xc1: {  	v57 =	vadd.s32 v27, v58;
	v60 =	vor.u32 v7, v16;
	v62 =	vand.u32 $0xFFFFFC00, v61;
	v58 =	vld.idx.msk [tilespmem:v38+s3+$0x0], $0xffff  }
0xc2: {  	v37 =	vor.u32 v56, v57;
	v38 =	vand.u32 $0xFFFFFC00, v59;
	v61 =	vadd.s32 $0xB, v40;
	[tilespmem:v29+s20+$0x0] =	vst.idx.msk $0xffff, v45  }
0xc3: {  	v40 =	vadd.s32 $0xD, v40;
	v43 =	vor.u32 v23, v37;
	v29 =	vadd.s32 v27, v62;
	v37 =	vld.idx.msk [tilespmem:v52+s3+$0x0], $0xffff  }
0xc4: {  	v62 =	vand.u32 $0x7F, v63;
	v63 =	vshll.u32 v61, $0x3;
	v29 =	vor.u32 v44, v29  }
0xc5: {  	s7 =	simm.s32 $0x3;
	[tilespmem:v50+s20+$0x0] =	vst.idx.msk $0xffff, v47;
	v45 =	vand.u32 $0xFFFFFC00, v63;
	v42 =	vor.u32 v23, v29;
	v29 =	vadd.s32 v27, v38  }
0xc6: {  	s8 =	sadd.s32 $0x10, s10;
	s9 =	sadd.s32 $0x10, s9;
	s14 =	sshll.u32 s13, $0x1;
	[tilespmem:v60+s20+$0x0] =	vst.idx.msk $0xffff, v58;
	v44 =	vand.u32 $0x7F, v61;
	v47 =	vld.idx.msk [tilespmem:v46+s3+$0x0], $0xffff;
	v38 =	vshll.u32 v41, $0x3;
	v46 =	vor.u32 v62, v29  }
.LBB2_4:
0xc7: {  	p1 =	sne.s32 s7, $0xF;
	v45 =	vadd.s32 v27, v45;
	v48 =	vld.idx.msk [tilespmem:v24+s3+$0x0], $0xffff;
	v49 =	vor.u32 v10, v16;
	v50 =	vor.u32 v14, v25;
	s10 =	smov.u32 s7;
	s7 =	sadd.s32 $0x1, s7  }
0xc8: {  	v24 =	vmov v43;
	v29 =	vld [tilespmem:s9+$0x0];
	v25 =	vor.u32 v44, v45;
	v44 =	vor.u32 v8, v16;
	[tilespmem:v19+s20+$0x0] =	vst.idx.msk $0xffff, v37  }
0xc9: {  	v43 =	vor.u32 v14, v21;
	v21 =	vmovc v46;
	v45 =	vand.u32 $0x7F, v18;
	v19 =	vshll.u32 v18, $0x3;
	v18 =	vmovc v40;
	v37 =	vld [tilespmem:s8+$0x0]  }
0xca: {  	v40 =	vand.u32 $0x7F, v20;
	v20 =	vmovc v41;
	v46 =	vand.u32 $0xFFFFFC00, v19;
	v19 =	vor.u32 v13, v16  }
0xcb: {  	v51 =	vor.u32 v11, v16;
	v41 =	vor.u32 v3, v33;
	v46 =	vadd.s32 v15, v46  }
0xcc: {  	v26 =	vand.u32 $0xFFFFFC00, v26;
	v45 =	vor.u32 v45, v46;
	[tilespmem:v39+s20+$0x0] =	vst.idx.msk $0xffff, v47;
	v39 =	vor.u32 v9, v16  }
0xcd: {  	v16 =	vmovc v33;
	v46 =	vshll.u32 v29, $0x3;
	v47 =	vadd.s32 $0x1, v29;
	v52 =	vadd.s32 $0x4, v29;
	v35 =	vld.idx.msk [tilespmem:v35+s3+$0x0], $0xffff;
	[tilespmem:v44+s20+$0x0] =	vst.idx.msk $0xffff, v48  }
0xce: {  	v48 =	vadd.s32 v15, v26;
	v15 =	vmovc v27;
	v33 =	vand.u32 $0xFFFFFC00, v46;
	v44 =	vshll.u32 v47, $0x3;
	v46 =	vld.idx.msk [tilespmem:v22+s3+$0x0], $0xffff;
	v22 =	vmovc v42  }
0xcf: {  	v26 =	vmovc v38;
	v42 =	vand.u32 $0x7F, v29;
	v27 =	vshll.u32 v37, $0x8;
	v40 =	vor.u32 v40, v48  }
0xd0: {  	v37 =	vshll.u32 v37, $0x7;
	v38 =	vand.u32 $0x7F, v47;
	v44 =	vand.u32 $0xFFFFFC00, v44  }
0xd1: {  	v27 =	vand.u32 $0xFFFFF800, v27;
	v37 =	vand.u32 $0x380, v37;
	v40 =	vor.u32 v14, v40  }
0xd2: {  	v47 =	vadd.s32 $0x2, v29;
	v33 =	vadd.s32 v27, v33;
	v44 =	vadd.s32 v27, v44  }
0xd3: {  	v48 =	vadd.s32 $0x3, v29;
	v33 =	vor.u32 v42, v33;
	v42 =	vshll.u32 v47, $0x3;
	[tilespmem:v41+s20+$0x0] =	vst.idx.msk $0xffff, v35  }
0xd4: {  	v33 =	vor.u32 v37, v33;
	v35 =	vand.u32 $0xFFFFFC00, v42;
	v41 =	vshll.u32 v48, $0x3;
	v34 =	vld.idx.msk [tilespmem:v34+s3+$0x0], $0xffff;
	[tilespmem:v39+s20+$0x0] =	vst.idx.msk $0xffff, v46  }
0xd5: {  	v38 =	vor.u32 v38, v44;
	v42 =	vor.u32 v4, v16;
	v39 =	vand.u32 $0x7F, v47;
	v43 =	vld.idx.msk [tilespmem:v43+s3+$0x0], $0xffff  }
0xd6: {  	v44 =	vshll.u32 v52, $0x3;
	v38 =	vor.u32 v37, v38;
	v41 =	vand.u32 $0xFFFFFC00, v41  }
0xd7: {  	v35 =	vadd.s32 v27, v35;
	v46 =	vand.u32 $0x7F, v48;
	v41 =	vadd.s32 v27, v41  }
0xd8: {  	v35 =	vor.u32 v39, v35;
	v39 =	vand.u32 $0xFFFFFC00, v44;
	v44 =	vadd.s32 $0x5, v29  }
0xd9: {  	v47 =	vor.u32 v37, v35;
	v35 =	vor.u32 v46, v41;
	v41 =	vand.u32 $0x7F, v52  }
0xda: {  	v48 =	vadd.s32 $0x6, v29;
	v46 =	vshll.u32 v44, $0x3;
	v35 =	vor.u32 v37, v35;
	[tilespmem:v42+s20+$0x0] =	vst.idx.msk $0xffff, v34  }
0xdb: {  	v45 =	vor.u32 v14, v45;
	v42 =	vand.u32 $0xFFFFFC00, v46;
	v34 =	vshll.u32 v48, $0x3;
	v46 =	vld.idx.msk [tilespmem:v32+s3+$0x0], $0xffff;
	[tilespmem:v49+s20+$0x0] =	vst.idx.msk $0xffff, v43  }
0xdc: {  	v14 =	vmovc v23;
	v32 =	vadd.s32 v27, v39;
	v39 =	vand.u32 $0x7F, v44;
	v43 =	vor.u32 v5, v16;
	v44 =	vld.idx.msk [tilespmem:v50+s3+$0x0], $0xffff  }
0xdd: {  	v23 =	vmovc v37;
	v32 =	vor.u32 v41, v32;
	v41 =	vand.u32 $0x7F, v48;
	v48 =	vand.u32 $0xFFFFFC00, v34  }
0xde: {  	v37 =	vmov s10;
	v34 =	vor.u32 v23, v32;
	v32 =	vadd.s32 v27, v42  }
0xdf: {  	v42 =	vshll.u32 v37, $0x8;
	v37 =	vshll.u32 v37, $0x7;
	v32 =	vor.u32 v39, v32  }
0xe0: {  	v39 =	vand.u32 $0x800, v42;
	v37 =	vand.u32 $0x380, v37;
	v32 =	vor.u32 v23, v32  }
0xe1: {  	v49 =	vadd.s32 $0x8, v29;
	v42 =	vld.idx.msk [tilespmem:v33+s3+$0x0], $0xffff;
	v33 =	vor.u32 v39, v37;
	v37 =	vadd.s32 $0x7, v29;
	[tilespmem:v43+s20+$0x0] =	vst.idx.msk $0xffff, v46  }
0xe2: {  	v43 =	vor.u32 v0, v33;
	v39 =	vor.u32 v2, v33;
	v46 =	vor.u32 v6, v33;
	v50 =	vld.idx.msk [tilespmem:v36+s3+$0x0], $0xffff  }
0xe3: {  	v52 =	vshll.u32 v49, $0x3;
	v36 =	vshll.u32 v37, $0x3;
	v53 =	vor.u32 v12, v33;
	[tilespmem:v51+s20+$0x0] =	vst.idx.msk $0xffff, v44  }
0xe4: {  	v36 =	vand.u32 $0xFFFFFC00, v36;
	v44 =	vand.u32 $0x7F, v49;
	v49 =	vand.u32 $0xFFFFFC00, v52;
	v40 =	vld.idx.msk [tilespmem:v40+s3+$0x0], $0xffff  }
0xe5: {  	v48 =	vadd.s32 v27, v48;
	v37 =	vand.u32 $0x7F, v37;
	v36 =	vadd.s32 v27, v36  }
0xe6: {  	v41 =	vor.u32 v41, v48;
	v48 =	vadd.s32 $0x9, v29;
	v37 =	vor.u32 v37, v36  }
0xe7: {  	v36 =	vor.u32 v23, v41;
	v41 =	vshll.u32 v48, $0x3;
	v37 =	vor.u32 v23, v37;
	[tilespmem:v43+s20+$0x0] =	vst.idx.msk $0xffff, v42  }
0xe8: {  	v41 =	vand.u32 $0xFFFFFC00, v41;
	v42 =	vand.u32 $0x7F, v48;
	v48 =	vadd.s32 $0xA, v29;
	v38 =	vld.idx.msk [tilespmem:v38+s3+$0x0], $0xffff;
	[tilespmem:v30+s20+$0x0] =	vst.idx.msk $0xffff, v50;
	v30 =	vmovc v46  }
0xe9: {  	v43 =	vadd.s32 v27, v49;
	v46 =	vor.u32 v1, v33;
	v49 =	vld.idx.msk [tilespmem:v31+s3+$0x0], $0xffff;
	v31 =	vmov v37  }
0xea: {  	v50 =	vor.u32 v7, v16;
	v37 =	vor.u32 v44, v43;
	v44 =	vshll.u32 v48, $0x3;
	[tilespmem:v17+s20+$0x0] =	vst.idx.msk $0xffff, v40  }
.Ltmp0:
0xeb: {  	v43 =	vor.u32 v23, v37;
	v40 =	vand.u32 $0xFFFFFC00, v44;
	v44 =	vadd.s32 $0xB, v29;
	v17 =	vmovc v28;
	v28 =	vmovc v53;
	v37 =	vld.idx.msk [tilespmem:v45+s3+$0x0], $0xffff;
	(pc) =	sbr.rel @p1 .LBB2_4-.Ltmp0, $4  }
0xec: {  	v41 =	vadd.s32 v27, v41;
	v48 =	vand.u32 $0x7F, v48;
	v45 =	vshll.u32 v44, $0x3  }
0xed: {  	v42 =	vor.u32 v42, v41;
	v41 =	vadd.s32 $0xC, v29;
	v45 =	vand.u32 $0xFFFFFC00, v45  }
0xee: {  	v42 =	vor.u32 v23, v42;
	v44 =	vand.u32 $0x7F, v44;
	[tilespmem:v46+s20+$0x0] =	vst.idx.msk $0xffff, v38;
	v38 =	vadd.s32 v27, v40  }
0xef: {  	s9 =	sadd.s32 $0x10, s9;
	s8 =	sadd.s32 $0x10, s8;
	v40 =	vadd.s32 $0xD, v29;
	v47 =	vld.idx.msk [tilespmem:v47+s3+$0x0], $0xffff;
	v46 =	vor.u32 v48, v38;
	v38 =	vshll.u32 v41, $0x3;
	[tilespmem:v50+s20+$0x0] =	vst.idx.msk $0xffff, v49  }
0xf0: {  	_ =	sdelay $0x3  }
0xf1: {  	[tilespmem:v39+s20+$0x0] =	vst.idx.msk $0xffff, v47  }
0xf2: {  	v29 =	vor.u32 v3, v33;
	v35 =	vld.idx.msk [tilespmem:v35+s3+$0x0], $0xffff;
	_ =	sdelay $0x4  }
0xf3: {  	[tilespmem:v29+s20+$0x0] =	vst.idx.msk $0xffff, v35  }
0xf4: {  	v61 =	vor.u32 v4, v33;
	v29 =	vld.idx.msk [tilespmem:v34+s3+$0x0], $0xffff;
	_ =	sdelay $0x4  }
0xf5: {  	[tilespmem:v61+s20+$0x0] =	vst.idx.msk $0xffff, v29  }
0xf6: {  	v62 =	vor.u32 v5, v33;
	v29 =	vld.idx.msk [tilespmem:v32+s3+$0x0], $0xffff;
	_ =	sdelay $0x4  }
0xf7: {  	[tilespmem:v62+s20+$0x0] =	vst.idx.msk $0xffff, v29  }
0xf8: {  	v29 =	vld.idx.msk [tilespmem:v36+s3+$0x0], $0xffff;
	_ =	sdelay $0x4  }
0xf9: {  	[tilespmem:v30+s20+$0x0] =	vst.idx.msk $0xffff, v29  }
0xfa: {  	v30 =	vor.u32 v7, v33;
	v29 =	vld.idx.msk [tilespmem:v31+s3+$0x0], $0xffff;
	_ =	sdelay $0x4  }
0xfb: {  	v24 =	vld.idx.msk [tilespmem:v24+s3+$0x0], $0xffff;
	v31 =	vor.u32 v8, v16;
	[tilespmem:v30+s20+$0x0] =	vst.idx.msk $0xffff, v29  }
0xfc: {  	v30 =	vor.u32 v8, v33;
	v29 =	vld.idx.msk [tilespmem:v43+s3+$0x0], $0xffff;
	_ =	sdelay $0x3  }
0xfd: {  	[tilespmem:v31+s20+$0x0] =	vst.idx.msk $0xffff, v24  }
0xfe: {  	v24 =	vor.u32 v9, v16;
	v22 =	vld.idx.msk [tilespmem:v22+s3+$0x0], $0xffff;
	[tilespmem:v30+s20+$0x0] =	vst.idx.msk $0xffff, v29  }
0xff: {  	v21 =	vor.u32 v14, v21;
	v29 =	vor.u32 v9, v33;
	v30 =	vld.idx.msk [tilespmem:v42+s3+$0x0], $0xffff  }
0x100: {  	v31 =	vor.u32 v23, v46;
	_ =	sdelay $0x2  }
0x101: {  	[tilespmem:v24+s20+$0x0] =	vst.idx.msk $0xffff, v22  }
0x102: {  	v22 =	vadd.s32 v27, v45;
	v24 =	vor.u32 v10, v16;
	v21 =	vld.idx.msk [tilespmem:v21+s3+$0x0], $0xffff;
	[tilespmem:v29+s20+$0x0] =	vst.idx.msk $0xffff, v30  }
0x103: {  	v25 =	vor.u32 v14, v25;
	v22 =	vor.u32 v44, v22;
	v29 =	vor.u32 v10, v33;
	v30 =	vld.idx.msk [tilespmem:v31+s3+$0x0], $0xffff  }
0x104: {  	v22 =	vor.u32 v23, v22  }
0x105: {  	v26 =	vand.u32 $0xFFFFFC00, v26  }
0x106: {  	v20 =	vand.u32 $0x7F, v20;
	v26 =	vadd.s32 v15, v26  }
0x107: {  	v20 =	vor.u32 v20, v26;
	[tilespmem:v24+s20+$0x0] =	vst.idx.msk $0xffff, v21;
	v21 =	vand.u32 $0xFFFFFC00, v38;
	v31 =	vor.u32 v11, v16  }
0x108: {  	v24 =	vld.idx.msk [tilespmem:v25+s3+$0x0], $0xffff;
	v25 =	vand.u32 $0x7F, v41;
	v21 =	vadd.s32 v27, v21;
	[tilespmem:v29+s20+$0x0] =	vst.idx.msk $0xffff, v30  }
0x109: {  	v26 =	vor.u32 v11, v33;
	v20 =	vor.u32 v14, v20;
	v21 =	vor.u32 v25, v21;
	v22 =	vld.idx.msk [tilespmem:v22+s3+$0x0], $0xffff  }
0x10a: {  	v25 =	vshll.u32 v18, $0x3;
	v21 =	vor.u32 v23, v21  }
0x10b: {  	v25 =	vand.u32 $0xFFFFFC00, v25  }
0x10c: {  	v18 =	vand.u32 $0x7F, v18;
	v15 =	vadd.s32 v15, v25;
	v25 =	vshll.u32 v40, $0x3  }
0x10d: {  	v15 =	vor.u32 v18, v15;
	v18 =	vand.u32 $0xFFFFFC00, v25;
	[tilespmem:v31+s20+$0x0] =	vst.idx.msk $0xffff, v24  }
0x10e: {  	v24 =	vand.u32 $0x7F, v40;
	v18 =	vadd.s32 v27, v18;
	v20 =	vld.idx.msk [tilespmem:v20+s3+$0x0], $0xffff;
	[tilespmem:v26+s20+$0x0] =	vst.idx.msk $0xffff, v22  }
0x10f: {  	v14 =	vor.u32 v14, v15;
	v15 =	vor.u32 v24, v18;
	v18 =	vld.idx.msk [tilespmem:v21+s3+$0x0], $0xffff  }
0x110: {  	v15 =	vor.u32 v23, v15;
	_ =	sdelay $0x2  }
0x111: {  	[tilespmem:v17+s20+$0x0] =	vst.idx.msk $0xffff, v20  }
0x112: {  	v16 =	vor.u32 v13, v16;
	v14 =	vld.idx.msk [tilespmem:v14+s3+$0x0], $0xffff;
	[tilespmem:v28+s20+$0x0] =	vst.idx.msk $0xffff, v18  }
0x113: {  	v17 =	vor.u32 v13, v33;
	v15 =	vld.idx.msk [tilespmem:v15+s3+$0x0], $0xffff;
	_ =	sdelay $0x1  }
0x114: {  	s7 =	sshll.u32 s13, $0xD  }
0x115: {  	[tilespmem:v19+s20+$0x0] =	vst.idx.msk $0xffff, v37;
	s7 =	sadd.s32 s30, s7  }
0x116: {  	s7 =	sshrl.u32 s7, $0x3;
	[tilespmem:v16+s20+$0x0] =	vst.idx.msk $0xffff, v14  }
0x117: {  	s7 =	sadd.s32 s2, s7;
	[tilespmem:v17+s20+$0x0] =	vst.idx.msk $0xffff, v15  }
0x118: {  	[hbm4b:s7+s3] =	stream.linear.scatter [tilespmem:s20], [sflag:$0x3], $0x1000, $0x38;
	[tilespmem:$0x1FC00] =	vst v63  }
0x119: {  	s7 =	simm.s32 @!p0 $0x4  }
0x11a: {  	_ =	swait.ge @!p0 [sflag:s7], $0x1000  }
0x11b: {  	[sflag:s7] =	ssyncset.done @!p0 $0x0  }
0x11c: {  	[sflag:s7] =	ssyncadd.s32 @!p0 $0xFFFFF000  }
0x11d: {  	v14 =	vld [tilespmem:s17+$0x0]  }
0x11e: {  	v15 =	vld [tilespmem:s15+$0x0];
	_ =	sdelay $0x3  }
0x11f: {  	v16 =	vshll.u32 v14, $0x3;
	v17 =	vadd.s32 $0x1, v14;
	v18 =	vadd.s32 $0x4, v14  }
0x120: {  	v20 =	vand.u32 $0x7F, v14;
	v21 =	vshll.u32 v15, $0x8;
	v15 =	vshll.u32 v15, $0x7  }
0x121: {  	v43 =	vadd.s32 $0xA, v14;
	v33 =	vadd.s32 $0xC, v14;
	v35 =	vadd.s32 $0xD, v14  }
0x122: {  	v16 =	vand.u32 $0xFFFFFC00, v16;
	v19 =	vshll.u32 v17, $0x3;
	v17 =	vand.u32 $0x7F, v17  }
0x123: {  	v23 =	vand.u32 $0xFFFFF800, v21;
	v28 =	vand.u32 $0x380, v15;
	v21 =	vadd.s32 $0x3, v14  }
0x124: {  	v22 =	vshll.u32 v18, $0x3;
	v18 =	vand.u32 $0x7F, v18;
	v45 =	vshll.u32 v43, $0x3  }
0x125: {  	v32 =	vand.u32 $0x7F, v43;
	v19 =	vand.u32 $0xFFFFFC00, v19;
	v15 =	vadd.s32 v23, v16  }
0x126: {  	v16 =	vadd.s32 v23, v19;
	v19 =	vadd.s32 $0x2, v14;
	v15 =	vor.u32 v20, v15  }
0x127: {  	v20 =	vshll.u32 v19, $0x3;
	v15 =	vor.u32 v28, v15;
	v16 =	vor.u32 v17, v16  }
0x128: {  	v17 =	vshll.u32 v21, $0x3;
	v19 =	vand.u32 $0x7F, v19;
	v20 =	vand.u32 $0xFFFFFC00, v20  }
0x129: {  	v21 =	vand.u32 $0x7F, v21;
	v17 =	vand.u32 $0xFFFFFC00, v17;
	v20 =	vadd.s32 v23, v20  }
0x12a: {  	v16 =	vor.u32 v28, v16;
	v17 =	vadd.s32 v23, v17;
	v19 =	vor.u32 v19, v20  }
0x12b: {  	v20 =	vand.u32 $0xFFFFFC00, v22;
	v22 =	vadd.s32 $0x5, v14;
	v17 =	vor.u32 v21, v17  }
0x12c: {  	v21 =	vadd.s32 $0x6, v14;
	v24 =	vor.u32 v28, v19;
	v19 =	vshll.u32 v22, $0x3  }
0x12d: {  	v17 =	vor.u32 v28, v17;
	v25 =	vshll.u32 v21, $0x3;
	v20 =	vadd.s32 v23, v20  }
0x12e: {  	s9 =	simm.s32 $0x0;
	v22 =	vand.u32 $0x7F, v22;
	v19 =	vand.u32 $0xFFFFFC00, v19;
	v18 =	vor.u32 v18, v20  }
0x12f: {  	v20 =	vand.u32 $0x7F, v21;
	v21 =	vand.u32 $0xFFFFFC00, v25;
	v25 =	vmov s9  }
0x130: {  	v26 =	vor.u32 v28, v18;
	v18 =	vadd.s32 v23, v19;
	v19 =	vshll.u32 v25, $0x8  }
0x131: {  	v25 =	vshll.u32 v25, $0x7;
	v21 =	vadd.s32 v23, v21;
	v18 =	vor.u32 v22, v18  }
0x132: {  	v19 =	vand.u32 $0x800, v19;
	v22 =	vand.u32 $0x380, v25;
	v20 =	vor.u32 v20, v21  }
0x133: {  	v21 =	vadd.s32 $0x9, v14;
	v36 =	vor.u32 v28, v18;
	v27 =	vor.u32 v19, v22  }
0x134: {  	v19 =	vadd.s32 $0x7, v14;
	v22 =	vadd.s32 $0x8, v14;
	v20 =	vor.u32 v28, v20  }
0x135: {  	v25 =	vor.u32 v0, v27;
	v63 =	vor.u32 v2, v27;
	v18 =	vor.u32 v6, v27  }
0x136: {  	v30 =	vshll.u32 v19, $0x3;
	v31 =	vshll.u32 v22, $0x3;
	v29 =	vor.u32 v12, v27  }
0x137: {  	v15 =	vld.idx.msk [tilespmem:v15+s3+$0x0], $0xffff;
	v22 =	vand.u32 $0x7F, v22;
	v19 =	vand.u32 $0x7F, v19;
	v30 =	vand.u32 $0xFFFFFC00, v30  }
0x138: {  	v44 =	vor.u32 v1, v27;
	v31 =	vand.u32 $0xFFFFFC00, v31;
	v30 =	vadd.s32 v23, v30  }
0x139: {  	v57 =	vor.u32 v4, v27;
	v31 =	vadd.s32 v23, v31;
	v19 =	vor.u32 v19, v30  }
0x13a: {  	v30 =	vshll.u32 v21, $0x3;
	v21 =	vand.u32 $0x7F, v21;
	v22 =	vor.u32 v22, v31  }
0x13b: {  	s8 =	sadd.s32 $0x10, s17;
	v19 =	vor.u32 v28, v19;
	v30 =	vand.u32 $0xFFFFFC00, v30;
	v31 =	vor.u32 v28, v22  }
0x13c: {  	v22 =	vadd.s32 $0xB, v14;
	[tilespmem:v25+s21+$0x0] =	vst.idx.msk $0xffff, v15;
	v15 =	vand.u32 $0xFFFFFC00, v45;
	v30 =	vadd.s32 v23, v30;
	v25 =	vld [tilespmem:s8+$0x0]  }
0x13d: {  	v46 =	vshll.u32 v22, $0x3;
	v22 =	vand.u32 $0x7F, v22;
	v21 =	vor.u32 v21, v30  }
0x13e: {  	v16 =	vld.idx.msk [tilespmem:v16+s3+$0x0], $0xffff;
	v47 =	vand.u32 $0xFFFFFC00, v46;
	v15 =	vadd.s32 v23, v15;
	v30 =	vor.u32 v28, v21  }
0x13f: {  	v39 =	vor.u32 v32, v15;
	v15 =	vadd.s32 v23, v47;
	v32 =	vshll.u32 v33, $0x3  }
0x140: {  	v33 =	vand.u32 $0x7F, v33;
	v40 =	vor.u32 v22, v15;
	v22 =	vor.u32 v3, v27  }
0x141: {  	s10 =	sadd.s32 $0x10, s15;
	v39 =	vor.u32 v28, v39;
	v14 =	vshll.u32 v25, $0x3;
	v15 =	vadd.s32 $0x1, v25  }
0x142: {  	v21 =	vld [tilespmem:s10+$0x0];
	v49 =	vand.u32 $0x7F, v25;
	v53 =	vadd.s32 $0x2, v25;
	v55 =	vadd.s32 $0x3, v25  }
0x143: {  	v59 =	vadd.s32 $0x5, v25;
	v61 =	vadd.s32 $0x6, v25;
	[tilespmem:v44+s21+$0x0] =	vst.idx.msk $0xffff, v16;
	v16 =	vadd.s32 $0x4, v25  }
0x144: {  	v48 =	vand.u32 $0xFFFFFC00, v14;
	v14 =	vshll.u32 v15, $0x3;
	v51 =	vand.u32 $0x7F, v15;
	v24 =	vld.idx.msk [tilespmem:v24+s3+$0x0], $0xffff  }
0x145: {  	v54 =	vshll.u32 v53, $0x3;
	v37 =	vand.u32 $0x7F, v53;
	v43 =	vand.u32 $0x7F, v55  }
0x146: {  	v60 =	vshll.u32 v59, $0x3;
	v62 =	vand.u32 $0x7F, v59;
	v53 =	vadd.s32 $0x8, v25  }
0x147: {  	v50 =	vshll.u32 v21, $0x8;
	v21 =	vshll.u32 v21, $0x7;
	v52 =	vand.u32 $0xFFFFFC00, v14  }
0x148: {  	v38 =	vand.u32 $0xFFFFFC00, v54;
	v58 =	vshll.u32 v16, $0x3;
	v16 =	vand.u32 $0x7F, v16  }
0x149: {  	v15 =	vand.u32 $0xFFFFF800, v50;
	v14 =	vand.u32 $0x380, v21;
	v34 =	vand.u32 $0xFFFFFC00, v58;
	[tilespmem:v63+s21+$0x0] =	vst.idx.msk $0xffff, v24  }
0x14a: {  	s9 =	simm.s32 $0x1;
	v50 =	vand.u32 $0x7F, v53;
	v58 =	vor.u32 v7, v27;
	v21 =	vadd.s32 v15, v48;
	v17 =	vld.idx.msk [tilespmem:v17+s3+$0x0], $0xffff  }
0x14b: {  	v41 =	vadd.s32 v15, v52;
	v38 =	vadd.s32 v15, v38;
	v52 =	vmov s9  }
0x14c: {  	v21 =	vor.u32 v49, v21;
	v56 =	vor.u32 v51, v41;
	v24 =	vshll.u32 v55, $0x3  }
0x14d: {  	v37 =	vor.u32 v37, v38;
	v49 =	vshll.u32 v53, $0x3;
	v24 =	vand.u32 $0xFFFFFC00, v24  }
0x14e: {  	v53 =	vor.u32 v11, v27;
	v21 =	vor.u32 v14, v21;
	v24 =	vadd.s32 v15, v24  }
0x14f: {  	v51 =	vadd.s32 $0xB, v25;
	v42 =	vor.u32 v14, v56;
	v24 =	vor.u32 v43, v24;
	[tilespmem:v22+s21+$0x0] =	vst.idx.msk $0xffff, v17  }
0x150: {  	v44 =	vor.u32 v14, v37;
	v37 =	vshll.u32 v52, $0x7;
	v45 =	vor.u32 v14, v24;
	v24 =	vld.idx.msk [tilespmem:v26+s3+$0x0], $0xffff  }
0x151: {  	v49 =	vand.u32 $0xFFFFFC00, v49;
	v63 =	vor.u32 v5, v27;
	v37 =	vand.u32 $0x380, v37  }
0x152: {  	v17 =	vand.u32 $0xFFFFFC00, v60;
	v22 =	vshll.u32 v61, $0x3;
	v26 =	vadd.s32 v15, v34  }
0x153: {  	v60 =	vand.u32 $0x7F, v51;
	v22 =	vand.u32 $0xFFFFFC00, v22;
	v16 =	vor.u32 v16, v26  }
0x154: {  	v43 =	vor.u32 v14, v16;
	v16 =	vadd.s32 v15, v17;
	v17 =	vshll.u32 v52, $0x8  }
0x155: {  	v26 =	vand.u32 $0x7F, v61;
	v16 =	vor.u32 v62, v16;
	v17 =	vand.u32 $0x800, v17;
	[tilespmem:v57+s21+$0x0] =	vst.idx.msk $0xffff, v24  }
0x156: {  	v22 =	vadd.s32 v15, v22;
	v34 =	vor.u32 v14, v16;
	v16 =	vor.u32 v17, v37;
	v48 =	vld.idx.msk [tilespmem:v36+s3+$0x0], $0xffff  }
0x157: {  	v22 =	vor.u32 v26, v22;
	v24 =	vadd.s32 $0x7, v25;
	v54 =	vor.u32 v0, v16  }
0x158: {  	v21 =	vld.idx.msk [tilespmem:v21+s3+$0x0], $0xffff;
	v47 =	vor.u32 v2, v16;
	v37 =	vor.u32 v6, v16;
	v55 =	vshll.u32 v24, $0x3  }
0x159: {  	v17 =	vor.u32 v12, v16;
	v56 =	vor.u32 v1, v16;
	v36 =	vand.u32 $0xFFFFFC00, v55  }
0x15a: {  	v52 =	vor.u32 v3, v16;
	v24 =	vand.u32 $0x7F, v24;
	v36 =	vadd.s32 v15, v36  }
0x15b: {  	v26 =	vadd.s32 $0x9, v25;
	v24 =	vor.u32 v24, v36;
	v36 =	vor.u32 v14, v22;
	[tilespmem:v63+s21+$0x0] =	vst.idx.msk $0xffff, v48  }
0x15c: {  	v22 =	vshll.u32 v26, $0x3;
	v26 =	vand.u32 $0x7F, v26;
	v38 =	vor.u32 v14, v24;
	v46 =	vld.idx.msk [tilespmem:v20+s3+$0x0], $0xffff  }
0x15d: {  	s9 =	sadd.s32 $0x10, s8;
	s8 =	sadd.s32 $0x10, s10;
	v22 =	vand.u32 $0xFFFFFC00, v22;
	v24 =	vadd.s32 v15, v49;
	[tilespmem:v54+s21+$0x0] =	vst.idx.msk $0xffff, v21;
	v54 =	vor.u32 v9, v27  }
0x15e: {  	v24 =	vor.u32 v50, v24;
	v22 =	vadd.s32 v15, v22;
	v63 =	vld [tilespmem:s8+$0x0];
	v20 =	vadd.s32 $0xA, v25  }
0x15f: {  	v41 =	vld.idx.msk [tilespmem:v42+s3+$0x0], $0xffff;
	v42 =	vor.u32 v10, v27;
	v22 =	vor.u32 v26, v22;
	v57 =	vshll.u32 v20, $0x3  }
0x160: {  	v21 =	vand.u32 $0x7F, v20;
	v20 =	vshll.u32 v51, $0x3;
	v51 =	vor.u32 v28, v40;
	v40 =	vld [tilespmem:s9+$0x0]  }
0x161: {  	v24 =	vor.u32 v14, v24;
	v22 =	vor.u32 v14, v22;
	v49 =	vand.u32 $0xFFFFFC00, v57;
	[tilespmem:v18+s21+$0x0] =	vst.idx.msk $0xffff, v46  }
0x162: {  	v59 =	vand.u32 $0xFFFFFC00, v20;
	v20 =	vadd.s32 $0xC, v25;
	v26 =	vadd.s32 v15, v49;
	v61 =	vld.idx.msk [tilespmem:v19+s3+$0x0], $0xffff  }
0x163: {  	v21 =	vor.u32 v21, v26;
	v26 =	vshll.u32 v20, $0x3;
	v48 =	vshll.u32 v63, $0x7  }
0x164: {  	v18 =	vadd.s32 $0xD, v25;
	v46 =	vor.u32 v8, v27;
	v19 =	vadd.s32 v15, v59  }
0x165: {  	[tilespmem:v56+s21+$0x0] =	vst.idx.msk $0xffff, v41;
	v56 =	vshll.u32 v40, $0x3;
	v57 =	vadd.s32 $0x1, v40;
	v49 =	vadd.s32 $0x4, v40  }
0x166: {  	v44 =	vld.idx.msk [tilespmem:v44+s3+$0x0], $0xffff;
	v25 =	vor.u32 v60, v19;
	v19 =	vshll.u32 v35, $0x3;
	v35 =	vand.u32 $0x7F, v35  }
0x167: {  	v62 =	vand.u32 $0xFFFFFC00, v19;
	v19 =	vor.u32 v13, v27;
	v27 =	vand.u32 $0xFFFFFC00, v32;
	[tilespmem:v58+s21+$0x0] =	vst.idx.msk $0xffff, v61  }
0x168: {  	v41 =	vadd.s32 v23, v62;
	v23 =	vadd.s32 v23, v27;
	v27 =	vshll.u32 v57, $0x3;
	v31 =	vld.idx.msk [tilespmem:v31+s3+$0x0], $0xffff  }
0x169: {  	v32 =	vor.u32 v35, v41;
	v35 =	vand.u32 $0xFFFFFC00, v56;
	v33 =	vor.u32 v33, v23  }
0x16a: {  	v23 =	vshll.u32 v63, $0x8;
	v41 =	vand.u32 $0x7F, v57;
	v59 =	vand.u32 $0xFFFFFC00, v27  }
0x16b: {  	[tilespmem:v47+s21+$0x0] =	vst.idx.msk $0xffff, v44;
	v63 =	vadd.s32 $0x3, v40;
	v57 =	vor.u32 v4, v16;
	v58 =	vand.u32 $0x7F, v40  }
0x16c: {  	v27 =	vand.u32 $0xFFFFF800, v23;
	v23 =	vand.u32 $0x380, v48;
	v45 =	vld.idx.msk [tilespmem:v45+s3+$0x0], $0xffff;
	v61 =	vadd.s32 $0x2, v40  }
0x16d: {  	v47 =	vor.u32 v28, v33;
	v60 =	vadd.s32 v27, v35;
	v62 =	vshll.u32 v61, $0x3;
	[tilespmem:v46+s21+$0x0] =	vst.idx.msk $0xffff, v31  }
0x16e: {  	v35 =	vand.u32 $0x7F, v61;
	v33 =	vor.u32 v58, v60;
	v55 =	vand.u32 $0xFFFFFC00, v62;
	v30 =	vld.idx.msk [tilespmem:v30+s3+$0x0], $0xffff  }
0x16f: {  	v58 =	vshll.u32 v49, $0x3;
	v48 =	vor.u32 v23, v33;
	v33 =	vadd.s32 v27, v55  }
0x170: {  	v56 =	vshll.u32 v63, $0x3;
	v44 =	vand.u32 $0xFFFFFC00, v58;
	v33 =	vor.u32 v35, v33  }
0x171: {  	v61 =	vand.u32 $0x7F, v49;
	[tilespmem:v52+s21+$0x0] =	vst.idx.msk $0xffff, v45;
	v52 =	vor.u32 v28, v32;
	v28 =	vadd.s32 v27, v44  }
0x172: {  	v31 =	vadd.s32 v27, v59;
	v59 =	vand.u32 $0x7F, v63;
	v43 =	vld.idx.msk [tilespmem:v43+s3+$0x0], $0xffff;
	v46 =	vor.u32 v23, v33  }
0x173: {  	v63 =	vadd.s32 $0x6, v40;
	v28 =	vor.u32 v61, v28;
	v31 =	vor.u32 v41, v31;
	[tilespmem:v54+s21+$0x0] =	vst.idx.msk $0xffff, v30  }
0x174: {  	v50 =	vor.u32 v23, v31;
	v31 =	vand.u32 $0xFFFFFC00, v56;
	v56 =	vshll.u32 v63, $0x3;
	v60 =	vld.idx.msk [tilespmem:v39+s3+$0x0], $0xffff  }
0x175: {  	s10 =	simm.s32 $0x2;
	v41 =	vadd.s32 $0xC, v40;
	v31 =	vadd.s32 v27, v31;
	v45 =	vand.u32 $0xFFFFFC00, v56  }
0x176: {  	v31 =	vor.u32 v59, v31;
	v59 =	vmov s10;
	v30 =	vadd.s32 $0x5, v40  }
0x177: {  	v35 =	vor.u32 v23, v31;
	[tilespmem:v57+s21+$0x0] =	vst.idx.msk $0xffff, v43;
	v57 =	vor.u32 v5, v16;
	v62 =	vshll.u32 v30, $0x3  }
0x178: {  	v43 =	vand.u32 $0x7F, v63;
	v32 =	vshll.u32 v59, $0x7;
	v58 =	vld.idx.msk [tilespmem:v34+s3+$0x0], $0xffff;
	v31 =	vand.u32 $0xFFFFFC00, v62  }
0x179: {  	v34 =	vor.u32 v23, v28;
	v30 =	vand.u32 $0x7F, v30;
	v28 =	vadd.s32 v27, v31;
	[tilespmem:v42+s21+$0x0] =	vst.idx.msk $0xffff, v60  }
0x17a: {  	v31 =	vshll.u32 v59, $0x8;
	v59 =	vadd.s32 v27, v45;
	v28 =	vor.u32 v30, v28;
	v42 =	vld.idx.msk [tilespmem:v51+s3+$0x0], $0xffff  }
0x17b: {  	v30 =	vand.u32 $0x800, v31;
	v31 =	vand.u32 $0x380, v32;
	v43 =	vor.u32 v43, v59  }
0x17c: {  	v48 =	vld.idx.msk [tilespmem:v48+s3+$0x0], $0xffff;
	v32 =	vor.u32 v23, v28;
	v33 =	vor.u32 v30, v31;
	v31 =	vadd.s32 $0x7, v40  }
0x17d: {  	[tilespmem:v57+s21+$0x0] =	vst.idx.msk $0xffff, v58;
	v60 =	vadd.s32 $0x8, v40;
	v61 =	vor.u32 v0, v33;
	v39 =	vor.u32 v2, v33  }
0x17e: {  	v30 =	vor.u32 v6, v33;
	v62 =	vshll.u32 v31, $0x3;
	v57 =	vld.idx.msk [tilespmem:v36+s3+$0x0], $0xffff;
	v28 =	vor.u32 v12, v33  }
0x17f: {  	v31 =	vand.u32 $0x7F, v31;
	v63 =	vshll.u32 v60, $0x3;
	v55 =	vand.u32 $0xFFFFFC00, v62;
	[tilespmem:v53+s21+$0x0] =	vst.idx.msk $0xffff, v42  }
0x180: {  	v56 =	vand.u32 $0x7F, v60;
	v60 =	vadd.s32 $0x9, v40;
	v36 =	vadd.s32 v27, v55;
	v45 =	vld.idx.msk [tilespmem:v47+s3+$0x0], $0xffff  }
0x181: {  	v58 =	vand.u32 $0xFFFFFC00, v63;
	v44 =	vand.u32 $0x7F, v60;
	v31 =	vor.u32 v31, v36  }
0x182: {  	v63 =	vadd.s32 $0xA, v40;
	v36 =	vor.u32 v23, v43;
	v31 =	vor.u32 v23, v31;
	[tilespmem:v61+s21+$0x0] =	vst.idx.msk $0xffff, v48  }
0x183: {  	v59 =	vshll.u32 v63, $0x3;
	v61 =	vshll.u32 v60, $0x3;
	[tilespmem:v37+s21+$0x0] =	vst.idx.msk $0xffff, v57;
	v47 =	vld.idx.msk [tilespmem:v50+s3+$0x0], $0xffff;
	v50 =	vor.u32 v1, v33  }
0x184: {  	v57 =	vadd.s32 v27, v58;
	v60 =	vor.u32 v7, v16;
	v62 =	vand.u32 $0xFFFFFC00, v61;
	v58 =	vld.idx.msk [tilespmem:v38+s3+$0x0], $0xffff  }
0x185: {  	v37 =	vor.u32 v56, v57;
	v38 =	vand.u32 $0xFFFFFC00, v59;
	v61 =	vadd.s32 $0xB, v40;
	[tilespmem:v29+s21+$0x0] =	vst.idx.msk $0xffff, v45  }
0x186: {  	v40 =	vadd.s32 $0xD, v40;
	v43 =	vor.u32 v23, v37;
	v29 =	vadd.s32 v27, v62;
	v37 =	vld.idx.msk [tilespmem:v52+s3+$0x0], $0xffff  }
0x187: {  	v62 =	vand.u32 $0x7F, v63;
	v63 =	vshll.u32 v61, $0x3;
	v29 =	vor.u32 v44, v29  }
0x188: {  	s14 =	sor.u32 $0x1, s14;
	[tilespmem:v50+s21+$0x0] =	vst.idx.msk $0xffff, v47;
	v45 =	vand.u32 $0xFFFFFC00, v63;
	v42 =	vor.u32 v23, v29;
	v29 =	vadd.s32 v27, v38  }
0x189: {  	s7 =	simm.s32 $0x3;
	s8 =	sadd.s32 $0x10, s8;
	s9 =	sadd.s32 $0x10, s9;
	[tilespmem:v60+s21+$0x0] =	vst.idx.msk $0xffff, v58;
	v44 =	vand.u32 $0x7F, v61;
	v47 =	vld.idx.msk [tilespmem:v46+s3+$0x0], $0xffff;
	v38 =	vshll.u32 v41, $0x3;
	v46 =	vor.u32 v62, v29  }
.LBB2_6:
0x18a: {  	p0 =	sne.s32 s7, $0xF;
	v45 =	vadd.s32 v27, v45;
	v48 =	vld.idx.msk [tilespmem:v24+s3+$0x0], $0xffff;
	v49 =	vor.u32 v10, v16;
	v50 =	vor.u32 v14, v25;
	s10 =	smov.u32 s7;
	s7 =	sadd.s32 $0x1, s7  }
0x18b: {  	v24 =	vmov v43;
	v29 =	vld [tilespmem:s9+$0x0];
	v25 =	vor.u32 v44, v45;
	v44 =	vor.u32 v8, v16;
	[tilespmem:v19+s21+$0x0] =	vst.idx.msk $0xffff, v37  }
0x18c: {  	v43 =	vor.u32 v14, v21;
	v21 =	vmovc v46;
	v45 =	vand.u32 $0x7F, v18;
	v19 =	vshll.u32 v18, $0x3;
	v18 =	vmovc v40;
	v37 =	vld [tilespmem:s8+$0x0]  }
0x18d: {  	v40 =	vand.u32 $0x7F, v20;
	v20 =	vmovc v41;
	v46 =	vand.u32 $0xFFFFFC00, v19;
	v19 =	vor.u32 v13, v16  }
0x18e: {  	v51 =	vor.u32 v11, v16;
	v41 =	vor.u32 v3, v33;
	v46 =	vadd.s32 v15, v46  }
0x18f: {  	v26 =	vand.u32 $0xFFFFFC00, v26;
	v45 =	vor.u32 v45, v46;
	[tilespmem:v39+s21+$0x0] =	vst.idx.msk $0xffff, v47;
	v39 =	vor.u32 v9, v16  }
0x190: {  	v16 =	vmovc v33;
	v46 =	vshll.u32 v29, $0x3;
	v47 =	vadd.s32 $0x1, v29;
	v52 =	vadd.s32 $0x4, v29;
	v35 =	vld.idx.msk [tilespmem:v35+s3+$0x0], $0xffff;
	[tilespmem:v44+s21+$0x0] =	vst.idx.msk $0xffff, v48  }
0x191: {  	v48 =	vadd.s32 v15, v26;
	v15 =	vmovc v27;
	v33 =	vand.u32 $0xFFFFFC00, v46;
	v44 =	vshll.u32 v47, $0x3;
	v46 =	vld.idx.msk [tilespmem:v22+s3+$0x0], $0xffff;
	v22 =	vmovc v42  }
0x192: {  	v26 =	vmovc v38;
	v42 =	vand.u32 $0x7F, v29;
	v27 =	vshll.u32 v37, $0x8;
	v40 =	vor.u32 v40, v48  }
0x193: {  	v37 =	vshll.u32 v37, $0x7;
	v38 =	vand.u32 $0x7F, v47;
	v44 =	vand.u32 $0xFFFFFC00, v44  }
0x194: {  	v27 =	vand.u32 $0xFFFFF800, v27;
	v37 =	vand.u32 $0x380, v37;
	v40 =	vor.u32 v14, v40  }
0x195: {  	v47 =	vadd.s32 $0x2, v29;
	v33 =	vadd.s32 v27, v33;
	v44 =	vadd.s32 v27, v44  }
0x196: {  	v48 =	vadd.s32 $0x3, v29;
	v33 =	vor.u32 v42, v33;
	v42 =	vshll.u32 v47, $0x3;
	[tilespmem:v41+s21+$0x0] =	vst.idx.msk $0xffff, v35  }
0x197: {  	v33 =	vor.u32 v37, v33;
	v35 =	vand.u32 $0xFFFFFC00, v42;
	v41 =	vshll.u32 v48, $0x3;
	v34 =	vld.idx.msk [tilespmem:v34+s3+$0x0], $0xffff;
	[tilespmem:v39+s21+$0x0] =	vst.idx.msk $0xffff, v46  }
0x198: {  	v38 =	vor.u32 v38, v44;
	v42 =	vor.u32 v4, v16;
	v39 =	vand.u32 $0x7F, v47;
	v43 =	vld.idx.msk [tilespmem:v43+s3+$0x0], $0xffff  }
0x199: {  	v44 =	vshll.u32 v52, $0x3;
	v38 =	vor.u32 v37, v38;
	v41 =	vand.u32 $0xFFFFFC00, v41  }
0x19a: {  	v35 =	vadd.s32 v27, v35;
	v46 =	vand.u32 $0x7F, v48;
	v41 =	vadd.s32 v27, v41  }
0x19b: {  	v35 =	vor.u32 v39, v35;
	v39 =	vand.u32 $0xFFFFFC00, v44;
	v44 =	vadd.s32 $0x5, v29  }
0x19c: {  	v47 =	vor.u32 v37, v35;
	v35 =	vor.u32 v46, v41;
	v41 =	vand.u32 $0x7F, v52  }
0x19d: {  	v48 =	vadd.s32 $0x6, v29;
	v46 =	vshll.u32 v44, $0x3;
	v35 =	vor.u32 v37, v35;
	[tilespmem:v42+s21+$0x0] =	vst.idx.msk $0xffff, v34  }
0x19e: {  	v45 =	vor.u32 v14, v45;
	v42 =	vand.u32 $0xFFFFFC00, v46;
	v34 =	vshll.u32 v48, $0x3;
	v46 =	vld.idx.msk [tilespmem:v32+s3+$0x0], $0xffff;
	[tilespmem:v49+s21+$0x0] =	vst.idx.msk $0xffff, v43  }
0x19f: {  	v14 =	vmovc v23;
	v32 =	vadd.s32 v27, v39;
	v39 =	vand.u32 $0x7F, v44;
	v43 =	vor.u32 v5, v16;
	v44 =	vld.idx.msk [tilespmem:v50+s3+$0x0], $0xffff  }
0x1a0: {  	v23 =	vmovc v37;
	v32 =	vor.u32 v41, v32;
	v41 =	vand.u32 $0x7F, v48;
	v48 =	vand.u32 $0xFFFFFC00, v34  }
0x1a1: {  	v37 =	vmov s10;
	v34 =	vor.u32 v23, v32;
	v32 =	vadd.s32 v27, v42  }
0x1a2: {  	v42 =	vshll.u32 v37, $0x8;
	v37 =	vshll.u32 v37, $0x7;
	v32 =	vor.u32 v39, v32  }
0x1a3: {  	v39 =	vand.u32 $0x800, v42;
	v37 =	vand.u32 $0x380, v37;
	v32 =	vor.u32 v23, v32  }
0x1a4: {  	v49 =	vadd.s32 $0x8, v29;
	v42 =	vld.idx.msk [tilespmem:v33+s3+$0x0], $0xffff;
	v33 =	vor.u32 v39, v37;
	v37 =	vadd.s32 $0x7, v29;
	[tilespmem:v43+s21+$0x0] =	vst.idx.msk $0xffff, v46  }
0x1a5: {  	v43 =	vor.u32 v0, v33;
	v39 =	vor.u32 v2, v33;
	v46 =	vor.u32 v6, v33;
	v50 =	vld.idx.msk [tilespmem:v36+s3+$0x0], $0xffff  }
0x1a6: {  	v52 =	vshll.u32 v49, $0x3;
	v36 =	vshll.u32 v37, $0x3;
	v53 =	vor.u32 v12, v33;
	[tilespmem:v51+s21+$0x0] =	vst.idx.msk $0xffff, v44  }
0x1a7: {  	v36 =	vand.u32 $0xFFFFFC00, v36;
	v44 =	vand.u32 $0x7F, v49;
	v49 =	vand.u32 $0xFFFFFC00, v52;
	v40 =	vld.idx.msk [tilespmem:v40+s3+$0x0], $0xffff  }
0x1a8: {  	v48 =	vadd.s32 v27, v48;
	v37 =	vand.u32 $0x7F, v37;
	v36 =	vadd.s32 v27, v36  }
0x1a9: {  	v41 =	vor.u32 v41, v48;
	v48 =	vadd.s32 $0x9, v29;
	v37 =	vor.u32 v37, v36  }
0x1aa: {  	v36 =	vor.u32 v23, v41;
	v41 =	vshll.u32 v48, $0x3;
	v37 =	vor.u32 v23, v37;
	[tilespmem:v43+s21+$0x0] =	vst.idx.msk $0xffff, v42  }
0x1ab: {  	v41 =	vand.u32 $0xFFFFFC00, v41;
	v42 =	vand.u32 $0x7F, v48;
	v48 =	vadd.s32 $0xA, v29;
	v38 =	vld.idx.msk [tilespmem:v38+s3+$0x0], $0xffff;
	[tilespmem:v30+s21+$0x0] =	vst.idx.msk $0xffff, v50;
	v30 =	vmovc v46  }
0x1ac: {  	v43 =	vadd.s32 v27, v49;
	v46 =	vor.u32 v1, v33;
	v49 =	vld.idx.msk [tilespmem:v31+s3+$0x0], $0xffff;
	v31 =	vmov v37  }
0x1ad: {  	v50 =	vor.u32 v7, v16;
	v37 =	vor.u32 v44, v43;
	v44 =	vshll.u32 v48, $0x3;
	[tilespmem:v17+s21+$0x0] =	vst.idx.msk $0xffff, v40  }
.Ltmp1:
0x1ae: {  	v43 =	vor.u32 v23, v37;
	v40 =	vand.u32 $0xFFFFFC00, v44;
	v44 =	vadd.s32 $0xB, v29;
	v17 =	vmovc v28;
	v28 =	vmovc v53;
	v37 =	vld.idx.msk [tilespmem:v45+s3+$0x0], $0xffff;
	(pc) =	sbr.rel @p0 .LBB2_6-.Ltmp1, $4  }
0x1af: {  	v41 =	vadd.s32 v27, v41;
	v48 =	vand.u32 $0x7F, v48;
	v45 =	vshll.u32 v44, $0x3  }
0x1b0: {  	v42 =	vor.u32 v42, v41;
	v41 =	vadd.s32 $0xC, v29;
	v45 =	vand.u32 $0xFFFFFC00, v45  }
0x1b1: {  	v42 =	vor.u32 v23, v42;
	v44 =	vand.u32 $0x7F, v44;
	[tilespmem:v46+s21+$0x0] =	vst.idx.msk $0xffff, v38;
	v38 =	vadd.s32 v27, v40  }
0x1b2: {  	s9 =	sadd.s32 $0x10, s9;
	s8 =	sadd.s32 $0x10, s8;
	v40 =	vadd.s32 $0xD, v29;
	v47 =	vld.idx.msk [tilespmem:v47+s3+$0x0], $0xffff;
	v46 =	vor.u32 v48, v38;
	v38 =	vshll.u32 v41, $0x3;
	[tilespmem:v50+s21+$0x0] =	vst.idx.msk $0xffff, v49  }
0x1b3: {  	_ =	sdelay $0x3  }
0x1b4: {  	[tilespmem:v39+s21+$0x0] =	vst.idx.msk $0xffff, v47  }
0x1b5: {  	v29 =	vor.u32 v3, v33;
	v35 =	vld.idx.msk [tilespmem:v35+s3+$0x0], $0xffff;
	_ =	sdelay $0x4  }
0x1b6: {  	[tilespmem:v29+s21+$0x0] =	vst.idx.msk $0xffff, v35  }
0x1b7: {  	v62 =	vor.u32 v4, v33;
	v29 =	vld.idx.msk [tilespmem:v34+s3+$0x0], $0xffff;
	_ =	sdelay $0x4  }
0x1b8: {  	[tilespmem:v62+s21+$0x0] =	vst.idx.msk $0xffff, v29  }
0x1b9: {  	v63 =	vor.u32 v5, v33;
	v29 =	vld.idx.msk [tilespmem:v32+s3+$0x0], $0xffff;
	_ =	sdelay $0x4  }
0x1ba: {  	[tilespmem:v63+s21+$0x0] =	vst.idx.msk $0xffff, v29  }
0x1bb: {  	v29 =	vld.idx.msk [tilespmem:v36+s3+$0x0], $0xffff;
	_ =	sdelay $0x4  }
0x1bc: {  	[tilespmem:v30+s21+$0x0] =	vst.idx.msk $0xffff, v29  }
0x1bd: {  	v35 =	vor.u32 v7, v33;
	v29 =	vld.idx.msk [tilespmem:v31+s3+$0x0], $0xffff;
	_ =	sdelay $0x4  }
0x1be: {  	v24 =	vld.idx.msk [tilespmem:v24+s3+$0x0], $0xffff;
	v36 =	vor.u32 v8, v16;
	[tilespmem:v35+s21+$0x0] =	vst.idx.msk $0xffff, v29  }
0x1bf: {  	v39 =	vor.u32 v8, v33;
	v29 =	vld.idx.msk [tilespmem:v43+s3+$0x0], $0xffff;
	_ =	sdelay $0x3  }
0x1c0: {  	[tilespmem:v36+s21+$0x0] =	vst.idx.msk $0xffff, v24  }
0x1c1: {  	v22 =	vld.idx.msk [tilespmem:v22+s3+$0x0], $0xffff;
	v43 =	vor.u32 v9, v16;
	[tilespmem:v39+s21+$0x0] =	vst.idx.msk $0xffff, v29  }
0x1c2: {  	v21 =	vor.u32 v14, v21;
	v47 =	vor.u32 v9, v33;
	v30 =	vld.idx.msk [tilespmem:v42+s3+$0x0], $0xffff  }
0x1c3: {  	v48 =	vor.u32 v23, v46;
	_ =	sdelay $0x2  }
0x1c4: {  	[tilespmem:v43+s21+$0x0] =	vst.idx.msk $0xffff, v22  }
0x1c5: {  	v49 =	vadd.s32 v27, v45;
	v50 =	vor.u32 v10, v16;
	v21 =	vld.idx.msk [tilespmem:v21+s3+$0x0], $0xffff;
	[tilespmem:v47+s21+$0x0] =	vst.idx.msk $0xffff, v30  }
0x1c6: {  	v25 =	vor.u32 v14, v25;
	v51 =	vor.u32 v10, v33;
	v22 =	vor.u32 v44, v49;
	v30 =	vld.idx.msk [tilespmem:v48+s3+$0x0], $0xffff  }
0x1c7: {  	v22 =	vor.u32 v23, v22;
	_ =	sdelay $0x1  }
0x1c8: {  	v26 =	vand.u32 $0xFFFFFC00, v26;
	v20 =	vand.u32 $0x7F, v20;
	v52 =	vor.u32 v11, v16  }
0x1c9: {  	v53 =	vand.u32 $0xFFFFFC00, v38;
	v54 =	vand.u32 $0x7F, v41;
	v26 =	vadd.s32 v15, v26;
	[tilespmem:v50+s21+$0x0] =	vst.idx.msk $0xffff, v21  }
0x1ca: {  	v20 =	vor.u32 v20, v26;
	v21 =	vadd.s32 v27, v53;
	v24 =	vld.idx.msk [tilespmem:v25+s3+$0x0], $0xffff;
	[tilespmem:v51+s21+$0x0] =	vst.idx.msk $0xffff, v30  }
0x1cb: {  	v55 =	vor.u32 v11, v33;
	v20 =	vor.u32 v14, v20;
	v21 =	vor.u32 v54, v21;
	v22 =	vld.idx.msk [tilespmem:v22+s3+$0x0], $0xffff  }
0x1cc: {  	v21 =	vor.u32 v23, v21  }
0x1cd: {  	v56 =	vshll.u32 v18, $0x3  }
0x1ce: {  	v57 =	vand.u32 $0x7F, v18;
	v58 =	vshll.u32 v40, $0x3;
	v25 =	vand.u32 $0xFFFFFC00, v56  }
0x1cf: {  	v60 =	vand.u32 $0x7F, v40;
	v59 =	vand.u32 $0xFFFFFC00, v58;
	v15 =	vadd.s32 v15, v25;
	[tilespmem:v52+s21+$0x0] =	vst.idx.msk $0xffff, v24  }
0x1d0: {  	v18 =	vadd.s32 v27, v59;
	v15 =	vor.u32 v57, v15;
	v20 =	vld.idx.msk [tilespmem:v20+s3+$0x0], $0xffff;
	[tilespmem:v55+s21+$0x0] =	vst.idx.msk $0xffff, v22  }
0x1d1: {  	v14 =	vor.u32 v14, v15;
	v15 =	vor.u32 v60, v18;
	v61 =	vld.idx.msk [tilespmem:v21+s3+$0x0], $0xffff  }
0x1d2: {  	v15 =	vor.u32 v23, v15;
	_ =	sdelay $0x2  }
0x1d3: {  	[tilespmem:v17+s21+$0x0] =	vst.idx.msk $0xffff, v20  }
0x1d4: {  	v62 =	vor.u32 v13, v16;
	v14 =	vld.idx.msk [tilespmem:v14+s3+$0x0], $0xffff;
	[tilespmem:v28+s21+$0x0] =	vst.idx.msk $0xffff, v61  }
0x1d5: {  	s13 =	sadd.s32 $0x1, s13;
	v63 =	vor.u32 v13, v33;
	v15 =	vld.idx.msk [tilespmem:v15+s3+$0x0], $0xffff  }
0x1d6: {  	p0 =	sne.s32 s13, $0x7  }
.Ltmp2:
0x1d7: {  	s7 =	sshll.u32 s14, $0xC;
	(pc) =	sbr.rel @p0 .LBB2_3-.Ltmp2, $4  }
0x1d8: {  	[tilespmem:v19+s21+$0x0] =	vst.idx.msk $0xffff, v37;
	s7 =	sadd.s32 s30, s7  }
0x1d9: {  	s4 =	sadd.s32 $0x200, s4;
	s0 =	sadd.s32 $0x200, s0;
	s7 =	sshrl.u32 s7, $0x3;
	[tilespmem:v62+s21+$0x0] =	vst.idx.msk $0xffff, v14  }
0x1da: {  	s15 =	sadd.s32 $0x200, s15;
	s17 =	sadd.s32 $0x200, s17;
	s7 =	sadd.s32 s2, s7;
	[tilespmem:v63+s21+$0x0] =	vst.idx.msk $0xffff, v15  }
0x1db: {  	[hbm4b:s7+s3] =	stream.linear.scatter [tilespmem:s21], [sflag:$0x4], $0x1000, $0x38;
	[tilespmem:$0x1FC00] =	vst v63  }
0x1dc: {  	p0 =	seq.s32 s26, $0x17  }
0x1dd: {  	s0 =	sadd.s32 @!p0 s29, s11  }
0x1de: {  	s0 =	sshrl.u32 @!p0 s0, $0x3  }
0x1df: {  	s4 =	simm.s32 @!p0 $0x0;
	s0 =	sadd.s32 @!p0 s1, s0  }
0x1e0: {  	[tilespmem:s4], [sflag:$0x1] =	stream.linear.gather @!p0 [hbm4b:s0+s4], $0xE000, $0x38;
	[tilespmem:$0x1FC00] =	vst v63  }
0x1e1: {  	_ =	swait.ge [sflag:s22], $0x1000  }
0x1e2: {  	[sflag:s22] =	ssyncset.done $0x0  }
0x1e3: {  	[sflag:s22] =	ssyncadd.s32 $0xFFFFF000  }
0x1e4: {  	s17 =	sadd.s32 s28, s5;
	_ =	swait.ge [sflag:s23], $0x1000  }
0x1e5: {  	s26 =	sadd.s32 $0x1, s26;
	s30 =	simm.s32 $0x0;
	[sflag:s23] =	ssyncset.done $0x0  }
0x1e6: {  	s15 =	simm.s32 $0x1E100;
	s0 =	smul.u32 $0xE000, s17;
	[sflag:s23] =	ssyncadd.s32 $0xFFFFF000  }
0x1e7: {  	s13 =	simm.s32 $0x0;
	s4 =	simm.s32 $0x1E000;
	_ =	swait.ge [sflag:s24], $0xE000  }
0x1e8: {  	s17 =	simm.s32 $0x1EF00;
	s28 =	sadd.s32 $0xE000, s0;
	[sflag:s24] =	ssyncset.done $0x0  }
0x1e9: {  	s0 =	simm.s32 $0x1EE00;
	s29 =	sadd.s32 s6, s28;
	[sflag:s24] =	ssyncadd.s32 $0xFFFF2000  }
.LBB2_9:
0x1ea: {  	p1 =	seq.s32 s13, $0x0  }
0x1eb: {  	s7 =	simm.s32 @!p1 $0x3  }
0x1ec: {  	_ =	swait.ge @!p1 [sflag:s7], $0x1000  }
0x1ed: {  	[sflag:s7] =	ssyncset.done @!p1 $0x0  }
0x1ee: {  	[sflag:s7] =	ssyncadd.s32 @!p1 $0xFFFFF000  }
0x1ef: {  	v14 =	vld [tilespmem:s0+$0x0]  }
0x1f0: {  	v15 =	vld [tilespmem:s4+$0x0];
	_ =	sdelay $0x2  }
0x1f1: {  	s9 =	simm.s32 $0x1  }
0x1f2: {  	v52 =	vmov s9;
	v16 =	vshll.u32 v14, $0x3;
	v17 =	vadd.s32 $0x1, v14  }
0x1f3: {  	v18 =	vadd.s32 $0x4, v14;
	v20 =	vand.u32 $0x7F, v14;
	v21 =	vshll.u32 v15, $0x8  }
0x1f4: {  	v15 =	vshll.u32 v15, $0x7;
	v32 =	vadd.s32 $0xA, v14;
	v16 =	vand.u32 $0xFFFFFC00, v16  }
0x1f5: {  	v19 =	vshll.u32 v17, $0x3;
	v17 =	vand.u32 $0x7F, v17;
	v23 =	vand.u32 $0xFFFFF800, v21  }
0x1f6: {  	v28 =	vand.u32 $0x380, v15;
	v21 =	vadd.s32 $0x3, v14;
	v22 =	vshll.u32 v18, $0x3  }
0x1f7: {  	v18 =	vand.u32 $0x7F, v18;
	v33 =	vshll.u32 v32, $0x3;
	v19 =	vand.u32 $0xFFFFFC00, v19  }
0x1f8: {  	v15 =	vadd.s32 v23, v16;
	v16 =	vadd.s32 v23, v19;
	v19 =	vadd.s32 $0x2, v14  }
0x1f9: {  	v32 =	vand.u32 $0x7F, v32;
	v15 =	vor.u32 v20, v15;
	v20 =	vshll.u32 v19, $0x3  }
0x1fa: {  	v15 =	vor.u32 v28, v15;
	v16 =	vor.u32 v17, v16;
	v17 =	vshll.u32 v21, $0x3  }
0x1fb: {  	v19 =	vand.u32 $0x7F, v19;
	v21 =	vand.u32 $0x7F, v21;
	v20 =	vand.u32 $0xFFFFFC00, v20  }
0x1fc: {  	v16 =	vor.u32 v28, v16;
	v17 =	vand.u32 $0xFFFFFC00, v17;
	v20 =	vadd.s32 v23, v20  }
0x1fd: {  	v17 =	vadd.s32 v23, v17;
	v19 =	vor.u32 v19, v20;
	v20 =	vand.u32 $0xFFFFFC00, v22  }
0x1fe: {  	v22 =	vadd.s32 $0x5, v14;
	v17 =	vor.u32 v21, v17;
	v21 =	vadd.s32 $0x6, v14  }
0x1ff: {  	v24 =	vor.u32 v28, v19;
	v19 =	vshll.u32 v22, $0x3;
	v17 =	vor.u32 v28, v17  }
0x200: {  	v25 =	vshll.u32 v21, $0x3;
	v20 =	vadd.s32 v23, v20;
	v22 =	vand.u32 $0x7F, v22  }
0x201: {  	v19 =	vand.u32 $0xFFFFFC00, v19;
	v18 =	vor.u32 v18, v20;
	v20 =	vand.u32 $0x7F, v21  }
0x202: {  	v21 =	vand.u32 $0xFFFFFC00, v25;
	v25 =	vmov s30;
	v26 =	vor.u32 v28, v18  }
0x203: {  	v18 =	vadd.s32 v23, v19;
	v19 =	vshll.u32 v25, $0x8;
	v25 =	vshll.u32 v25, $0x7  }
0x204: {  	v21 =	vadd.s32 v23, v21;
	v18 =	vor.u32 v22, v18;
	v19 =	vand.u32 $0x800, v19  }
0x205: {  	v22 =	vand.u32 $0x380, v25;
	v20 =	vor.u32 v20, v21;
	v21 =	vadd.s32 $0x9, v14  }
0x206: {  	v36 =	vor.u32 v28, v18;
	v27 =	vor.u32 v19, v22;
	v19 =	vadd.s32 $0x7, v14  }
0x207: {  	v22 =	vadd.s32 $0x8, v14;
	v20 =	vor.u32 v28, v20;
	v25 =	vor.u32 v0, v27  }
0x208: {  	v34 =	vor.u32 v2, v27;
	v18 =	vor.u32 v6, v27;
	v30 =	vshll.u32 v19, $0x3  }
0x209: {  	v31 =	vshll.u32 v22, $0x3;
	v29 =	vor.u32 v12, v27;
	v22 =	vand.u32 $0x7F, v22  }
0x20a: {  	v15 =	vld.idx.msk [tilespmem:v15+s18+$0x0], $0xffff;
	v19 =	vand.u32 $0x7F, v19;
	v37 =	vor.u32 v1, v27;
	v30 =	vand.u32 $0xFFFFFC00, v30  }
0x20b: {  	v63 =	vor.u32 v4, v27;
	v31 =	vand.u32 $0xFFFFFC00, v31;
	v30 =	vadd.s32 v23, v30  }
0x20c: {  	v46 =	vor.u32 v5, v27;
	v31 =	vadd.s32 v23, v31;
	v19 =	vor.u32 v19, v30  }
0x20d: {  	v30 =	vshll.u32 v21, $0x3;
	v21 =	vand.u32 $0x7F, v21;
	v22 =	vor.u32 v22, v31  }
0x20e: {  	v19 =	vor.u32 v28, v19;
	v30 =	vand.u32 $0xFFFFFC00, v30;
	v31 =	vor.u32 v28, v22  }
0x20f: {  	s8 =	sadd.s32 $0x10, s0;
	v22 =	vadd.s32 $0xB, v14;
	[tilespmem:v25+s20+$0x0] =	vst.idx.msk $0xffff, v15;
	v15 =	vand.u32 $0xFFFFFC00, v33;
	v30 =	vadd.s32 v23, v30  }
0x210: {  	v57 =	vshll.u32 v22, $0x3;
	v25 =	vld [tilespmem:s8+$0x0];
	v33 =	vadd.s32 $0xC, v14;
	v22 =	vand.u32 $0x7F, v22  }
0x211: {  	v16 =	vld.idx.msk [tilespmem:v16+s18+$0x0], $0xffff;
	v21 =	vor.u32 v21, v30;
	v35 =	vand.u32 $0xFFFFFC00, v57;
	v15 =	vadd.s32 v23, v15  }
0x212: {  	v30 =	vor.u32 v28, v21;
	v39 =	vor.u32 v32, v15;
	v15 =	vadd.s32 v23, v35  }
0x213: {  	v32 =	vshll.u32 v33, $0x3;
	v35 =	vadd.s32 $0xD, v14;
	v33 =	vand.u32 $0x7F, v33  }
0x214: {  	s14 =	sadd.s32 $0x10, s4;
	v40 =	vor.u32 v22, v15;
	v22 =	vor.u32 v3, v27;
	v39 =	vor.u32 v28, v39  }
0x215: {  	v21 =	vld [tilespmem:s14+$0x0];
	v14 =	vshll.u32 v25, $0x3;
	v15 =	vadd.s32 $0x1, v25;
	v38 =	vand.u32 $0x7F, v25  }
0x216: {  	v59 =	vadd.s32 $0x2, v25;
	v61 =	vadd.s32 $0x3, v25;
	v48 =	vadd.s32 $0x5, v25;
	[tilespmem:v37+s20+$0x0] =	vst.idx.msk $0xffff, v16  }
0x217: {  	v50 =	vadd.s32 $0x6, v25;
	v53 =	vadd.s32 $0x8, v25;
	v16 =	vadd.s32 $0x4, v25;
	v24 =	vld.idx.msk [tilespmem:v24+s18+$0x0], $0xffff  }
0x218: {  	v58 =	vand.u32 $0xFFFFFC00, v14;
	v14 =	vshll.u32 v15, $0x3;
	v42 =	vand.u32 $0x7F, v15  }
0x219: {  	v60 =	vshll.u32 v59, $0x3;
	v37 =	vand.u32 $0x7F, v59;
	v49 =	vshll.u32 v48, $0x3  }
0x21a: {  	v51 =	vand.u32 $0x7F, v48;
	v41 =	vshll.u32 v21, $0x8;
	v21 =	vshll.u32 v21, $0x7  }
0x21b: {  	v43 =	vand.u32 $0xFFFFFC00, v14;
	v47 =	vshll.u32 v16, $0x3;
	v15 =	vand.u32 $0xFFFFF800, v41  }
0x21c: {  	v16 =	vand.u32 $0x7F, v16;
	v14 =	vand.u32 $0x380, v21;
	v21 =	vadd.s32 v15, v58;
	[tilespmem:v34+s20+$0x0] =	vst.idx.msk $0xffff, v24  }
0x21d: {  	v41 =	vadd.s32 v15, v43;
	v43 =	vand.u32 $0x7F, v61;
	v58 =	vor.u32 v7, v27;
	v17 =	vld.idx.msk [tilespmem:v17+s18+$0x0], $0xffff  }
0x21e: {  	v21 =	vor.u32 v38, v21;
	v38 =	vand.u32 $0xFFFFFC00, v60;
	v62 =	vor.u32 v42, v41  }
0x21f: {  	v21 =	vor.u32 v14, v21;
	v38 =	vadd.s32 v15, v38;
	v24 =	vshll.u32 v61, $0x3  }
0x220: {  	v42 =	vor.u32 v14, v62;
	v37 =	vor.u32 v37, v38;
	v24 =	vand.u32 $0xFFFFFC00, v24  }
0x221: {  	v44 =	vor.u32 v14, v37;
	v37 =	vshll.u32 v52, $0x7;
	v24 =	vadd.s32 v15, v24  }
0x222: {  	v34 =	vand.u32 $0xFFFFFC00, v47;
	v37 =	vand.u32 $0x380, v37;
	v24 =	vor.u32 v43, v24;
	[tilespmem:v22+s20+$0x0] =	vst.idx.msk $0xffff, v17  }
0x223: {  	v45 =	vor.u32 v14, v24;
	v17 =	vand.u32 $0xFFFFFC00, v49;
	v22 =	vshll.u32 v50, $0x3;
	v24 =	vld.idx.msk [tilespmem:v26+s18+$0x0], $0xffff  }
0x224: {  	v49 =	vshll.u32 v53, $0x3;
	v26 =	vadd.s32 v15, v34;
	v22 =	vand.u32 $0xFFFFFC00, v22  }
0x225: {  	v49 =	vand.u32 $0xFFFFFC00, v49;
	v16 =	vor.u32 v16, v26;
	v26 =	vand.u32 $0x7F, v50  }
0x226: {  	v50 =	vand.u32 $0x7F, v53;
	v22 =	vadd.s32 v15, v22;
	v53 =	vor.u32 v11, v27  }
0x227: {  	v43 =	vor.u32 v14, v16;
	v16 =	vadd.s32 v15, v17;
	v17 =	vshll.u32 v52, $0x8  }
0x228: {  	v22 =	vor.u32 v26, v22;
	v16 =	vor.u32 v51, v16;
	v17 =	vand.u32 $0x800, v17;
	[tilespmem:v63+s20+$0x0] =	vst.idx.msk $0xffff, v24  }
0x229: {  	v26 =	vadd.s32 $0x9, v25;
	v34 =	vor.u32 v14, v16;
	v16 =	vor.u32 v17, v37;
	v48 =	vld.idx.msk [tilespmem:v36+s18+$0x0], $0xffff  }
0x22a: {  	v51 =	vadd.s32 $0xB, v25;
	v24 =	vadd.s32 $0x7, v25;
	v54 =	vor.u32 v0, v16  }
0x22b: {  	v21 =	vld.idx.msk [tilespmem:v21+s18+$0x0], $0xffff;
	v47 =	vor.u32 v2, v16;
	v37 =	vor.u32 v6, v16;
	v55 =	vshll.u32 v24, $0x3  }
0x22c: {  	s10 =	sadd.s32 $0x10, s14;
	v17 =	vor.u32 v12, v16;
	v56 =	vor.u32 v1, v16;
	v36 =	vand.u32 $0xFFFFFC00, v55  }
0x22d: {  	v63 =	vld [tilespmem:s10+$0x0];
	v52 =	vor.u32 v3, v16;
	v24 =	vand.u32 $0x7F, v24;
	v36 =	vadd.s32 v15, v36  }
0x22e: {  	v60 =	vand.u32 $0x7F, v51;
	v24 =	vor.u32 v24, v36;
	v36 =	vor.u32 v14, v22;
	[tilespmem:v46+s20+$0x0] =	vst.idx.msk $0xffff, v48  }
0x22f: {  	v22 =	vshll.u32 v26, $0x3;
	v26 =	vand.u32 $0x7F, v26;
	v38 =	vor.u32 v14, v24;
	v46 =	vld.idx.msk [tilespmem:v20+s18+$0x0], $0xffff  }
0x230: {  	v22 =	vand.u32 $0xFFFFFC00, v22;
	v24 =	vadd.s32 v15, v49;
	[tilespmem:v54+s20+$0x0] =	vst.idx.msk $0xffff, v21;
	v54 =	vor.u32 v9, v27  }
0x231: {  	v24 =	vor.u32 v50, v24;
	v22 =	vadd.s32 v15, v22;
	v20 =	vadd.s32 $0xA, v25  }
0x232: {  	s9 =	sadd.s32 $0x10, s8;
	v41 =	vld.idx.msk [tilespmem:v42+s18+$0x0], $0xffff;
	v42 =	vor.u32 v10, v27;
	v48 =	vshll.u32 v63, $0x7;
	v57 =	vshll.u32 v20, $0x3  }
0x233: {  	v21 =	vand.u32 $0x7F, v20;
	v20 =	vshll.u32 v51, $0x3;
	v51 =	vor.u32 v28, v40;
	v40 =	vld [tilespmem:s9+$0x0]  }
0x234: {  	v24 =	vor.u32 v14, v24;
	v22 =	vor.u32 v26, v22;
	v49 =	vand.u32 $0xFFFFFC00, v57;
	[tilespmem:v18+s20+$0x0] =	vst.idx.msk $0xffff, v46  }
0x235: {  	v59 =	vand.u32 $0xFFFFFC00, v20;
	v20 =	vadd.s32 $0xC, v25;
	v26 =	vadd.s32 v15, v49;
	v61 =	vld.idx.msk [tilespmem:v19+s18+$0x0], $0xffff  }
0x236: {  	v22 =	vor.u32 v14, v22;
	v21 =	vor.u32 v21, v26;
	v26 =	vshll.u32 v20, $0x3  }
0x237: {  	v18 =	vadd.s32 $0xD, v25;
	v46 =	vor.u32 v8, v27;
	v19 =	vadd.s32 v15, v59  }
0x238: {  	[tilespmem:v56+s20+$0x0] =	vst.idx.msk $0xffff, v41;
	v56 =	vshll.u32 v40, $0x3;
	v57 =	vadd.s32 $0x1, v40;
	v49 =	vadd.s32 $0x4, v40  }
0x239: {  	v44 =	vld.idx.msk [tilespmem:v44+s18+$0x0], $0xffff;
	v25 =	vor.u32 v60, v19;
	v19 =	vshll.u32 v35, $0x3;
	v35 =	vand.u32 $0x7F, v35  }
0x23a: {  	v62 =	vand.u32 $0xFFFFFC00, v19;
	v19 =	vor.u32 v13, v27;
	v27 =	vand.u32 $0xFFFFFC00, v32;
	[tilespmem:v58+s20+$0x0] =	vst.idx.msk $0xffff, v61  }
0x23b: {  	v41 =	vadd.s32 v23, v62;
	v23 =	vadd.s32 v23, v27;
	v27 =	vshll.u32 v57, $0x3;
	v31 =	vld.idx.msk [tilespmem:v31+s18+$0x0], $0xffff  }
0x23c: {  	v32 =	vor.u32 v35, v41;
	v35 =	vand.u32 $0xFFFFFC00, v56;
	v33 =	vor.u32 v33, v23  }
0x23d: {  	v23 =	vshll.u32 v63, $0x8;
	v41 =	vand.u32 $0x7F, v57;
	v59 =	vand.u32 $0xFFFFFC00, v27  }
0x23e: {  	[tilespmem:v47+s20+$0x0] =	vst.idx.msk $0xffff, v44;
	v63 =	vadd.s32 $0x3, v40;
	v57 =	vor.u32 v4, v16;
	v58 =	vand.u32 $0x7F, v40  }
0x23f: {  	v27 =	vand.u32 $0xFFFFF800, v23;
	v23 =	vand.u32 $0x380, v48;
	v45 =	vld.idx.msk [tilespmem:v45+s18+$0x0], $0xffff;
	v61 =	vadd.s32 $0x2, v40  }
0x240: {  	v47 =	vor.u32 v28, v33;
	v60 =	vadd.s32 v27, v35;
	v62 =	vshll.u32 v61, $0x3;
	[tilespmem:v46+s20+$0x0] =	vst.idx.msk $0xffff, v31  }
0x241: {  	v35 =	vand.u32 $0x7F, v61;
	v33 =	vor.u32 v58, v60;
	v55 =	vand.u32 $0xFFFFFC00, v62;
	v30 =	vld.idx.msk [tilespmem:v30+s18+$0x0], $0xffff  }
0x242: {  	v58 =	vshll.u32 v49, $0x3;
	v48 =	vor.u32 v23, v33;
	v33 =	vadd.s32 v27, v55  }
0x243: {  	v56 =	vshll.u32 v63, $0x3;
	v44 =	vand.u32 $0xFFFFFC00, v58;
	v33 =	vor.u32 v35, v33  }
0x244: {  	v61 =	vand.u32 $0x7F, v49;
	[tilespmem:v52+s20+$0x0] =	vst.idx.msk $0xffff, v45;
	v52 =	vor.u32 v28, v32;
	v28 =	vadd.s32 v27, v44  }
0x245: {  	v31 =	vadd.s32 v27, v59;
	v59 =	vand.u32 $0x7F, v63;
	v43 =	vld.idx.msk [tilespmem:v43+s18+$0x0], $0xffff;
	v46 =	vor.u32 v23, v33  }
0x246: {  	v63 =	vadd.s32 $0x6, v40;
	v28 =	vor.u32 v61, v28;
	v31 =	vor.u32 v41, v31;
	[tilespmem:v54+s20+$0x0] =	vst.idx.msk $0xffff, v30  }
0x247: {  	v50 =	vor.u32 v23, v31;
	v31 =	vand.u32 $0xFFFFFC00, v56;
	v56 =	vshll.u32 v63, $0x3;
	v60 =	vld.idx.msk [tilespmem:v39+s18+$0x0], $0xffff  }
0x248: {  	s14 =	simm.s32 $0x2;
	v41 =	vadd.s32 $0xC, v40;
	v31 =	vadd.s32 v27, v31;
	v45 =	vand.u32 $0xFFFFFC00, v56  }
0x249: {  	v31 =	vor.u32 v59, v31;
	v59 =	vmov s14;
	v30 =	vadd.s32 $0x5, v40  }
0x24a: {  	v35 =	vor.u32 v23, v31;
	[tilespmem:v57+s20+$0x0] =	vst.idx.msk $0xffff, v43;
	v57 =	vor.u32 v5, v16;
	v62 =	vshll.u32 v30, $0x3  }
0x24b: {  	v43 =	vand.u32 $0x7F, v63;
	v32 =	vshll.u32 v59, $0x7;
	v58 =	vld.idx.msk [tilespmem:v34+s18+$0x0], $0xffff;
	v31 =	vand.u32 $0xFFFFFC00, v62  }
0x24c: {  	v34 =	vor.u32 v23, v28;
	v30 =	vand.u32 $0x7F, v30;
	v28 =	vadd.s32 v27, v31;
	[tilespmem:v42+s20+$0x0] =	vst.idx.msk $0xffff, v60  }
0x24d: {  	v31 =	vshll.u32 v59, $0x8;
	v59 =	vadd.s32 v27, v45;
	v28 =	vor.u32 v30, v28;
	v42 =	vld.idx.msk [tilespmem:v51+s18+$0x0], $0xffff  }
0x24e: {  	v30 =	vand.u32 $0x800, v31;
	v31 =	vand.u32 $0x380, v32;
	v43 =	vor.u32 v43, v59  }
0x24f: {  	v48 =	vld.idx.msk [tilespmem:v48+s18+$0x0], $0xffff;
	v32 =	vor.u32 v23, v28;
	v33 =	vor.u32 v30, v31;
	v31 =	vadd.s32 $0x7, v40  }
0x250: {  	[tilespmem:v57+s20+$0x0] =	vst.idx.msk $0xffff, v58;
	v60 =	vadd.s32 $0x8, v40;
	v61 =	vor.u32 v0, v33;
	v39 =	vor.u32 v2, v33  }
0x251: {  	v30 =	vor.u32 v6, v33;
	v62 =	vshll.u32 v31, $0x3;
	v57 =	vld.idx.msk [tilespmem:v36+s18+$0x0], $0xffff;
	v28 =	vor.u32 v12, v33  }
0x252: {  	v31 =	vand.u32 $0x7F, v31;
	v63 =	vshll.u32 v60, $0x3;
	v55 =	vand.u32 $0xFFFFFC00, v62;
	[tilespmem:v53+s20+$0x0] =	vst.idx.msk $0xffff, v42  }
0x253: {  	v56 =	vand.u32 $0x7F, v60;
	v60 =	vadd.s32 $0x9, v40;
	v36 =	vadd.s32 v27, v55;
	v45 =	vld.idx.msk [tilespmem:v47+s18+$0x0], $0xffff  }
0x254: {  	v58 =	vand.u32 $0xFFFFFC00, v63;
	v44 =	vand.u32 $0x7F, v60;
	v31 =	vor.u32 v31, v36  }
0x255: {  	v63 =	vadd.s32 $0xA, v40;
	v36 =	vor.u32 v23, v43;
	v31 =	vor.u32 v23, v31;
	[tilespmem:v61+s20+$0x0] =	vst.idx.msk $0xffff, v48  }
0x256: {  	v59 =	vshll.u32 v63, $0x3;
	v61 =	vshll.u32 v60, $0x3;
	[tilespmem:v37+s20+$0x0] =	vst.idx.msk $0xffff, v57;
	v47 =	vld.idx.msk [tilespmem:v50+s18+$0x0], $0xffff;
	v50 =	vor.u32 v1, v33  }
0x257: {  	v57 =	vadd.s32 v27, v58;
	v60 =	vor.u32 v7, v16;
	v62 =	vand.u32 $0xFFFFFC00, v61;
	v58 =	vld.idx.msk [tilespmem:v38+s18+$0x0], $0xffff  }
0x258: {  	v37 =	vor.u32 v56, v57;
	v38 =	vand.u32 $0xFFFFFC00, v59;
	v61 =	vadd.s32 $0xB, v40;
	[tilespmem:v29+s20+$0x0] =	vst.idx.msk $0xffff, v45  }
0x259: {  	v40 =	vadd.s32 $0xD, v40;
	v43 =	vor.u32 v23, v37;
	v29 =	vadd.s32 v27, v62;
	v37 =	vld.idx.msk [tilespmem:v52+s18+$0x0], $0xffff  }
0x25a: {  	v62 =	vand.u32 $0x7F, v63;
	v63 =	vshll.u32 v61, $0x3;
	v29 =	vor.u32 v44, v29  }
0x25b: {  	s7 =	simm.s32 $0x3;
	[tilespmem:v50+s20+$0x0] =	vst.idx.msk $0xffff, v47;
	v45 =	vand.u32 $0xFFFFFC00, v63;
	v42 =	vor.u32 v23, v29;
	v29 =	vadd.s32 v27, v38  }
0x25c: {  	s8 =	sadd.s32 $0x10, s10;
	s9 =	sadd.s32 $0x10, s9;
	s14 =	sshll.u32 s13, $0x1;
	[tilespmem:v60+s20+$0x0] =	vst.idx.msk $0xffff, v58;
	v44 =	vand.u32 $0x7F, v61;
	v47 =	vld.idx.msk [tilespmem:v46+s18+$0x0], $0xffff;
	v38 =	vshll.u32 v41, $0x3;
	v46 =	vor.u32 v62, v29  }
.LBB2_10:
0x25d: {  	p2 =	sne.s32 s7, $0xF;
	v45 =	vadd.s32 v27, v45;
	v48 =	vld.idx.msk [tilespmem:v24+s18+$0x0], $0xffff;
	v49 =	vor.u32 v10, v16;
	v50 =	vor.u32 v14, v25;
	s10 =	smov.u32 s7;
	s7 =	sadd.s32 $0x1, s7  }
0x25e: {  	v24 =	vmov v43;
	v29 =	vld [tilespmem:s9+$0x0];
	v25 =	vor.u32 v44, v45;
	v44 =	vor.u32 v8, v16;
	[tilespmem:v19+s20+$0x0] =	vst.idx.msk $0xffff, v37  }
0x25f: {  	v43 =	vor.u32 v14, v21;
	v21 =	vmovc v46;
	v45 =	vand.u32 $0x7F, v18;
	v19 =	vshll.u32 v18, $0x3;
	v18 =	vmovc v40;
	v37 =	vld [tilespmem:s8+$0x0]  }
0x260: {  	v40 =	vand.u32 $0x7F, v20;
	v20 =	vmovc v41;
	v46 =	vand.u32 $0xFFFFFC00, v19;
	v19 =	vor.u32 v13, v16  }
0x261: {  	v51 =	vor.u32 v11, v16;
	v41 =	vor.u32 v3, v33;
	v46 =	vadd.s32 v15, v46  }
0x262: {  	v26 =	vand.u32 $0xFFFFFC00, v26;
	v45 =	vor.u32 v45, v46;
	[tilespmem:v39+s20+$0x0] =	vst.idx.msk $0xffff, v47;
	v39 =	vor.u32 v9, v16  }
0x263: {  	v16 =	vmovc v33;
	v46 =	vshll.u32 v29, $0x3;
	v47 =	vadd.s32 $0x1, v29;
	v52 =	vadd.s32 $0x4, v29;
	v35 =	vld.idx.msk [tilespmem:v35+s18+$0x0], $0xffff;
	[tilespmem:v44+s20+$0x0] =	vst.idx.msk $0xffff, v48  }
0x264: {  	v48 =	vadd.s32 v15, v26;
	v15 =	vmovc v27;
	v33 =	vand.u32 $0xFFFFFC00, v46;
	v44 =	vshll.u32 v47, $0x3;
	v46 =	vld.idx.msk [tilespmem:v22+s18+$0x0], $0xffff;
	v22 =	vmovc v42  }
0x265: {  	v26 =	vmovc v38;
	v42 =	vand.u32 $0x7F, v29;
	v27 =	vshll.u32 v37, $0x8;
	v40 =	vor.u32 v40, v48  }
0x266: {  	v37 =	vshll.u32 v37, $0x7;
	v38 =	vand.u32 $0x7F, v47;
	v44 =	vand.u32 $0xFFFFFC00, v44  }
0x267: {  	v27 =	vand.u32 $0xFFFFF800, v27;
	v37 =	vand.u32 $0x380, v37;
	v40 =	vor.u32 v14, v40  }
0x268: {  	v47 =	vadd.s32 $0x2, v29;
	v33 =	vadd.s32 v27, v33;
	v44 =	vadd.s32 v27, v44  }
0x269: {  	v48 =	vadd.s32 $0x3, v29;
	v33 =	vor.u32 v42, v33;
	v42 =	vshll.u32 v47, $0x3;
	[tilespmem:v41+s20+$0x0] =	vst.idx.msk $0xffff, v35  }
0x26a: {  	v33 =	vor.u32 v37, v33;
	v35 =	vand.u32 $0xFFFFFC00, v42;
	v41 =	vshll.u32 v48, $0x3;
	v34 =	vld.idx.msk [tilespmem:v34+s18+$0x0], $0xffff;
	[tilespmem:v39+s20+$0x0] =	vst.idx.msk $0xffff, v46  }
0x26b: {  	v38 =	vor.u32 v38, v44;
	v42 =	vor.u32 v4, v16;
	v39 =	vand.u32 $0x7F, v47;
	v43 =	vld.idx.msk [tilespmem:v43+s18+$0x0], $0xffff  }
0x26c: {  	v44 =	vshll.u32 v52, $0x3;
	v38 =	vor.u32 v37, v38;
	v41 =	vand.u32 $0xFFFFFC00, v41  }
0x26d: {  	v35 =	vadd.s32 v27, v35;
	v46 =	vand.u32 $0x7F, v48;
	v41 =	vadd.s32 v27, v41  }
0x26e: {  	v35 =	vor.u32 v39, v35;
	v39 =	vand.u32 $0xFFFFFC00, v44;
	v44 =	vadd.s32 $0x5, v29  }
0x26f: {  	v47 =	vor.u32 v37, v35;
	v35 =	vor.u32 v46, v41;
	v41 =	vand.u32 $0x7F, v52  }
0x270: {  	v48 =	vadd.s32 $0x6, v29;
	v46 =	vshll.u32 v44, $0x3;
	v35 =	vor.u32 v37, v35;
	[tilespmem:v42+s20+$0x0] =	vst.idx.msk $0xffff, v34  }
0x271: {  	v45 =	vor.u32 v14, v45;
	v42 =	vand.u32 $0xFFFFFC00, v46;
	v34 =	vshll.u32 v48, $0x3;
	v46 =	vld.idx.msk [tilespmem:v32+s18+$0x0], $0xffff;
	[tilespmem:v49+s20+$0x0] =	vst.idx.msk $0xffff, v43  }
0x272: {  	v14 =	vmovc v23;
	v32 =	vadd.s32 v27, v39;
	v39 =	vand.u32 $0x7F, v44;
	v43 =	vor.u32 v5, v16;
	v44 =	vld.idx.msk [tilespmem:v50+s18+$0x0], $0xffff  }
0x273: {  	v23 =	vmovc v37;
	v32 =	vor.u32 v41, v32;
	v41 =	vand.u32 $0x7F, v48;
	v48 =	vand.u32 $0xFFFFFC00, v34  }
0x274: {  	v37 =	vmov s10;
	v34 =	vor.u32 v23, v32;
	v32 =	vadd.s32 v27, v42  }
0x275: {  	v42 =	vshll.u32 v37, $0x8;
	v37 =	vshll.u32 v37, $0x7;
	v32 =	vor.u32 v39, v32  }
0x276: {  	v39 =	vand.u32 $0x800, v42;
	v37 =	vand.u32 $0x380, v37;
	v32 =	vor.u32 v23, v32  }
0x277: {  	v49 =	vadd.s32 $0x8, v29;
	v42 =	vld.idx.msk [tilespmem:v33+s18+$0x0], $0xffff;
	v33 =	vor.u32 v39, v37;
	v37 =	vadd.s32 $0x7, v29;
	[tilespmem:v43+s20+$0x0] =	vst.idx.msk $0xffff, v46  }
0x278: {  	v43 =	vor.u32 v0, v33;
	v39 =	vor.u32 v2, v33;
	v46 =	vor.u32 v6, v33;
	v50 =	vld.idx.msk [tilespmem:v36+s18+$0x0], $0xffff  }
0x279: {  	v52 =	vshll.u32 v49, $0x3;
	v36 =	vshll.u32 v37, $0x3;
	v53 =	vor.u32 v12, v33;
	[tilespmem:v51+s20+$0x0] =	vst.idx.msk $0xffff, v44  }
0x27a: {  	v36 =	vand.u32 $0xFFFFFC00, v36;
	v44 =	vand.u32 $0x7F, v49;
	v49 =	vand.u32 $0xFFFFFC00, v52;
	v40 =	vld.idx.msk [tilespmem:v40+s18+$0x0], $0xffff  }
0x27b: {  	v48 =	vadd.s32 v27, v48;
	v37 =	vand.u32 $0x7F, v37;
	v36 =	vadd.s32 v27, v36  }
0x27c: {  	v41 =	vor.u32 v41, v48;
	v48 =	vadd.s32 $0x9, v29;
	v37 =	vor.u32 v37, v36  }
0x27d: {  	v36 =	vor.u32 v23, v41;
	v41 =	vshll.u32 v48, $0x3;
	v37 =	vor.u32 v23, v37;
	[tilespmem:v43+s20+$0x0] =	vst.idx.msk $0xffff, v42  }
0x27e: {  	v41 =	vand.u32 $0xFFFFFC00, v41;
	v42 =	vand.u32 $0x7F, v48;
	v48 =	vadd.s32 $0xA, v29;
	v38 =	vld.idx.msk [tilespmem:v38+s18+$0x0], $0xffff;
	[tilespmem:v30+s20+$0x0] =	vst.idx.msk $0xffff, v50;
	v30 =	vmovc v46  }
0x27f: {  	v43 =	vadd.s32 v27, v49;
	v46 =	vor.u32 v1, v33;
	v49 =	vld.idx.msk [tilespmem:v31+s18+$0x0], $0xffff;
	v31 =	vmov v37  }
0x280: {  	v50 =	vor.u32 v7, v16;
	v37 =	vor.u32 v44, v43;
	v44 =	vshll.u32 v48, $0x3;
	[tilespmem:v17+s20+$0x0] =	vst.idx.msk $0xffff, v40  }
.Ltmp3:
0x281: {  	v43 =	vor.u32 v23, v37;
	v40 =	vand.u32 $0xFFFFFC00, v44;
	v44 =	vadd.s32 $0xB, v29;
	v17 =	vmovc v28;
	v28 =	vmovc v53;
	v37 =	vld.idx.msk [tilespmem:v45+s18+$0x0], $0xffff;
	(pc) =	sbr.rel @p2 .LBB2_10-.Ltmp3, $4  }
0x282: {  	v41 =	vadd.s32 v27, v41;
	v48 =	vand.u32 $0x7F, v48;
	v45 =	vshll.u32 v44, $0x3  }
0x283: {  	v42 =	vor.u32 v42, v41;
	v41 =	vadd.s32 $0xC, v29;
	v45 =	vand.u32 $0xFFFFFC00, v45  }
0x284: {  	v42 =	vor.u32 v23, v42;
	v44 =	vand.u32 $0x7F, v44;
	[tilespmem:v46+s20+$0x0] =	vst.idx.msk $0xffff, v38;
	v38 =	vadd.s32 v27, v40  }
0x285: {  	s9 =	sadd.s32 $0x10, s9;
	s8 =	sadd.s32 $0x10, s8;
	v40 =	vadd.s32 $0xD, v29;
	v47 =	vld.idx.msk [tilespmem:v47+s18+$0x0], $0xffff;
	v46 =	vor.u32 v48, v38;
	v38 =	vshll.u32 v41, $0x3;
	[tilespmem:v50+s20+$0x0] =	vst.idx.msk $0xffff, v49  }
0x286: {  	_ =	sdelay $0x3  }
0x287: {  	[tilespmem:v39+s20+$0x0] =	vst.idx.msk $0xffff, v47  }
0x288: {  	v29 =	vor.u32 v3, v33;
	v35 =	vld.idx.msk [tilespmem:v35+s18+$0x0], $0xffff;
	_ =	sdelay $0x4  }
0x289: {  	[tilespmem:v29+s20+$0x0] =	vst.idx.msk $0xffff, v35  }
0x28a: {  	v61 =	vor.u32 v4, v33;
	v29 =	vld.idx.msk [tilespmem:v34+s18+$0x0], $0xffff;
	_ =	sdelay $0x4  }
0x28b: {  	[tilespmem:v61+s20+$0x0] =	vst.idx.msk $0xffff, v29  }
0x28c: {  	v62 =	vor.u32 v5, v33;
	v29 =	vld.idx.msk [tilespmem:v32+s18+$0x0], $0xffff;
	_ =	sdelay $0x4  }
0x28d: {  	[tilespmem:v62+s20+$0x0] =	vst.idx.msk $0xffff, v29  }
0x28e: {  	v29 =	vld.idx.msk [tilespmem:v36+s18+$0x0], $0xffff;
	_ =	sdelay $0x4  }
0x28f: {  	[tilespmem:v30+s20+$0x0] =	vst.idx.msk $0xffff, v29  }
0x290: {  	v30 =	vor.u32 v7, v33;
	v29 =	vld.idx.msk [tilespmem:v31+s18+$0x0], $0xffff;
	_ =	sdelay $0x4  }
0x291: {  	v24 =	vld.idx.msk [tilespmem:v24+s18+$0x0], $0xffff;
	v31 =	vor.u32 v8, v16;
	[tilespmem:v30+s20+$0x0] =	vst.idx.msk $0xffff, v29  }
0x292: {  	v30 =	vor.u32 v8, v33;
	v29 =	vld.idx.msk [tilespmem:v43+s18+$0x0], $0xffff;
	_ =	sdelay $0x3  }
0x293: {  	[tilespmem:v31+s20+$0x0] =	vst.idx.msk $0xffff, v24  }
0x294: {  	v24 =	vor.u32 v9, v16;
	v22 =	vld.idx.msk [tilespmem:v22+s18+$0x0], $0xffff;
	[tilespmem:v30+s20+$0x0] =	vst.idx.msk $0xffff, v29  }
0x295: {  	v21 =	vor.u32 v14, v21;
	v29 =	vor.u32 v9, v33;
	v30 =	vld.idx.msk [tilespmem:v42+s18+$0x0], $0xffff  }
0x296: {  	v31 =	vor.u32 v23, v46;
	_ =	sdelay $0x2  }
0x297: {  	[tilespmem:v24+s20+$0x0] =	vst.idx.msk $0xffff, v22  }
0x298: {  	v22 =	vadd.s32 v27, v45;
	v24 =	vor.u32 v10, v16;
	v21 =	vld.idx.msk [tilespmem:v21+s18+$0x0], $0xffff;
	[tilespmem:v29+s20+$0x0] =	vst.idx.msk $0xffff, v30  }
0x299: {  	v25 =	vor.u32 v14, v25;
	v22 =	vor.u32 v44, v22;
	v29 =	vor.u32 v10, v33;
	v30 =	vld.idx.msk [tilespmem:v31+s18+$0x0], $0xffff  }
0x29a: {  	v22 =	vor.u32 v23, v22  }
0x29b: {  	v26 =	vand.u32 $0xFFFFFC00, v26  }
0x29c: {  	v20 =	vand.u32 $0x7F, v20;
	v26 =	vadd.s32 v15, v26  }
0x29d: {  	v20 =	vor.u32 v20, v26;
	[tilespmem:v24+s20+$0x0] =	vst.idx.msk $0xffff, v21;
	v21 =	vand.u32 $0xFFFFFC00, v38;
	v31 =	vor.u32 v11, v16  }
0x29e: {  	v24 =	vld.idx.msk [tilespmem:v25+s18+$0x0], $0xffff;
	v25 =	vand.u32 $0x7F, v41;
	v21 =	vadd.s32 v27, v21;
	[tilespmem:v29+s20+$0x0] =	vst.idx.msk $0xffff, v30  }
0x29f: {  	v26 =	vor.u32 v11, v33;
	v20 =	vor.u32 v14, v20;
	v21 =	vor.u32 v25, v21;
	v22 =	vld.idx.msk [tilespmem:v22+s18+$0x0], $0xffff  }
0x2a0: {  	v25 =	vshll.u32 v18, $0x3;
	v21 =	vor.u32 v23, v21  }
0x2a1: {  	v25 =	vand.u32 $0xFFFFFC00, v25  }
0x2a2: {  	v18 =	vand.u32 $0x7F, v18;
	v15 =	vadd.s32 v15, v25;
	v25 =	vshll.u32 v40, $0x3  }
0x2a3: {  	v15 =	vor.u32 v18, v15;
	v18 =	vand.u32 $0xFFFFFC00, v25;
	[tilespmem:v31+s20+$0x0] =	vst.idx.msk $0xffff, v24  }
0x2a4: {  	v24 =	vand.u32 $0x7F, v40;
	v18 =	vadd.s32 v27, v18;
	v20 =	vld.idx.msk [tilespmem:v20+s18+$0x0], $0xffff;
	[tilespmem:v26+s20+$0x0] =	vst.idx.msk $0xffff, v22  }
0x2a5: {  	v14 =	vor.u32 v14, v15;
	v15 =	vor.u32 v24, v18;
	v18 =	vld.idx.msk [tilespmem:v21+s18+$0x0], $0xffff  }
0x2a6: {  	v15 =	vor.u32 v23, v15;
	_ =	sdelay $0x2  }
0x2a7: {  	[tilespmem:v17+s20+$0x0] =	vst.idx.msk $0xffff, v20  }
0x2a8: {  	v16 =	vor.u32 v13, v16;
	v14 =	vld.idx.msk [tilespmem:v14+s18+$0x0], $0xffff;
	[tilespmem:v28+s20+$0x0] =	vst.idx.msk $0xffff, v18  }
0x2a9: {  	v17 =	vor.u32 v13, v33;
	v15 =	vld.idx.msk [tilespmem:v15+s18+$0x0], $0xffff;
	_ =	sdelay $0x1  }
0x2aa: {  	s7 =	sshll.u32 s13, $0xD  }
0x2ab: {  	[tilespmem:v19+s20+$0x0] =	vst.idx.msk $0xffff, v37;
	s7 =	sadd.s32 s29, s7  }
0x2ac: {  	s7 =	sshrl.u32 s7, $0x3;
	[tilespmem:v16+s20+$0x0] =	vst.idx.msk $0xffff, v14  }
0x2ad: {  	s7 =	sadd.s32 s2, s7;
	[tilespmem:v17+s20+$0x0] =	vst.idx.msk $0xffff, v15  }
0x2ae: {  	[hbm4b:s7+s3] =	stream.linear.scatter [tilespmem:s20], [sflag:$0x3], $0x1000, $0x38;
	[tilespmem:$0x1FC00] =	vst v63  }
0x2af: {  	s7 =	simm.s32 @!p1 $0x4  }
0x2b0: {  	_ =	swait.ge @!p1 [sflag:s7], $0x1000  }
0x2b1: {  	[sflag:s7] =	ssyncset.done @!p1 $0x0  }
0x2b2: {  	[sflag:s7] =	ssyncadd.s32 @!p1 $0xFFFFF000  }
0x2b3: {  	v14 =	vld [tilespmem:s17+$0x0]  }
0x2b4: {  	v15 =	vld [tilespmem:s15+$0x0];
	_ =	sdelay $0x3  }
0x2b5: {  	v16 =	vshll.u32 v14, $0x3;
	v17 =	vadd.s32 $0x1, v14;
	v18 =	vadd.s32 $0x4, v14  }
0x2b6: {  	v20 =	vand.u32 $0x7F, v14;
	v21 =	vshll.u32 v15, $0x8;
	v15 =	vshll.u32 v15, $0x7  }
0x2b7: {  	v43 =	vadd.s32 $0xA, v14;
	v33 =	vadd.s32 $0xC, v14;
	v35 =	vadd.s32 $0xD, v14  }
0x2b8: {  	v16 =	vand.u32 $0xFFFFFC00, v16;
	v19 =	vshll.u32 v17, $0x3;
	v17 =	vand.u32 $0x7F, v17  }
0x2b9: {  	v23 =	vand.u32 $0xFFFFF800, v21;
	v28 =	vand.u32 $0x380, v15;
	v21 =	vadd.s32 $0x3, v14  }
0x2ba: {  	v22 =	vshll.u32 v18, $0x3;
	v18 =	vand.u32 $0x7F, v18;
	v45 =	vshll.u32 v43, $0x3  }
0x2bb: {  	v32 =	vand.u32 $0x7F, v43;
	v19 =	vand.u32 $0xFFFFFC00, v19;
	v15 =	vadd.s32 v23, v16  }
0x2bc: {  	v16 =	vadd.s32 v23, v19;
	v19 =	vadd.s32 $0x2, v14;
	v15 =	vor.u32 v20, v15  }
0x2bd: {  	v20 =	vshll.u32 v19, $0x3;
	v15 =	vor.u32 v28, v15;
	v16 =	vor.u32 v17, v16  }
0x2be: {  	v17 =	vshll.u32 v21, $0x3;
	v19 =	vand.u32 $0x7F, v19;
	v20 =	vand.u32 $0xFFFFFC00, v20  }
0x2bf: {  	v21 =	vand.u32 $0x7F, v21;
	v17 =	vand.u32 $0xFFFFFC00, v17;
	v20 =	vadd.s32 v23, v20  }
0x2c0: {  	v16 =	vor.u32 v28, v16;
	v17 =	vadd.s32 v23, v17;
	v19 =	vor.u32 v19, v20  }
0x2c1: {  	v20 =	vand.u32 $0xFFFFFC00, v22;
	v22 =	vadd.s32 $0x5, v14;
	v17 =	vor.u32 v21, v17  }
0x2c2: {  	v21 =	vadd.s32 $0x6, v14;
	v24 =	vor.u32 v28, v19;
	v19 =	vshll.u32 v22, $0x3  }
0x2c3: {  	v17 =	vor.u32 v28, v17;
	v25 =	vshll.u32 v21, $0x3;
	v20 =	vadd.s32 v23, v20  }
0x2c4: {  	s9 =	simm.s32 $0x0;
	v22 =	vand.u32 $0x7F, v22;
	v19 =	vand.u32 $0xFFFFFC00, v19;
	v18 =	vor.u32 v18, v20  }
0x2c5: {  	v20 =	vand.u32 $0x7F, v21;
	v21 =	vand.u32 $0xFFFFFC00, v25;
	v25 =	vmov s9  }
0x2c6: {  	v26 =	vor.u32 v28, v18;
	v18 =	vadd.s32 v23, v19;
	v19 =	vshll.u32 v25, $0x8  }
0x2c7: {  	v25 =	vshll.u32 v25, $0x7;
	v21 =	vadd.s32 v23, v21;
	v18 =	vor.u32 v22, v18  }
0x2c8: {  	v19 =	vand.u32 $0x800, v19;
	v22 =	vand.u32 $0x380, v25;
	v20 =	vor.u32 v20, v21  }
0x2c9: {  	v21 =	vadd.s32 $0x9, v14;
	v36 =	vor.u32 v28, v18;
	v27 =	vor.u32 v19, v22  }
0x2ca: {  	v19 =	vadd.s32 $0x7, v14;
	v22 =	vadd.s32 $0x8, v14;
	v20 =	vor.u32 v28, v20  }
0x2cb: {  	v25 =	vor.u32 v0, v27;
	v63 =	vor.u32 v2, v27;
	v18 =	vor.u32 v6, v27  }
0x2cc: {  	v30 =	vshll.u32 v19, $0x3;
	v31 =	vshll.u32 v22, $0x3;
	v29 =	vor.u32 v12, v27  }
0x2cd: {  	v15 =	vld.idx.msk [tilespmem:v15+s18+$0x0], $0xffff;
	v22 =	vand.u32 $0x7F, v22;
	v19 =	vand.u32 $0x7F, v19;
	v30 =	vand.u32 $0xFFFFFC00, v30  }
0x2ce: {  	v44 =	vor.u32 v1, v27;
	v31 =	vand.u32 $0xFFFFFC00, v31;
	v30 =	vadd.s32 v23, v30  }
0x2cf: {  	v57 =	vor.u32 v4, v27;
	v31 =	vadd.s32 v23, v31;
	v19 =	vor.u32 v19, v30  }
0x2d0: {  	v30 =	vshll.u32 v21, $0x3;
	v21 =	vand.u32 $0x7F, v21;
	v22 =	vor.u32 v22, v31  }
0x2d1: {  	s8 =	sadd.s32 $0x10, s17;
	v19 =	vor.u32 v28, v19;
	v30 =	vand.u32 $0xFFFFFC00, v30;
	v31 =	vor.u32 v28, v22  }
0x2d2: {  	v22 =	vadd.s32 $0xB, v14;
	[tilespmem:v25+s21+$0x0] =	vst.idx.msk $0xffff, v15;
	v15 =	vand.u32 $0xFFFFFC00, v45;
	v30 =	vadd.s32 v23, v30;
	v25 =	vld [tilespmem:s8+$0x0]  }
0x2d3: {  	v46 =	vshll.u32 v22, $0x3;
	v22 =	vand.u32 $0x7F, v22;
	v21 =	vor.u32 v21, v30  }
0x2d4: {  	v16 =	vld.idx.msk [tilespmem:v16+s18+$0x0], $0xffff;
	v47 =	vand.u32 $0xFFFFFC00, v46;
	v15 =	vadd.s32 v23, v15;
	v30 =	vor.u32 v28, v21  }
0x2d5: {  	v39 =	vor.u32 v32, v15;
	v15 =	vadd.s32 v23, v47;
	v32 =	vshll.u32 v33, $0x3  }
0x2d6: {  	v33 =	vand.u32 $0x7F, v33;
	v40 =	vor.u32 v22, v15;
	v22 =	vor.u32 v3, v27  }
0x2d7: {  	s10 =	sadd.s32 $0x10, s15;
	v39 =	vor.u32 v28, v39;
	v14 =	vshll.u32 v25, $0x3;
	v15 =	vadd.s32 $0x1, v25  }
0x2d8: {  	v21 =	vld [tilespmem:s10+$0x0];
	v49 =	vand.u32 $0x7F, v25;
	v53 =	vadd.s32 $0x2, v25;
	v55 =	vadd.s32 $0x3, v25  }
0x2d9: {  	v59 =	vadd.s32 $0x5, v25;
	v61 =	vadd.s32 $0x6, v25;
	[tilespmem:v44+s21+$0x0] =	vst.idx.msk $0xffff, v16;
	v16 =	vadd.s32 $0x4, v25  }
0x2da: {  	v48 =	vand.u32 $0xFFFFFC00, v14;
	v14 =	vshll.u32 v15, $0x3;
	v51 =	vand.u32 $0x7F, v15;
	v24 =	vld.idx.msk [tilespmem:v24+s18+$0x0], $0xffff  }
0x2db: {  	v54 =	vshll.u32 v53, $0x3;
	v37 =	vand.u32 $0x7F, v53;
	v43 =	vand.u32 $0x7F, v55  }
0x2dc: {  	v60 =	vshll.u32 v59, $0x3;
	v62 =	vand.u32 $0x7F, v59;
	v53 =	vadd.s32 $0x8, v25  }
0x2dd: {  	v50 =	vshll.u32 v21, $0x8;
	v21 =	vshll.u32 v21, $0x7;
	v52 =	vand.u32 $0xFFFFFC00, v14  }
0x2de: {  	v38 =	vand.u32 $0xFFFFFC00, v54;
	v58 =	vshll.u32 v16, $0x3;
	v16 =	vand.u32 $0x7F, v16  }
0x2df: {  	v15 =	vand.u32 $0xFFFFF800, v50;
	v14 =	vand.u32 $0x380, v21;
	v34 =	vand.u32 $0xFFFFFC00, v58;
	[tilespmem:v63+s21+$0x0] =	vst.idx.msk $0xffff, v24  }
0x2e0: {  	s9 =	simm.s32 $0x1;
	v50 =	vand.u32 $0x7F, v53;
	v58 =	vor.u32 v7, v27;
	v21 =	vadd.s32 v15, v48;
	v17 =	vld.idx.msk [tilespmem:v17+s18+$0x0], $0xffff  }
0x2e1: {  	v41 =	vadd.s32 v15, v52;
	v38 =	vadd.s32 v15, v38;
	v52 =	vmov s9  }
0x2e2: {  	v21 =	vor.u32 v49, v21;
	v56 =	vor.u32 v51, v41;
	v24 =	vshll.u32 v55, $0x3  }
0x2e3: {  	v37 =	vor.u32 v37, v38;
	v49 =	vshll.u32 v53, $0x3;
	v24 =	vand.u32 $0xFFFFFC00, v24  }
0x2e4: {  	v53 =	vor.u32 v11, v27;
	v21 =	vor.u32 v14, v21;
	v24 =	vadd.s32 v15, v24  }
0x2e5: {  	v51 =	vadd.s32 $0xB, v25;
	v42 =	vor.u32 v14, v56;
	v24 =	vor.u32 v43, v24;
	[tilespmem:v22+s21+$0x0] =	vst.idx.msk $0xffff, v17  }
0x2e6: {  	v44 =	vor.u32 v14, v37;
	v37 =	vshll.u32 v52, $0x7;
	v45 =	vor.u32 v14, v24;
	v24 =	vld.idx.msk [tilespmem:v26+s18+$0x0], $0xffff  }
0x2e7: {  	v49 =	vand.u32 $0xFFFFFC00, v49;
	v63 =	vor.u32 v5, v27;
	v37 =	vand.u32 $0x380, v37  }
0x2e8: {  	v17 =	vand.u32 $0xFFFFFC00, v60;
	v22 =	vshll.u32 v61, $0x3;
	v26 =	vadd.s32 v15, v34  }
0x2e9: {  	v60 =	vand.u32 $0x7F, v51;
	v22 =	vand.u32 $0xFFFFFC00, v22;
	v16 =	vor.u32 v16, v26  }
0x2ea: {  	v43 =	vor.u32 v14, v16;
	v16 =	vadd.s32 v15, v17;
	v17 =	vshll.u32 v52, $0x8  }
0x2eb: {  	v26 =	vand.u32 $0x7F, v61;
	v16 =	vor.u32 v62, v16;
	v17 =	vand.u32 $0x800, v17;
	[tilespmem:v57+s21+$0x0] =	vst.idx.msk $0xffff, v24  }
0x2ec: {  	v22 =	vadd.s32 v15, v22;
	v34 =	vor.u32 v14, v16;
	v16 =	vor.u32 v17, v37;
	v48 =	vld.idx.msk [tilespmem:v36+s18+$0x0], $0xffff  }
0x2ed: {  	v22 =	vor.u32 v26, v22;
	v24 =	vadd.s32 $0x7, v25;
	v54 =	vor.u32 v0, v16  }
0x2ee: {  	v21 =	vld.idx.msk [tilespmem:v21+s18+$0x0], $0xffff;
	v47 =	vor.u32 v2, v16;
	v37 =	vor.u32 v6, v16;
	v55 =	vshll.u32 v24, $0x3  }
0x2ef: {  	v17 =	vor.u32 v12, v16;
	v56 =	vor.u32 v1, v16;
	v36 =	vand.u32 $0xFFFFFC00, v55  }
0x2f0: {  	v52 =	vor.u32 v3, v16;
	v24 =	vand.u32 $0x7F, v24;
	v36 =	vadd.s32 v15, v36  }
0x2f1: {  	v26 =	vadd.s32 $0x9, v25;
	v24 =	vor.u32 v24, v36;
	v36 =	vor.u32 v14, v22;
	[tilespmem:v63+s21+$0x0] =	vst.idx.msk $0xffff, v48  }
0x2f2: {  	v22 =	vshll.u32 v26, $0x3;
	v26 =	vand.u32 $0x7F, v26;
	v38 =	vor.u32 v14, v24;
	v46 =	vld.idx.msk [tilespmem:v20+s18+$0x0], $0xffff  }
0x2f3: {  	s9 =	sadd.s32 $0x10, s8;
	s8 =	sadd.s32 $0x10, s10;
	v22 =	vand.u32 $0xFFFFFC00, v22;
	v24 =	vadd.s32 v15, v49;
	[tilespmem:v54+s21+$0x0] =	vst.idx.msk $0xffff, v21;
	v54 =	vor.u32 v9, v27  }
0x2f4: {  	v24 =	vor.u32 v50, v24;
	v22 =	vadd.s32 v15, v22;
	v63 =	vld [tilespmem:s8+$0x0];
	v20 =	vadd.s32 $0xA, v25  }
0x2f5: {  	v41 =	vld.idx.msk [tilespmem:v42+s18+$0x0], $0xffff;
	v42 =	vor.u32 v10, v27;
	v22 =	vor.u32 v26, v22;
	v57 =	vshll.u32 v20, $0x3  }
0x2f6: {  	v21 =	vand.u32 $0x7F, v20;
	v20 =	vshll.u32 v51, $0x3;
	v51 =	vor.u32 v28, v40;
	v40 =	vld [tilespmem:s9+$0x0]  }
0x2f7: {  	v24 =	vor.u32 v14, v24;
	v22 =	vor.u32 v14, v22;
	v49 =	vand.u32 $0xFFFFFC00, v57;
	[tilespmem:v18+s21+$0x0] =	vst.idx.msk $0xffff, v46  }
0x2f8: {  	v59 =	vand.u32 $0xFFFFFC00, v20;
	v20 =	vadd.s32 $0xC, v25;
	v26 =	vadd.s32 v15, v49;
	v61 =	vld.idx.msk [tilespmem:v19+s18+$0x0], $0xffff  }
0x2f9: {  	v21 =	vor.u32 v21, v26;
	v26 =	vshll.u32 v20, $0x3;
	v48 =	vshll.u32 v63, $0x7  }
0x2fa: {  	v18 =	vadd.s32 $0xD, v25;
	v46 =	vor.u32 v8, v27;
	v19 =	vadd.s32 v15, v59  }
0x2fb: {  	[tilespmem:v56+s21+$0x0] =	vst.idx.msk $0xffff, v41;
	v56 =	vshll.u32 v40, $0x3;
	v57 =	vadd.s32 $0x1, v40;
	v49 =	vadd.s32 $0x4, v40  }
0x2fc: {  	v44 =	vld.idx.msk [tilespmem:v44+s18+$0x0], $0xffff;
	v25 =	vor.u32 v60, v19;
	v19 =	vshll.u32 v35, $0x3;
	v35 =	vand.u32 $0x7F, v35  }
0x2fd: {  	v62 =	vand.u32 $0xFFFFFC00, v19;
	v19 =	vor.u32 v13, v27;
	v27 =	vand.u32 $0xFFFFFC00, v32;
	[tilespmem:v58+s21+$0x0] =	vst.idx.msk $0xffff, v61  }
0x2fe: {  	v41 =	vadd.s32 v23, v62;
	v23 =	vadd.s32 v23, v27;
	v27 =	vshll.u32 v57, $0x3;
	v31 =	vld.idx.msk [tilespmem:v31+s18+$0x0], $0xffff  }
0x2ff: {  	v32 =	vor.u32 v35, v41;
	v35 =	vand.u32 $0xFFFFFC00, v56;
	v33 =	vor.u32 v33, v23  }
0x300: {  	v23 =	vshll.u32 v63, $0x8;
	v41 =	vand.u32 $0x7F, v57;
	v59 =	vand.u32 $0xFFFFFC00, v27  }
0x301: {  	[tilespmem:v47+s21+$0x0] =	vst.idx.msk $0xffff, v44;
	v63 =	vadd.s32 $0x3, v40;
	v57 =	vor.u32 v4, v16;
	v58 =	vand.u32 $0x7F, v40  }
0x302: {  	v27 =	vand.u32 $0xFFFFF800, v23;
	v23 =	vand.u32 $0x380, v48;
	v45 =	vld.idx.msk [tilespmem:v45+s18+$0x0], $0xffff;
	v61 =	vadd.s32 $0x2, v40  }
0x303: {  	v47 =	vor.u32 v28, v33;
	v60 =	vadd.s32 v27, v35;
	v62 =	vshll.u32 v61, $0x3;
	[tilespmem:v46+s21+$0x0] =	vst.idx.msk $0xffff, v31  }
0x304: {  	v35 =	vand.u32 $0x7F, v61;
	v33 =	vor.u32 v58, v60;
	v55 =	vand.u32 $0xFFFFFC00, v62;
	v30 =	vld.idx.msk [tilespmem:v30+s18+$0x0], $0xffff  }
0x305: {  	v58 =	vshll.u32 v49, $0x3;
	v48 =	vor.u32 v23, v33;
	v33 =	vadd.s32 v27, v55  }
0x306: {  	v56 =	vshll.u32 v63, $0x3;
	v44 =	vand.u32 $0xFFFFFC00, v58;
	v33 =	vor.u32 v35, v33  }
0x307: {  	v61 =	vand.u32 $0x7F, v49;
	[tilespmem:v52+s21+$0x0] =	vst.idx.msk $0xffff, v45;
	v52 =	vor.u32 v28, v32;
	v28 =	vadd.s32 v27, v44  }
0x308: {  	v31 =	vadd.s32 v27, v59;
	v59 =	vand.u32 $0x7F, v63;
	v43 =	vld.idx.msk [tilespmem:v43+s18+$0x0], $0xffff;
	v46 =	vor.u32 v23, v33  }
0x309: {  	v63 =	vadd.s32 $0x6, v40;
	v28 =	vor.u32 v61, v28;
	v31 =	vor.u32 v41, v31;
	[tilespmem:v54+s21+$0x0] =	vst.idx.msk $0xffff, v30  }
0x30a: {  	v50 =	vor.u32 v23, v31;
	v31 =	vand.u32 $0xFFFFFC00, v56;
	v56 =	vshll.u32 v63, $0x3;
	v60 =	vld.idx.msk [tilespmem:v39+s18+$0x0], $0xffff  }
0x30b: {  	s10 =	simm.s32 $0x2;
	v41 =	vadd.s32 $0xC, v40;
	v31 =	vadd.s32 v27, v31;
	v45 =	vand.u32 $0xFFFFFC00, v56  }
0x30c: {  	v31 =	vor.u32 v59, v31;
	v59 =	vmov s10;
	v30 =	vadd.s32 $0x5, v40  }
0x30d: {  	v35 =	vor.u32 v23, v31;
	[tilespmem:v57+s21+$0x0] =	vst.idx.msk $0xffff, v43;
	v57 =	vor.u32 v5, v16;
	v62 =	vshll.u32 v30, $0x3  }
0x30e: {  	v43 =	vand.u32 $0x7F, v63;
	v32 =	vshll.u32 v59, $0x7;
	v58 =	vld.idx.msk [tilespmem:v34+s18+$0x0], $0xffff;
	v31 =	vand.u32 $0xFFFFFC00, v62  }
0x30f: {  	v34 =	vor.u32 v23, v28;
	v30 =	vand.u32 $0x7F, v30;
	v28 =	vadd.s32 v27, v31;
	[tilespmem:v42+s21+$0x0] =	vst.idx.msk $0xffff, v60  }
0x310: {  	v31 =	vshll.u32 v59, $0x8;
	v59 =	vadd.s32 v27, v45;
	v28 =	vor.u32 v30, v28;
	v42 =	vld.idx.msk [tilespmem:v51+s18+$0x0], $0xffff  }
0x311: {  	v30 =	vand.u32 $0x800, v31;
	v31 =	vand.u32 $0x380, v32;
	v43 =	vor.u32 v43, v59  }
0x312: {  	v48 =	vld.idx.msk [tilespmem:v48+s18+$0x0], $0xffff;
	v32 =	vor.u32 v23, v28;
	v33 =	vor.u32 v30, v31;
	v31 =	vadd.s32 $0x7, v40  }
0x313: {  	[tilespmem:v57+s21+$0x0] =	vst.idx.msk $0xffff, v58;
	v60 =	vadd.s32 $0x8, v40;
	v61 =	vor.u32 v0, v33;
	v39 =	vor.u32 v2, v33  }
0x314: {  	v30 =	vor.u32 v6, v33;
	v62 =	vshll.u32 v31, $0x3;
	v57 =	vld.idx.msk [tilespmem:v36+s18+$0x0], $0xffff;
	v28 =	vor.u32 v12, v33  }
0x315: {  	v31 =	vand.u32 $0x7F, v31;
	v63 =	vshll.u32 v60, $0x3;
	v55 =	vand.u32 $0xFFFFFC00, v62;
	[tilespmem:v53+s21+$0x0] =	vst.idx.msk $0xffff, v42  }
0x316: {  	v56 =	vand.u32 $0x7F, v60;
	v60 =	vadd.s32 $0x9, v40;
	v36 =	vadd.s32 v27, v55;
	v45 =	vld.idx.msk [tilespmem:v47+s18+$0x0], $0xffff  }
0x317: {  	v58 =	vand.u32 $0xFFFFFC00, v63;
	v44 =	vand.u32 $0x7F, v60;
	v31 =	vor.u32 v31, v36  }
0x318: {  	v63 =	vadd.s32 $0xA, v40;
	v36 =	vor.u32 v23, v43;
	v31 =	vor.u32 v23, v31;
	[tilespmem:v61+s21+$0x0] =	vst.idx.msk $0xffff, v48  }
0x319: {  	v59 =	vshll.u32 v63, $0x3;
	v61 =	vshll.u32 v60, $0x3;
	[tilespmem:v37+s21+$0x0] =	vst.idx.msk $0xffff, v57;
	v47 =	vld.idx.msk [tilespmem:v50+s18+$0x0], $0xffff;
	v50 =	vor.u32 v1, v33  }
0x31a: {  	v57 =	vadd.s32 v27, v58;
	v60 =	vor.u32 v7, v16;
	v62 =	vand.u32 $0xFFFFFC00, v61;
	v58 =	vld.idx.msk [tilespmem:v38+s18+$0x0], $0xffff  }
0x31b: {  	v37 =	vor.u32 v56, v57;
	v38 =	vand.u32 $0xFFFFFC00, v59;
	v61 =	vadd.s32 $0xB, v40;
	[tilespmem:v29+s21+$0x0] =	vst.idx.msk $0xffff, v45  }
0x31c: {  	v40 =	vadd.s32 $0xD, v40;
	v43 =	vor.u32 v23, v37;
	v29 =	vadd.s32 v27, v62;
	v37 =	vld.idx.msk [tilespmem:v52+s18+$0x0], $0xffff  }
0x31d: {  	v62 =	vand.u32 $0x7F, v63;
	v63 =	vshll.u32 v61, $0x3;
	v29 =	vor.u32 v44, v29  }
0x31e: {  	s14 =	sor.u32 $0x1, s14;
	[tilespmem:v50+s21+$0x0] =	vst.idx.msk $0xffff, v47;
	v45 =	vand.u32 $0xFFFFFC00, v63;
	v42 =	vor.u32 v23, v29;
	v29 =	vadd.s32 v27, v38  }
0x31f: {  	s7 =	simm.s32 $0x3;
	s8 =	sadd.s32 $0x10, s8;
	s9 =	sadd.s32 $0x10, s9;
	[tilespmem:v60+s21+$0x0] =	vst.idx.msk $0xffff, v58;
	v44 =	vand.u32 $0x7F, v61;
	v47 =	vld.idx.msk [tilespmem:v46+s18+$0x0], $0xffff;
	v38 =	vshll.u32 v41, $0x3;
	v46 =	vor.u32 v62, v29  }
.LBB2_12:
0x320: {  	p1 =	sne.s32 s7, $0xF;
	v45 =	vadd.s32 v27, v45;
	v48 =	vld.idx.msk [tilespmem:v24+s18+$0x0], $0xffff;
	v49 =	vor.u32 v10, v16;
	v50 =	vor.u32 v14, v25;
	s10 =	smov.u32 s7;
	s7 =	sadd.s32 $0x1, s7  }
0x321: {  	v24 =	vmov v43;
	v29 =	vld [tilespmem:s9+$0x0];
	v25 =	vor.u32 v44, v45;
	v44 =	vor.u32 v8, v16;
	[tilespmem:v19+s21+$0x0] =	vst.idx.msk $0xffff, v37  }
0x322: {  	v43 =	vor.u32 v14, v21;
	v21 =	vmovc v46;
	v45 =	vand.u32 $0x7F, v18;
	v19 =	vshll.u32 v18, $0x3;
	v18 =	vmovc v40;
	v37 =	vld [tilespmem:s8+$0x0]  }
0x323: {  	v40 =	vand.u32 $0x7F, v20;
	v20 =	vmovc v41;
	v46 =	vand.u32 $0xFFFFFC00, v19;
	v19 =	vor.u32 v13, v16  }
0x324: {  	v51 =	vor.u32 v11, v16;
	v41 =	vor.u32 v3, v33;
	v46 =	vadd.s32 v15, v46  }
0x325: {  	v26 =	vand.u32 $0xFFFFFC00, v26;
	v45 =	vor.u32 v45, v46;
	[tilespmem:v39+s21+$0x0] =	vst.idx.msk $0xffff, v47;
	v39 =	vor.u32 v9, v16  }
0x326: {  	v16 =	vmovc v33;
	v46 =	vshll.u32 v29, $0x3;
	v47 =	vadd.s32 $0x1, v29;
	v52 =	vadd.s32 $0x4, v29;
	v35 =	vld.idx.msk [tilespmem:v35+s18+$0x0], $0xffff;
	[tilespmem:v44+s21+$0x0] =	vst.idx.msk $0xffff, v48  }
0x327: {  	v48 =	vadd.s32 v15, v26;
	v15 =	vmovc v27;
	v33 =	vand.u32 $0xFFFFFC00, v46;
	v44 =	vshll.u32 v47, $0x3;
	v46 =	vld.idx.msk [tilespmem:v22+s18+$0x0], $0xffff;
	v22 =	vmovc v42  }
0x328: {  	v26 =	vmovc v38;
	v42 =	vand.u32 $0x7F, v29;
	v27 =	vshll.u32 v37, $0x8;
	v40 =	vor.u32 v40, v48  }
0x329: {  	v37 =	vshll.u32 v37, $0x7;
	v38 =	vand.u32 $0x7F, v47;
	v44 =	vand.u32 $0xFFFFFC00, v44  }
0x32a: {  	v27 =	vand.u32 $0xFFFFF800, v27;
	v37 =	vand.u32 $0x380, v37;
	v40 =	vor.u32 v14, v40  }
0x32b: {  	v47 =	vadd.s32 $0x2, v29;
	v33 =	vadd.s32 v27, v33;
	v44 =	vadd.s32 v27, v44  }
0x32c: {  	v48 =	vadd.s32 $0x3, v29;
	v33 =	vor.u32 v42, v33;
	v42 =	vshll.u32 v47, $0x3;
	[tilespmem:v41+s21+$0x0] =	vst.idx.msk $0xffff, v35  }
0x32d: {  	v33 =	vor.u32 v37, v33;
	v35 =	vand.u32 $0xFFFFFC00, v42;
	v41 =	vshll.u32 v48, $0x3;
	v34 =	vld.idx.msk [tilespmem:v34+s18+$0x0], $0xffff;
	[tilespmem:v39+s21+$0x0] =	vst.idx.msk $0xffff, v46  }
0x32e: {  	v38 =	vor.u32 v38, v44;
	v42 =	vor.u32 v4, v16;
	v39 =	vand.u32 $0x7F, v47;
	v43 =	vld.idx.msk [tilespmem:v43+s18+$0x0], $0xffff  }
0x32f: {  	v44 =	vshll.u32 v52, $0x3;
	v38 =	vor.u32 v37, v38;
	v41 =	vand.u32 $0xFFFFFC00, v41  }
0x330: {  	v35 =	vadd.s32 v27, v35;
	v46 =	vand.u32 $0x7F, v48;
	v41 =	vadd.s32 v27, v41  }
0x331: {  	v35 =	vor.u32 v39, v35;
	v39 =	vand.u32 $0xFFFFFC00, v44;
	v44 =	vadd.s32 $0x5, v29  }
0x332: {  	v47 =	vor.u32 v37, v35;
	v35 =	vor.u32 v46, v41;
	v41 =	vand.u32 $0x7F, v52  }
0x333: {  	v48 =	vadd.s32 $0x6, v29;
	v46 =	vshll.u32 v44, $0x3;
	v35 =	vor.u32 v37, v35;
	[tilespmem:v42+s21+$0x0] =	vst.idx.msk $0xffff, v34  }
0x334: {  	v45 =	vor.u32 v14, v45;
	v42 =	vand.u32 $0xFFFFFC00, v46;
	v34 =	vshll.u32 v48, $0x3;
	v46 =	vld.idx.msk [tilespmem:v32+s18+$0x0], $0xffff;
	[tilespmem:v49+s21+$0x0] =	vst.idx.msk $0xffff, v43  }
0x335: {  	v14 =	vmovc v23;
	v32 =	vadd.s32 v27, v39;
	v39 =	vand.u32 $0x7F, v44;
	v43 =	vor.u32 v5, v16;
	v44 =	vld.idx.msk [tilespmem:v50+s18+$0x0], $0xffff  }
0x336: {  	v23 =	vmovc v37;
	v32 =	vor.u32 v41, v32;
	v41 =	vand.u32 $0x7F, v48;
	v48 =	vand.u32 $0xFFFFFC00, v34  }
0x337: {  	v37 =	vmov s10;
	v34 =	vor.u32 v23, v32;
	v32 =	vadd.s32 v27, v42  }
0x338: {  	v42 =	vshll.u32 v37, $0x8;
	v37 =	vshll.u32 v37, $0x7;
	v32 =	vor.u32 v39, v32  }
0x339: {  	v39 =	vand.u32 $0x800, v42;
	v37 =	vand.u32 $0x380, v37;
	v32 =	vor.u32 v23, v32  }
0x33a: {  	v49 =	vadd.s32 $0x8, v29;
	v42 =	vld.idx.msk [tilespmem:v33+s18+$0x0], $0xffff;
	v33 =	vor.u32 v39, v37;
	v37 =	vadd.s32 $0x7, v29;
	[tilespmem:v43+s21+$0x0] =	vst.idx.msk $0xffff, v46  }
0x33b: {  	v43 =	vor.u32 v0, v33;
	v39 =	vor.u32 v2, v33;
	v46 =	vor.u32 v6, v33;
	v50 =	vld.idx.msk [tilespmem:v36+s18+$0x0], $0xffff  }
0x33c: {  	v52 =	vshll.u32 v49, $0x3;
	v36 =	vshll.u32 v37, $0x3;
	v53 =	vor.u32 v12, v33;
	[tilespmem:v51+s21+$0x0] =	vst.idx.msk $0xffff, v44  }
0x33d: {  	v36 =	vand.u32 $0xFFFFFC00, v36;
	v44 =	vand.u32 $0x7F, v49;
	v49 =	vand.u32 $0xFFFFFC00, v52;
	v40 =	vld.idx.msk [tilespmem:v40+s18+$0x0], $0xffff  }
0x33e: {  	v48 =	vadd.s32 v27, v48;
	v37 =	vand.u32 $0x7F, v37;
	v36 =	vadd.s32 v27, v36  }
0x33f: {  	v41 =	vor.u32 v41, v48;
	v48 =	vadd.s32 $0x9, v29;
	v37 =	vor.u32 v37, v36  }
0x340: {  	v36 =	vor.u32 v23, v41;
	v41 =	vshll.u32 v48, $0x3;
	v37 =	vor.u32 v23, v37;
	[tilespmem:v43+s21+$0x0] =	vst.idx.msk $0xffff, v42  }
0x341: {  	v41 =	vand.u32 $0xFFFFFC00, v41;
	v42 =	vand.u32 $0x7F, v48;
	v48 =	vadd.s32 $0xA, v29;
	v38 =	vld.idx.msk [tilespmem:v38+s18+$0x0], $0xffff;
	[tilespmem:v30+s21+$0x0] =	vst.idx.msk $0xffff, v50;
	v30 =	vmovc v46  }
0x342: {  	v43 =	vadd.s32 v27, v49;
	v46 =	vor.u32 v1, v33;
	v49 =	vld.idx.msk [tilespmem:v31+s18+$0x0], $0xffff;
	v31 =	vmov v37  }
0x343: {  	v50 =	vor.u32 v7, v16;
	v37 =	vor.u32 v44, v43;
	v44 =	vshll.u32 v48, $0x3;
	[tilespmem:v17+s21+$0x0] =	vst.idx.msk $0xffff, v40  }
.Ltmp4:
0x344: {  	v43 =	vor.u32 v23, v37;
	v40 =	vand.u32 $0xFFFFFC00, v44;
	v44 =	vadd.s32 $0xB, v29;
	v17 =	vmovc v28;
	v28 =	vmovc v53;
	v37 =	vld.idx.msk [tilespmem:v45+s18+$0x0], $0xffff;
	(pc) =	sbr.rel @p1 .LBB2_12-.Ltmp4, $4  }
0x345: {  	v41 =	vadd.s32 v27, v41;
	v48 =	vand.u32 $0x7F, v48;
	v45 =	vshll.u32 v44, $0x3  }
0x346: {  	v42 =	vor.u32 v42, v41;
	v41 =	vadd.s32 $0xC, v29;
	v45 =	vand.u32 $0xFFFFFC00, v45  }
0x347: {  	v42 =	vor.u32 v23, v42;
	v44 =	vand.u32 $0x7F, v44;
	[tilespmem:v46+s21+$0x0] =	vst.idx.msk $0xffff, v38;
	v38 =	vadd.s32 v27, v40  }
0x348: {  	s9 =	sadd.s32 $0x10, s9;
	s8 =	sadd.s32 $0x10, s8;
	v40 =	vadd.s32 $0xD, v29;
	v47 =	vld.idx.msk [tilespmem:v47+s18+$0x0], $0xffff;
	v46 =	vor.u32 v48, v38;
	v38 =	vshll.u32 v41, $0x3;
	[tilespmem:v50+s21+$0x0] =	vst.idx.msk $0xffff, v49  }
0x349: {  	_ =	sdelay $0x3  }
0x34a: {  	[tilespmem:v39+s21+$0x0] =	vst.idx.msk $0xffff, v47  }
0x34b: {  	v29 =	vor.u32 v3, v33;
	v35 =	vld.idx.msk [tilespmem:v35+s18+$0x0], $0xffff;
	_ =	sdelay $0x4  }
0x34c: {  	[tilespmem:v29+s21+$0x0] =	vst.idx.msk $0xffff, v35  }
0x34d: {  	v62 =	vor.u32 v4, v33;
	v29 =	vld.idx.msk [tilespmem:v34+s18+$0x0], $0xffff;
	_ =	sdelay $0x4  }
0x34e: {  	[tilespmem:v62+s21+$0x0] =	vst.idx.msk $0xffff, v29  }
0x34f: {  	v63 =	vor.u32 v5, v33;
	v29 =	vld.idx.msk [tilespmem:v32+s18+$0x0], $0xffff;
	_ =	sdelay $0x4  }
0x350: {  	[tilespmem:v63+s21+$0x0] =	vst.idx.msk $0xffff, v29  }
0x351: {  	v29 =	vld.idx.msk [tilespmem:v36+s18+$0x0], $0xffff;
	_ =	sdelay $0x4  }
0x352: {  	[tilespmem:v30+s21+$0x0] =	vst.idx.msk $0xffff, v29  }
0x353: {  	v35 =	vor.u32 v7, v33;
	v29 =	vld.idx.msk [tilespmem:v31+s18+$0x0], $0xffff;
	_ =	sdelay $0x4  }
0x354: {  	v24 =	vld.idx.msk [tilespmem:v24+s18+$0x0], $0xffff;
	v36 =	vor.u32 v8, v16;
	[tilespmem:v35+s21+$0x0] =	vst.idx.msk $0xffff, v29  }
0x355: {  	v39 =	vor.u32 v8, v33;
	v29 =	vld.idx.msk [tilespmem:v43+s18+$0x0], $0xffff;
	_ =	sdelay $0x3  }
0x356: {  	[tilespmem:v36+s21+$0x0] =	vst.idx.msk $0xffff, v24  }
0x357: {  	v22 =	vld.idx.msk [tilespmem:v22+s18+$0x0], $0xffff;
	v43 =	vor.u32 v9, v16;
	[tilespmem:v39+s21+$0x0] =	vst.idx.msk $0xffff, v29  }
0x358: {  	v21 =	vor.u32 v14, v21;
	v47 =	vor.u32 v9, v33;
	v30 =	vld.idx.msk [tilespmem:v42+s18+$0x0], $0xffff  }
0x359: {  	v48 =	vor.u32 v23, v46;
	_ =	sdelay $0x2  }
0x35a: {  	[tilespmem:v43+s21+$0x0] =	vst.idx.msk $0xffff, v22  }
0x35b: {  	v49 =	vadd.s32 v27, v45;
	v50 =	vor.u32 v10, v16;
	v21 =	vld.idx.msk [tilespmem:v21+s18+$0x0], $0xffff;
	[tilespmem:v47+s21+$0x0] =	vst.idx.msk $0xffff, v30  }
0x35c: {  	v25 =	vor.u32 v14, v25;
	v51 =	vor.u32 v10, v33;
	v22 =	vor.u32 v44, v49;
	v30 =	vld.idx.msk [tilespmem:v48+s18+$0x0], $0xffff  }
0x35d: {  	v22 =	vor.u32 v23, v22;
	_ =	sdelay $0x1  }
0x35e: {  	v26 =	vand.u32 $0xFFFFFC00, v26;
	v20 =	vand.u32 $0x7F, v20;
	v52 =	vor.u32 v11, v16  }
0x35f: {  	v53 =	vand.u32 $0xFFFFFC00, v38;
	v54 =	vand.u32 $0x7F, v41;
	v26 =	vadd.s32 v15, v26;
	[tilespmem:v50+s21+$0x0] =	vst.idx.msk $0xffff, v21  }
0x360: {  	v20 =	vor.u32 v20, v26;
	v21 =	vadd.s32 v27, v53;
	v24 =	vld.idx.msk [tilespmem:v25+s18+$0x0], $0xffff;
	[tilespmem:v51+s21+$0x0] =	vst.idx.msk $0xffff, v30  }
0x361: {  	v55 =	vor.u32 v11, v33;
	v20 =	vor.u32 v14, v20;
	v21 =	vor.u32 v54, v21;
	v22 =	vld.idx.msk [tilespmem:v22+s18+$0x0], $0xffff  }
0x362: {  	v21 =	vor.u32 v23, v21  }
0x363: {  	v56 =	vshll.u32 v18, $0x3  }
0x364: {  	v57 =	vand.u32 $0x7F, v18;
	v58 =	vshll.u32 v40, $0x3;
	v25 =	vand.u32 $0xFFFFFC00, v56  }
0x365: {  	v60 =	vand.u32 $0x7F, v40;
	v59 =	vand.u32 $0xFFFFFC00, v58;
	v15 =	vadd.s32 v15, v25;
	[tilespmem:v52+s21+$0x0] =	vst.idx.msk $0xffff, v24  }
0x366: {  	v18 =	vadd.s32 v27, v59;
	v15 =	vor.u32 v57, v15;
	v20 =	vld.idx.msk [tilespmem:v20+s18+$0x0], $0xffff;
	[tilespmem:v55+s21+$0x0] =	vst.idx.msk $0xffff, v22  }
0x367: {  	v14 =	vor.u32 v14, v15;
	v15 =	vor.u32 v60, v18;
	v61 =	vld.idx.msk [tilespmem:v21+s18+$0x0], $0xffff  }
0x368: {  	v15 =	vor.u32 v23, v15;
	_ =	sdelay $0x2  }
0x369: {  	[tilespmem:v17+s21+$0x0] =	vst.idx.msk $0xffff, v20  }
0x36a: {  	v62 =	vor.u32 v13, v16;
	v14 =	vld.idx.msk [tilespmem:v14+s18+$0x0], $0xffff;
	[tilespmem:v28+s21+$0x0] =	vst.idx.msk $0xffff, v61  }
0x36b: {  	s13 =	sadd.s32 $0x1, s13;
	v63 =	vor.u32 v13, v33;
	v15 =	vld.idx.msk [tilespmem:v15+s18+$0x0], $0xffff  }
0x36c: {  	p1 =	sne.s32 s13, $0x7  }
.Ltmp5:
0x36d: {  	s7 =	sshll.u32 s14, $0xC;
	(pc) =	sbr.rel @p1 .LBB2_9-.Ltmp5, $4  }
0x36e: {  	[tilespmem:v19+s21+$0x0] =	vst.idx.msk $0xffff, v37;
	s7 =	sadd.s32 s29, s7  }
0x36f: {  	s4 =	sadd.s32 $0x200, s4;
	s0 =	sadd.s32 $0x200, s0;
	s7 =	sshrl.u32 s7, $0x3;
	[tilespmem:v62+s21+$0x0] =	vst.idx.msk $0xffff, v14  }
0x370: {  	s15 =	sadd.s32 $0x200, s15;
	s17 =	sadd.s32 $0x200, s17;
	s7 =	sadd.s32 s2, s7;
	[tilespmem:v63+s21+$0x0] =	vst.idx.msk $0xffff, v15  }
0x371: {  	[hbm4b:s7+s3] =	stream.linear.scatter [tilespmem:s21], [sflag:$0x4], $0x1000, $0x38;
	[tilespmem:$0x1FC00] =	vst v63  }
0x372: {  	s0 =	sadd.s32 @!p0 s28, s11  }
0x373: {  	s0 =	sshrl.u32 @!p0 s0, $0x3  }
0x374: {  	s4 =	simm.s32 @!p0 $0x0;
	s7 =	simm.s32 @!p0 $0xE000;
	s0 =	sadd.s32 @!p0 s1, s0  }
0x375: {  	[tilespmem:s7], [sflag:$0x2] =	stream.linear.gather @!p0 [hbm4b:s0+s4], $0xE000, $0x38;
	[tilespmem:$0x1FC00] =	vst v63  }
0x376: {  	p0 =	sne.s32 s26, $0x18;
	_ =	swait.ge [sflag:s22], $0x1000  }
.Ltmp6:
0x377: {  	[sflag:s22] =	ssyncset.done $0x0;
	(pc) =	sbr.rel @p0 .LBB2_2-.Ltmp6, $4  }
0x378: {  	[sflag:s22] =	ssyncadd.s32 $0xFFFFF000  }
0x379: {  	_ =	swait.ge [sflag:s23], $0x1000  }
0x37a: {  	[sflag:s23] =	ssyncset.done $0x0  }
0x37b: {  	[sflag:s23] =	ssyncadd.s32 $0xFFFFF000  }
0x37c: {  	s25 =	sadd.s32 $0x1, s25  }
0x37d: {  	p0 =	sne.s32 s25, s12  }
.Ltmp7:
0x37e: {  	_ = 	snop;
	(pc) =	sbr.rel @p0 .LBB2_1-.Ltmp7, $1  }
0x37f: {  	_ =	sdelay $0x3  }
0x380: {  	_ =	sfence.sel $0x180000  }
0x381: {  	[bflag:$0x0] =	sbarrier.arrive $0xFFFF  }
0x382: {  	_ =	strace $0x90000047  }
0x383: {  	s0 =	stileid.u32;
	[bflag:$0x2] =	sbarrier.arrive $0xFFFF  }
0x384: {  	p0 =	sne.s32 s0, $0x0;
	s0 =	rddreg [dreg:$0x3]  }
0x385: {  	s0 =	sadd.s32 @!p0 $0x100000, s0  }
0x386: {  	[sflag:s0] =	ssyncadd.tile.s32 @!p0 $0x1;
	_ =	shalt  }
.Lfunc_end2:
_tile_overlayer_lowered:
.L_overlay_start_2:
0x387: {  	(tag) =	ssettag $0x2  }
0x388: {  	s0 =	rddreg [dreg:$0x0];
	s2 =	stileid.u32  }
0x389: {  	s1 =	rddreg [dreg:$0x1];
	p0 =	sne.s32 s2, $0x0  }
0x38a: {  	s3 =	rddreg [dreg:$0x2];
	[bflag:$0x3] =	sbarrier.arrive $0xFFFF;
	s2 =	simm.s32 @!p0 $0x1C05  }
0x38b: {  	[timem:s3], [sflag:s2] =	dma.local @!p0 [hbm:s0], s1  }
0x38c: {  	s0 =	simm.s32 @!p0 $0x5  }
0x38d: {  	_ =	swait.ge @!p0 [sflag:s0], s1  }
0x38e: {  	s1 =	ssub.s32 @!p0 $0x0, s1;
	[sflag:s0] =	ssyncset.done @!p0 $0x0  }
0x38f: {  	[sflag:s0] =	ssyncadd.s32 @!p0 s1  }
0x390: {  	[bflag:$0x3] =	sbarrier.arrive $0xFFFF  }
0x391: {  	_ =	shalt  }

</sc_bundles>
